<compile_context>
chip_gen: v7x
topology: tpu7x:2x2x1
jax: 0.10.2.dev20260603
libtpu: 0.0.44.dev20260713+nightly
codegen_flags: <defaults>
</compile_context>

<pallas_src>
import jax
import jax.numpy as jnp
from jax import lax
from jax.experimental import pallas as pl
from jax.experimental.pallas import tpu as pltpu
from jax.experimental.pallas import tpu_sc as plsc

_N_FIELDS = 26
_VOCAB = 1000
_EMB = 128
_BATCH = 16384

_NC = 2
_NS = 16
_NW = _NC * _NS
_BPW = _BATCH // _NW
_CHUNK = 64
_NBUF = 8
_NQ = _BPW // _CHUNK


def _sc_body(xt_hbm, tab_hbm, out_hbm, idxv, *rest):
    bufs = rest[:_NBUF]
    ssem = rest[_NBUF]
    gsem = rest[_NBUF + 1:2 * _NBUF + 1]
    wsem = rest[2 * _NBUF + 1:]

    wid = lax.axis_index("s") * _NC + lax.axis_index("c")
    row0 = pl.multiple_of(wid * _BPW, _BPW)

    for i in range(_N_FIELDS):
        pltpu.async_copy(xt_hbm.at[pl.ds(i * _BATCH + row0, _BPW)],
                         idxv.at[i], ssem)
    for i in range(_N_FIELDS):
        pltpu.make_async_copy(xt_hbm.at[pl.ds(0, _BPW)], idxv.at[0],
                              ssem).wait()

    def fill(i, carry):
        off = i * _VOCAB
        for v in range(_BPW // 16):
            sl = pl.ds(v * 16, 16)
            idxv[i, sl] = idxv[i, sl] + off
        return carry

    lax.fori_loop(0, _N_FIELDS, fill, 0)

    def start_gather(i, b):
        pltpu.async_copy(tab_hbm.at[idxv.at[i, pl.ds(b * _CHUNK, _CHUNK)]],
                         bufs[b], gsem[b])

    def wait_gather(b):
        pltpu.make_async_copy(tab_hbm.at[idxv.at[0, pl.ds(0, _CHUNK)]],
                              bufs[b], gsem[b]).wait()

    def out_slice(i, b):
        return out_hbm.at[pl.ds(row0 + b * _CHUNK, _CHUNK),
                          pl.ds(i * _EMB, _EMB)]

    for b in range(_NBUF):
        start_gather(0, b)

    def group(t, carry):
        for b in range(_NBUF):
            wait_gather(b)
            pltpu.async_copy(bufs[b], out_slice(t, b), wsem[b])
        for b in range(_NBUF):
            pltpu.make_async_copy(bufs[b], out_slice(0, 0), wsem[b]).wait()

            @pl.when(t + 1 < _N_FIELDS)
            def _():
                start_gather(t + 1, b)
        return carry

    lax.fori_loop(0, _N_FIELDS, group, 0)


@jax.jit
def _sc_gather(xt, tab):
    mesh = plsc.VectorSubcoreMesh(core_axis_name="c", subcore_axis_name="s")
    run = pl.kernel(
        _sc_body,
        mesh=mesh,
        out_type=jax.ShapeDtypeStruct((_BATCH, _N_FIELDS * _EMB), jnp.float32),
        compiler_params=pltpu.CompilerParams(use_tc_tiling_on_sc=True),
        scratch_types=(
            [pltpu.VMEM((_N_FIELDS, _BPW), jnp.int32)]
            + [pltpu.VMEM((_CHUNK, _EMB), jnp.float32)] * _NBUF
            + [pltpu.SemaphoreType.DMA] * (2 * _NBUF + 1)
        ),
    )
    return run(xt, tab)


def kernel(x, W):
    xt = x.astype(jnp.int32).T.reshape(_BATCH * _N_FIELDS)
    tab = W.reshape(_N_FIELDS * _VOCAB, _EMB)
    return _sc_gather(xt, tab)

# --- scband reference (transcript-rebuilt; emitter-appended) ---
"""Pipeline reference for scband-embedding-layer-30648886624652 (READ-ONLY COPY).

The authoritative reference and input builder live on the scoring server;
editing this copy changes nothing except your own understanding.
"""

import jax, jax.numpy as jnp
import numpy as np

N_FIELDS = 26
VOCAB = 1000
EMB_DIM = 128
BATCH = 16384

def setup_inputs(seed: int = 0) -> dict:
    key = jax.random.key(seed)
    k1, k2 = jax.random.split(key)
    x = jax.random.randint(k1, (BATCH, N_FIELDS), 0, VOCAB, dtype=jnp.int64 if jax.config.jax_enable_x64 else jnp.int32)
    # xavier_normal with relu gain: std = gain * sqrt(2 / (fan_in + fan_out))
    gain = float(np.sqrt(2.0))
    std = gain * float(np.sqrt(2.0 / (VOCAB + EMB_DIM)))
    W = jax.random.normal(k2, (N_FIELDS, VOCAB, EMB_DIM), dtype=jnp.float32) * std
    return {"x": x, "W": W}

def reference(x, W):
    # One embedding table per categorical field; gather then concat along last dim.
    outs = [jnp.take(W[i], x[..., i], axis=0) for i in range(N_FIELDS)]
    return jnp.concatenate(outs, axis=-1)

if __name__ == "__main__":
    import jax
    _d = setup_inputs()
    print(jax.jit(kernel)(*tuple(_d.values())))

</pallas_src>

<mosaic_0001>
#map = affine_map<(d0, d1) -> (0)>
#map1 = affine_map<(d0, d1) -> (0, 0)>
module attributes {stable_mosaic.version = 14 : i64} {
  func.func @_sc_body(%arg0: i32, %arg1: i32, %arg2: memref<425984xi32, #tpu.memory_space<hbm>>, %arg3: memref<26000x128xf32, #tpu.memory_space<hbm>>, %arg4: memref<16384x3328xf32, #tpu.memory_space<hbm>>, %arg5: memref<26x512xi32, #tpu.memory_space<vmem>>, %arg6: memref<64x128xf32, #tpu.memory_space<vmem>>, %arg7: memref<64x128xf32, #tpu.memory_space<vmem>>, %arg8: memref<64x128xf32, #tpu.memory_space<vmem>>, %arg9: memref<64x128xf32, #tpu.memory_space<vmem>>, %arg10: memref<64x128xf32, #tpu.memory_space<vmem>>, %arg11: memref<64x128xf32, #tpu.memory_space<vmem>>, %arg12: memref<64x128xf32, #tpu.memory_space<vmem>>, %arg13: memref<64x128xf32, #tpu.memory_space<vmem>>, %arg14: memref<!tpu.dma_semaphore, #tpu.memory_space<semaphore_mem>>, %arg15: memref<!tpu.dma_semaphore, #tpu.memory_space<semaphore_mem>>, %arg16: memref<!tpu.dma_semaphore, #tpu.memory_space<semaphore_mem>>, %arg17: memref<!tpu.dma_semaphore, #tpu.memory_space<semaphore_mem>>, %arg18: memref<!tpu.dma_semaphore, #tpu.memory_space<semaphore_mem>>, %arg19: memref<!tpu.dma_semaphore, #tpu.memory_space<semaphore_mem>>, %arg20: memref<!tpu.dma_semaphore, #tpu.memory_space<semaphore_mem>>, %arg21: memref<!tpu.dma_semaphore, #tpu.memory_space<semaphore_mem>>, %arg22: memref<!tpu.dma_semaphore, #tpu.memory_space<semaphore_mem>>, %arg23: memref<!tpu.dma_semaphore, #tpu.memory_space<semaphore_mem>>, %arg24: memref<!tpu.dma_semaphore, #tpu.memory_space<semaphore_mem>>, %arg25: memref<!tpu.dma_semaphore, #tpu.memory_space<semaphore_mem>>, %arg26: memref<!tpu.dma_semaphore, #tpu.memory_space<semaphore_mem>>, %arg27: memref<!tpu.dma_semaphore, #tpu.memory_space<semaphore_mem>>, %arg28: memref<!tpu.dma_semaphore, #tpu.memory_space<semaphore_mem>>, %arg29: memref<!tpu.dma_semaphore, #tpu.memory_space<semaphore_mem>>, %arg30: memref<!tpu.dma_semaphore, #tpu.memory_space<semaphore_mem>>) attributes {dimension_semantics = [#tpu.dimension_semantics<core_parallel>, #tpu.dimension_semantics<subcore_parallel>], iteration_bounds = array<i64: 2, 16>, scalar_prefetch = 0 : i64, scratch_operands = 26 : i64, tpu.core_type = #tpu.core_type<sc_vector_subcore>, window_params = [{transform_indices = #map}, {transform_indices = #map1}, {transform_indices = #map1}]} {
    %mul3A = arith.constant 2 : i32
    %mul3A_0 = arith.muli %arg1, %mul3A : i32
    %add3A = arith.addi %mul3A_0, %arg0 : i32
    %mul3A_1 = arith.constant 512 : i32
    %mul3A_2 = arith.muli %add3A, %mul3A_1 : i32
    %multiple_of3A = tpu.assume_multiple %mul3A_2, 512 : i32
    %add3A_3 = arith.constant 0 : i32
    %add3A_4 = arith.addi %add3A_3, %multiple_of3A : i32
    %dma_start3A = arith.constant 0 : i32
    %dma_start3A_5 = arith.constant 0 : i32
    %dma_start3A_6 = tpu.memref_slice %arg5[%dma_start3A, %dma_start3A_5] : memref<26x512xi32, #tpu.memory_space<vmem>> -> memref<1x512xi32, #tpu.memory_space<vmem>>
    %dma_start3A_7 = tpu.memref_squeeze %dma_start3A_6 : memref<1x512xi32, #tpu.memory_space<vmem>> -> memref<512xi32, #tpu.memory_space<vmem>>
    %dma_start3A_8 = tpu.memref_slice %arg2[%add3A_4] : memref<425984xi32, #tpu.memory_space<hbm>> -> memref<512xi32, #tpu.memory_space<hbm>>
    %dma_start3A_9 = arith.constant 0 : i32
    %dma_start3A_10 = tpu.memref_slice %arg5[%dma_start3A, %dma_start3A_9] : memref<26x512xi32, #tpu.memory_space<vmem>> -> memref<1x512xi32, #tpu.memory_space<vmem>>
    %dma_start3A_11 = tpu.memref_squeeze %dma_start3A_10 : memref<1x512xi32, #tpu.memory_space<vmem>> -> memref<512xi32, #tpu.memory_space<vmem>>
    %dma_start3A_12 = tpu.memref_slice %arg2[%add3A_4] : memref<425984xi32, #tpu.memory_space<hbm>> -> memref<512xi32, #tpu.memory_space<hbm>>
    tpu.enqueue_dma source(%dma_start3A_12 : memref<512xi32, #tpu.memory_space<hbm>>) target(%dma_start3A_11 : memref<512xi32, #tpu.memory_space<vmem>>) target_semaphore(%arg14 : memref<!tpu.dma_semaphore, #tpu.memory_space<semaphore_mem>>)
    %add3A_13 = arith.constant 16384 : i32
    %add3A_14 = arith.addi %add3A_13, %multiple_of3A : i32
    %dma_start3A_15 = arith.constant 1 : i32
    %dma_start3A_16 = arith.constant 0 : i32
    %dma_start3A_17 = tpu.memref_slice %arg5[%dma_start3A_15, %dma_start3A_16] : memref<26x512xi32, #tpu.memory_space<vmem>> -> memref<1x512xi32, #tpu.memory_space<vmem>>
    %dma_start3A_18 = tpu.memref_squeeze %dma_start3A_17 : memref<1x512xi32, #tpu.memory_space<vmem>> -> memref<512xi32, #tpu.memory_space<vmem>>
    %dma_start3A_19 = tpu.memref_slice %arg2[%add3A_14] : memref<425984xi32, #tpu.memory_space<hbm>> -> memref<512xi32, #tpu.memory_space<hbm>>
    %dma_start3A_20 = arith.constant 0 : i32
    %dma_start3A_21 = tpu.memref_slice %arg5[%dma_start3A_15, %dma_start3A_20] : memref<26x512xi32, #tpu.memory_space<vmem>> -> memref<1x512xi32, #tpu.memory_space<vmem>>
    %dma_start3A_22 = tpu.memref_squeeze %dma_start3A_21 : memref<1x512xi32, #tpu.memory_space<vmem>> -> memref<512xi32, #tpu.memory_space<vmem>>
    %dma_start3A_23 = tpu.memref_slice %arg2[%add3A_14] : memref<425984xi32, #tpu.memory_space<hbm>> -> memref<512xi32, #tpu.memory_space<hbm>>
    tpu.enqueue_dma source(%dma_start3A_23 : memref<512xi32, #tpu.memory_space<hbm>>) target(%dma_start3A_22 : memref<512xi32, #tpu.memory_space<vmem>>) target_semaphore(%arg14 : memref<!tpu.dma_semaphore, #tpu.memory_space<semaphore_mem>>)
    %add3A_24 = arith.constant 32768 : i32
    %add3A_25 = arith.addi %add3A_24, %multiple_of3A : i32
    %dma_start3A_26 = arith.constant 2 : i32
    %dma_start3A_27 = arith.constant 0 : i32
    %dma_start3A_28 = tpu.memref_slice %arg5[%dma_start3A_26, %dma_start3A_27] : memref<26x512xi32, #tpu.memory_space<vmem>> -> memref<1x512xi32, #tpu.memory_space<vmem>>
    %dma_start3A_29 = tpu.memref_squeeze %dma_start3A_28 : memref<1x512xi32, #tpu.memory_space<vmem>> -> memref<512xi32, #tpu.memory_space<vmem>>
    %dma_start3A_30 = tpu.memref_slice %arg2[%add3A_25] : memref<425984xi32, #tpu.memory_space<hbm>> -> memref<512xi32, #tpu.memory_space<hbm>>
    %dma_start3A_31 = arith.constant 0 : i32
    %dma_start3A_32 = tpu.memref_slice %arg5[%dma_start3A_26, %dma_start3A_31] : memref<26x512xi32, #tpu.memory_space<vmem>> -> memref<1x512xi32, #tpu.memory_space<vmem>>
    %dma_start3A_33 = tpu.memref_squeeze %dma_start3A_32 : memref<1x512xi32, #tpu.memory_space<vmem>> -> memref<512xi32, #tpu.memory_space<vmem>>
    %dma_start3A_34 = tpu.memref_slice %arg2[%add3A_25] : memref<425984xi32, #tpu.memory_space<hbm>> -> memref<512xi32, #tpu.memory_space<hbm>>
    tpu.enqueue_dma source(%dma_start3A_34 : memref<512xi32, #tpu.memory_space<hbm>>) target(%dma_start3A_33 : memref<512xi32, #tpu.memory_space<vmem>>) target_semaphore(%arg14 : memref<!tpu.dma_semaphore, #tpu.memory_space<semaphore_mem>>)
    %add3A_35 = arith.constant 49152 : i32
    %add3A_36 = arith.addi %add3A_35, %multiple_of3A : i32
    %dma_start3A_37 = arith.constant 3 : i32
    %dma_start3A_38 = arith.constant 0 : i32
    %dma_start3A_39 = tpu.memref_slice %arg5[%dma_start3A_37, %dma_start3A_38] : memref<26x512xi32, #tpu.memory_space<vmem>> -> memref<1x512xi32, #tpu.memory_space<vmem>>
    %dma_start3A_40 = tpu.memref_squeeze %dma_start3A_39 : memref<1x512xi32, #tpu.memory_space<vmem>> -> memref<512xi32, #tpu.memory_space<vmem>>
    %dma_start3A_41 = tpu.memref_slice %arg2[%add3A_36] : memref<425984xi32, #tpu.memory_space<hbm>> -> memref<512xi32, #tpu.memory_space<hbm>>
    %dma_start3A_42 = arith.constant 0 : i32
    %dma_start3A_43 = tpu.memref_slice %arg5[%dma_start3A_37, %dma_start3A_42] : memref<26x512xi32, #tpu.memory_space<vmem>> -> memref<1x512xi32, #tpu.memory_space<vmem>>
    %dma_start3A_44 = tpu.memref_squeeze %dma_start3A_43 : memref<1x512xi32, #tpu.memory_space<vmem>> -> memref<512xi32, #tpu.memory_space<vmem>>
    %dma_start3A_45 = tpu.memref_slice %arg2[%add3A_36] : memref<425984xi32, #tpu.memory_space<hbm>> -> memref<512xi32, #tpu.memory_space<hbm>>
    tpu.enqueue_dma source(%dma_start3A_45 : memref<512xi32, #tpu.memory_space<hbm>>) target(%dma_start3A_44 : memref<512xi32, #tpu.memory_space<vmem>>) target_semaphore(%arg14 : memref<!tpu.dma_semaphore, #tpu.memory_space<semaphore_mem>>)
    %add3A_46 = arith.constant 65536 : i32
    %add3A_47 = arith.addi %add3A_46, %multiple_of3A : i32
    %dma_start3A_48 = arith.constant 4 : i32
    %dma_start3A_49 = arith.constant 0 : i32
    %dma_start3A_50 = tpu.memref_slice %arg5[%dma_start3A_48, %dma_start3A_49] : memref<26x512xi32, #tpu.memory_space<vmem>> -> memref<1x512xi32, #tpu.memory_space<vmem>>
    %dma_start3A_51 = tpu.memref_squeeze %dma_start3A_50 : memref<1x512xi32, #tpu.memory_space<vmem>> -> memref<512xi32, #tpu.memory_space<vmem>>
    %dma_start3A_52 = tpu.memref_slice %arg2[%add3A_47] : memref<425984xi32, #tpu.memory_space<hbm>> -> memref<512xi32, #tpu.memory_space<hbm>>
    %dma_start3A_53 = arith.constant 0 : i32
    %dma_start3A_54 = tpu.memref_slice %arg5[%dma_start3A_48, %dma_start3A_53] : memref<26x512xi32, #tpu.memory_space<vmem>> -> memref<1x512xi32, #tpu.memory_space<vmem>>
    %dma_start3A_55 = tpu.memref_squeeze %dma_start3A_54 : memref<1x512xi32, #tpu.memory_space<vmem>> -> memref<512xi32, #tpu.memory_space<vmem>>
    %dma_start3A_56 = tpu.memref_slice %arg2[%add3A_47] : memref<425984xi32, #tpu.memory_space<hbm>> -> memref<512xi32, #tpu.memory_space<hbm>>
    tpu.enqueue_dma source(%dma_start3A_56 : memref<512xi32, #tpu.memory_space<hbm>>) target(%dma_start3A_55 : memref<512xi32, #tpu.memory_space<vmem>>) target_semaphore(%arg14 : memref<!tpu.dma_semaphore, #tpu.memory_space<semaphore_mem>>)
    %add3A_57 = arith.constant 81920 : i32
    %add3A_58 = arith.addi %add3A_57, %multiple_of3A : i32
    %dma_start3A_59 = arith.constant 5 : i32
    %dma_start3A_60 = arith.constant 0 : i32
    %dma_start3A_61 = tpu.memref_slice %arg5[%dma_start3A_59, %dma_start3A_60] : memref<26x512xi32, #tpu.memory_space<vmem>> -> memref<1x512xi32, #tpu.memory_space<vmem>>
    %dma_start3A_62 = tpu.memref_squeeze %dma_start3A_61 : memref<1x512xi32, #tpu.memory_space<vmem>> -> memref<512xi32, #tpu.memory_space<vmem>>
    %dma_start3A_63 = tpu.memref_slice %arg2[%add3A_58] : memref<425984xi32, #tpu.memory_space<hbm>> -> memref<512xi32, #tpu.memory_space<hbm>>
    %dma_start3A_64 = arith.constant 0 : i32
    %dma_start3A_65 = tpu.memref_slice %arg5[%dma_start3A_59, %dma_start3A_64] : memref<26x512xi32, #tpu.memory_space<vmem>> -> memref<1x512xi32, #tpu.memory_space<vmem>>
    %dma_start3A_66 = tpu.memref_squeeze %dma_start3A_65 : memref<1x512xi32, #tpu.memory_space<vmem>> -> memref<512xi32, #tpu.memory_space<vmem>>
    %dma_start3A_67 = tpu.memref_slice %arg2[%add3A_58] : memref<425984xi32, #tpu.memory_space<hbm>> -> memref<512xi32, #tpu.memory_space<hbm>>
    tpu.enqueue_dma source(%dma_start3A_67 : memref<512xi32, #tpu.memory_space<hbm>>) target(%dma_start3A_66 : memref<512xi32, #tpu.memory_space<vmem>>) target_semaphore(%arg14 : memref<!tpu.dma_semaphore, #tpu.memory_space<semaphore_mem>>)
    %add3A_68 = arith.constant 98304 : i32
    %add3A_69 = arith.addi %add3A_68, %multiple_of3A : i32
    %dma_start3A_70 = arith.constant 6 : i32
    %dma_start3A_71 = arith.constant 0 : i32
    %dma_start3A_72 = tpu.memref_slice %arg5[%dma_start3A_70, %dma_start3A_71] : memref<26x512xi32, #tpu.memory_space<vmem>> -> memref<1x512xi32, #tpu.memory_space<vmem>>
    %dma_start3A_73 = tpu.memref_squeeze %dma_start3A_72 : memref<1x512xi32, #tpu.memory_space<vmem>> -> memref<512xi32, #tpu.memory_space<vmem>>
    %dma_start3A_74 = tpu.memref_slice %arg2[%add3A_69] : memref<425984xi32, #tpu.memory_space<hbm>> -> memref<512xi32, #tpu.memory_space<hbm>>
    %dma_start3A_75 = arith.constant 0 : i32
    %dma_start3A_76 = tpu.memref_slice %arg5[%dma_start3A_70, %dma_start3A_75] : memref<26x512xi32, #tpu.memory_space<vmem>> -> memref<1x512xi32, #tpu.memory_space<vmem>>
    %dma_start3A_77 = tpu.memref_squeeze %dma_start3A_76 : memref<1x512xi32, #tpu.memory_space<vmem>> -> memref<512xi32, #tpu.memory_space<vmem>>
    %dma_start3A_78 = tpu.memref_slice %arg2[%add3A_69] : memref<425984xi32, #tpu.memory_space<hbm>> -> memref<512xi32, #tpu.memory_space<hbm>>
    tpu.enqueue_dma source(%dma_start3A_78 : memref<512xi32, #tpu.memory_space<hbm>>) target(%dma_start3A_77 : memref<512xi32, #tpu.memory_space<vmem>>) target_semaphore(%arg14 : memref<!tpu.dma_semaphore, #tpu.memory_space<semaphore_mem>>)
    %add3A_79 = arith.constant 114688 : i32
    %add3A_80 = arith.addi %add3A_79, %multiple_of3A : i32
    %dma_start3A_81 = arith.constant 7 : i32
    %dma_start3A_82 = arith.constant 0 : i32
    %dma_start3A_83 = tpu.memref_slice %arg5[%dma_start3A_81, %dma_start3A_82] : memref<26x512xi32, #tpu.memory_space<vmem>> -> memref<1x512xi32, #tpu.memory_space<vmem>>
    %dma_start3A_84 = tpu.memref_squeeze %dma_start3A_83 : memref<1x512xi32, #tpu.memory_space<vmem>> -> memref<512xi32, #tpu.memory_space<vmem>>
    %dma_start3A_85 = tpu.memref_slice %arg2[%add3A_80] : memref<425984xi32, #tpu.memory_space<hbm>> -> memref<512xi32, #tpu.memory_space<hbm>>
    %dma_start3A_86 = arith.constant 0 : i32
    %dma_start3A_87 = tpu.memref_slice %arg5[%dma_start3A_81, %dma_start3A_86] : memref<26x512xi32, #tpu.memory_space<vmem>> -> memref<1x512xi32, #tpu.memory_space<vmem>>
    %dma_start3A_88 = tpu.memref_squeeze %dma_start3A_87 : memref<1x512xi32, #tpu.memory_space<vmem>> -> memref<512xi32, #tpu.memory_space<vmem>>
    %dma_start3A_89 = tpu.memref_slice %arg2[%add3A_80] : memref<425984xi32, #tpu.memory_space<hbm>> -> memref<512xi32, #tpu.memory_space<hbm>>
    tpu.enqueue_dma source(%dma_start3A_89 : memref<512xi32, #tpu.memory_space<hbm>>) target(%dma_start3A_88 : memref<512xi32, #tpu.memory_space<vmem>>) target_semaphore(%arg14 : memref<!tpu.dma_semaphore, #tpu.memory_space<semaphore_mem>>)
    %add3A_90 = arith.constant 131072 : i32
    %add3A_91 = arith.addi %add3A_90, %multiple_of3A : i32
    %dma_start3A_92 = arith.constant 8 : i32
    %dma_start3A_93 = arith.constant 0 : i32
    %dma_start3A_94 = tpu.memref_slice %arg5[%dma_start3A_92, %dma_start3A_93] : memref<26x512xi32, #tpu.memory_space<vmem>> -> memref<1x512xi32, #tpu.memory_space<vmem>>
    %dma_start3A_95 = tpu.memref_squeeze %dma_start3A_94 : memref<1x512xi32, #tpu.memory_space<vmem>> -> memref<512xi32, #tpu.memory_space<vmem>>
    %dma_start3A_96 = tpu.memref_slice %arg2[%add3A_91] : memref<425984xi32, #tpu.memory_space<hbm>> -> memref<512xi32, #tpu.memory_space<hbm>>
    %dma_start3A_97 = arith.constant 0 : i32
    %dma_start3A_98 = tpu.memref_slice %arg5[%dma_start3A_92, %dma_start3A_97] : memref<26x512xi32, #tpu.memory_space<vmem>> -> memref<1x512xi32, #tpu.memory_space<vmem>>
    %dma_start3A_99 = tpu.memref_squeeze %dma_start3A_98 : memref<1x512xi32, #tpu.memory_space<vmem>> -> memref<512xi32, #tpu.memory_space<vmem>>
    %dma_start3A_100 = tpu.memref_slice %arg2[%add3A_91] : memref<425984xi32, #tpu.memory_space<hbm>> -> memref<512xi32, #tpu.memory_space<hbm>>
    tpu.enqueue_dma source(%dma_start3A_100 : memref<512xi32, #tpu.memory_space<hbm>>) target(%dma_start3A_99 : memref<512xi32, #tpu.memory_space<vmem>>) target_semaphore(%arg14 : memref<!tpu.dma_semaphore, #tpu.memory_space<semaphore_mem>>)
    %add3A_101 = arith.constant 147456 : i32
    %add3A_102 = arith.addi %add3A_101, %multiple_of3A : i32
    %dma_start3A_103 = arith.constant 9 : i32
    %dma_start3A_104 = arith.constant 0 : i32
    %dma_start3A_105 = tpu.memref_slice %arg5[%dma_start3A_103, %dma_start3A_104] : memref<26x512xi32, #tpu.memory_space<vmem>> -> memref<1x512xi32, #tpu.memory_space<vmem>>
    %dma_start3A_106 = tpu.memref_squeeze %dma_start3A_105 : memref<1x512xi32, #tpu.memory_space<vmem>> -> memref<512xi32, #tpu.memory_space<vmem>>
    %dma_start3A_107 = tpu.memref_slice %arg2[%add3A_102] : memref<425984xi32, #tpu.memory_space<hbm>> -> memref<512xi32, #tpu.memory_space<hbm>>
    %dma_start3A_108 = arith.constant 0 : i32
    %dma_start3A_109 = tpu.memref_slice %arg5[%dma_start3A_103, %dma_start3A_108] : memref<26x512xi32, #tpu.memory_space<vmem>> -> memref<1x512xi32, #tpu.memory_space<vmem>>
    %dma_start3A_110 = tpu.memref_squeeze %dma_start3A_109 : memref<1x512xi32, #tpu.memory_space<vmem>> -> memref<512xi32, #tpu.memory_space<vmem>>
    %dma_start3A_111 = tpu.memref_slice %arg2[%add3A_102] : memref<425984xi32, #tpu.memory_space<hbm>> -> memref<512xi32, #tpu.memory_space<hbm>>
    tpu.enqueue_dma source(%dma_start3A_111 : memref<512xi32, #tpu.memory_space<hbm>>) target(%dma_start3A_110 : memref<512xi32, #tpu.memory_space<vmem>>) target_semaphore(%arg14 : memref<!tpu.dma_semaphore, #tpu.memory_space<semaphore_mem>>)
    %add3A_112 = arith.constant 163840 : i32
    %add3A_113 = arith.addi %add3A_112, %multiple_of3A : i32
    %dma_start3A_114 = arith.constant 10 : i32
    %dma_start3A_115 = arith.constant 0 : i32
    %dma_start3A_116 = tpu.memref_slice %arg5[%dma_start3A_114, %dma_start3A_115] : memref<26x512xi32, #tpu.memory_space<vmem>> -> memref<1x512xi32, #tpu.memory_space<vmem>>
    %dma_start3A_117 = tpu.memref_squeeze %dma_start3A_116 : memref<1x512xi32, #tpu.memory_space<vmem>> -> memref<512xi32, #tpu.memory_space<vmem>>
    %dma_start3A_118 = tpu.memref_slice %arg2[%add3A_113] : memref<425984xi32, #tpu.memory_space<hbm>> -> memref<512xi32, #tpu.memory_space<hbm>>
    %dma_start3A_119 = arith.constant 0 : i32
    %dma_start3A_120 = tpu.memref_slice %arg5[%dma_start3A_114, %dma_start3A_119] : memref<26x512xi32, #tpu.memory_space<vmem>> -> memref<1x512xi32, #tpu.memory_space<vmem>>
    %dma_start3A_121 = tpu.memref_squeeze %dma_start3A_120 : memref<1x512xi32, #tpu.memory_space<vmem>> -> memref<512xi32, #tpu.memory_space<vmem>>
    %dma_start3A_122 = tpu.memref_slice %arg2[%add3A_113] : memref<425984xi32, #tpu.memory_space<hbm>> -> memref<512xi32, #tpu.memory_space<hbm>>
    tpu.enqueue_dma source(%dma_start3A_122 : memref<512xi32, #tpu.memory_space<hbm>>) target(%dma_start3A_121 : memref<512xi32, #tpu.memory_space<vmem>>) target_semaphore(%arg14 : memref<!tpu.dma_semaphore, #tpu.memory_space<semaphore_mem>>)
    %add3A_123 = arith.constant 180224 : i32
    %add3A_124 = arith.addi %add3A_123, %multiple_of3A : i32
    %dma_start3A_125 = arith.constant 11 : i32
    %dma_start3A_126 = arith.constant 0 : i32
    %dma_start3A_127 = tpu.memref_slice %arg5[%dma_start3A_125, %dma_start3A_126] : memref<26x512xi32, #tpu.memory_space<vmem>> -> memref<1x512xi32, #tpu.memory_space<vmem>>
    %dma_start3A_128 = tpu.memref_squeeze %dma_start3A_127 : memref<1x512xi32, #tpu.memory_space<vmem>> -> memref<512xi32, #tpu.memory_space<vmem>>
    %dma_start3A_129 = tpu.memref_slice %arg2[%add3A_124] : memref<425984xi32, #tpu.memory_space<hbm>> -> memref<512xi32, #tpu.memory_space<hbm>>
    %dma_start3A_130 = arith.constant 0 : i32
    %dma_start3A_131 = tpu.memref_slice %arg5[%dma_start3A_125, %dma_start3A_130] : memref<26x512xi32, #tpu.memory_space<vmem>> -> memref<1x512xi32, #tpu.memory_space<vmem>>
    %dma_start3A_132 = tpu.memref_squeeze %dma_start3A_131 : memref<1x512xi32, #tpu.memory_space<vmem>> -> memref<512xi32, #tpu.memory_space<vmem>>
    %dma_start3A_133 = tpu.memref_slice %arg2[%add3A_124] : memref<425984xi32, #tpu.memory_space<hbm>> -> memref<512xi32, #tpu.memory_space<hbm>>
    tpu.enqueue_dma source(%dma_start3A_133 : memref<512xi32, #tpu.memory_space<hbm>>) target(%dma_start3A_132 : memref<512xi32, #tpu.memory_space<vmem>>) target_semaphore(%arg14 : memref<!tpu.dma_semaphore, #tpu.memory_space<semaphore_mem>>)
    %add3A_134 = arith.constant 196608 : i32
    %add3A_135 = arith.addi %add3A_134, %multiple_of3A : i32
    %dma_start3A_136 = arith.constant 12 : i32
    %dma_start3A_137 = arith.constant 0 : i32
    %dma_start3A_138 = tpu.memref_slice %arg5[%dma_start3A_136, %dma_start3A_137] : memref<26x512xi32, #tpu.memory_space<vmem>> -> memref<1x512xi32, #tpu.memory_space<vmem>>
    %dma_start3A_139 = tpu.memref_squeeze %dma_start3A_138 : memref<1x512xi32, #tpu.memory_space<vmem>> -> memref<512xi32, #tpu.memory_space<vmem>>
    %dma_start3A_140 = tpu.memref_slice %arg2[%add3A_135] : memref<425984xi32, #tpu.memory_space<hbm>> -> memref<512xi32, #tpu.memory_space<hbm>>
    %dma_start3A_141 = arith.constant 0 : i32
    %dma_start3A_142 = tpu.memref_slice %arg5[%dma_start3A_136, %dma_start3A_141] : memref<26x512xi32, #tpu.memory_space<vmem>> -> memref<1x512xi32, #tpu.memory_space<vmem>>
    %dma_start3A_143 = tpu.memref_squeeze %dma_start3A_142 : memref<1x512xi32, #tpu.memory_space<vmem>> -> memref<512xi32, #tpu.memory_space<vmem>>
    %dma_start3A_144 = tpu.memref_slice %arg2[%add3A_135] : memref<425984xi32, #tpu.memory_space<hbm>> -> memref<512xi32, #tpu.memory_space<hbm>>
    tpu.enqueue_dma source(%dma_start3A_144 : memref<512xi32, #tpu.memory_space<hbm>>) target(%dma_start3A_143 : memref<512xi32, #tpu.memory_space<vmem>>) target_semaphore(%arg14 : memref<!tpu.dma_semaphore, #tpu.memory_space<semaphore_mem>>)
    %add3A_145 = arith.constant 212992 : i32
    %add3A_146 = arith.addi %add3A_145, %multiple_of3A : i32
    %dma_start3A_147 = arith.constant 13 : i32
    %dma_start3A_148 = arith.constant 0 : i32
    %dma_start3A_149 = tpu.memref_slice %arg5[%dma_start3A_147, %dma_start3A_148] : memref<26x512xi32, #tpu.memory_space<vmem>> -> memref<1x512xi32, #tpu.memory_space<vmem>>
    %dma_start3A_150 = tpu.memref_squeeze %dma_start3A_149 : memref<1x512xi32, #tpu.memory_space<vmem>> -> memref<512xi32, #tpu.memory_space<vmem>>
    %dma_start3A_151 = tpu.memref_slice %arg2[%add3A_146] : memref<425984xi32, #tpu.memory_space<hbm>> -> memref<512xi32, #tpu.memory_space<hbm>>
    %dma_start3A_152 = arith.constant 0 : i32
    %dma_start3A_153 = tpu.memref_slice %arg5[%dma_start3A_147, %dma_start3A_152] : memref<26x512xi32, #tpu.memory_space<vmem>> -> memref<1x512xi32, #tpu.memory_space<vmem>>
    %dma_start3A_154 = tpu.memref_squeeze %dma_start3A_153 : memref<1x512xi32, #tpu.memory_space<vmem>> -> memref<512xi32, #tpu.memory_space<vmem>>
    %dma_start3A_155 = tpu.memref_slice %arg2[%add3A_146] : memref<425984xi32, #tpu.memory_space<hbm>> -> memref<512xi32, #tpu.memory_space<hbm>>
    tpu.enqueue_dma source(%dma_start3A_155 : memref<512xi32, #tpu.memory_space<hbm>>) target(%dma_start3A_154 : memref<512xi32, #tpu.memory_space<vmem>>) target_semaphore(%arg14 : memref<!tpu.dma_semaphore, #tpu.memory_space<semaphore_mem>>)
    %add3A_156 = arith.constant 229376 : i32
    %add3A_157 = arith.addi %add3A_156, %multiple_of3A : i32
    %dma_start3A_158 = arith.constant 14 : i32
    %dma_start3A_159 = arith.constant 0 : i32
    %dma_start3A_160 = tpu.memref_slice %arg5[%dma_start3A_158, %dma_start3A_159] : memref<26x512xi32, #tpu.memory_space<vmem>> -> memref<1x512xi32, #tpu.memory_space<vmem>>
    %dma_start3A_161 = tpu.memref_squeeze %dma_start3A_160 : memref<1x512xi32, #tpu.memory_space<vmem>> -> memref<512xi32, #tpu.memory_space<vmem>>
    %dma_start3A_162 = tpu.memref_slice %arg2[%add3A_157] : memref<425984xi32, #tpu.memory_space<hbm>> -> memref<512xi32, #tpu.memory_space<hbm>>
    %dma_start3A_163 = arith.constant 0 : i32
    %dma_start3A_164 = tpu.memref_slice %arg5[%dma_start3A_158, %dma_start3A_163] : memref<26x512xi32, #tpu.memory_space<vmem>> -> memref<1x512xi32, #tpu.memory_space<vmem>>
    %dma_start3A_165 = tpu.memref_squeeze %dma_start3A_164 : memref<1x512xi32, #tpu.memory_space<vmem>> -> memref<512xi32, #tpu.memory_space<vmem>>
    %dma_start3A_166 = tpu.memref_slice %arg2[%add3A_157] : memref<425984xi32, #tpu.memory_space<hbm>> -> memref<512xi32, #tpu.memory_space<hbm>>
    tpu.enqueue_dma source(%dma_start3A_166 : memref<512xi32, #tpu.memory_space<hbm>>) target(%dma_start3A_165 : memref<512xi32, #tpu.memory_space<vmem>>) target_semaphore(%arg14 : memref<!tpu.dma_semaphore, #tpu.memory_space<semaphore_mem>>)
    %add3A_167 = arith.constant 245760 : i32
    %add3A_168 = arith.addi %add3A_167, %multiple_of3A : i32
    %dma_start3A_169 = arith.constant 15 : i32
    %dma_start3A_170 = arith.constant 0 : i32
    %dma_start3A_171 = tpu.memref_slice %arg5[%dma_start3A_169, %dma_start3A_170] : memref<26x512xi32, #tpu.memory_space<vmem>> -> memref<1x512xi32, #tpu.memory_space<vmem>>
    %dma_start3A_172 = tpu.memref_squeeze %dma_start3A_171 : memref<1x512xi32, #tpu.memory_space<vmem>> -> memref<512xi32, #tpu.memory_space<vmem>>
    %dma_start3A_173 = tpu.memref_slice %arg2[%add3A_168] : memref<425984xi32, #tpu.memory_space<hbm>> -> memref<512xi32, #tpu.memory_space<hbm>>
    %dma_start3A_174 = arith.constant 0 : i32
    %dma_start3A_175 = tpu.memref_slice %arg5[%dma_start3A_169, %dma_start3A_174] : memref<26x512xi32, #tpu.memory_space<vmem>> -> memref<1x512xi32, #tpu.memory_space<vmem>>
    %dma_start3A_176 = tpu.memref_squeeze %dma_start3A_175 : memref<1x512xi32, #tpu.memory_space<vmem>> -> memref<512xi32, #tpu.memory_space<vmem>>
    %dma_start3A_177 = tpu.memref_slice %arg2[%add3A_168] : memref<425984xi32, #tpu.memory_space<hbm>> -> memref<512xi32, #tpu.memory_space<hbm>>
    tpu.enqueue_dma source(%dma_start3A_177 : memref<512xi32, #tpu.memory_space<hbm>>) target(%dma_start3A_176 : memref<512xi32, #tpu.memory_space<vmem>>) target_semaphore(%arg14 : memref<!tpu.dma_semaphore, #tpu.memory_space<semaphore_mem>>)
    %add3A_178 = arith.constant 262144 : i32
    %add3A_179 = arith.addi %add3A_178, %multiple_of3A : i32
    %dma_start3A_180 = arith.constant 16 : i32
    %dma_start3A_181 = arith.constant 0 : i32
    %dma_start3A_182 = tpu.memref_slice %arg5[%dma_start3A_180, %dma_start3A_181] : memref<26x512xi32, #tpu.memory_space<vmem>> -> memref<1x512xi32, #tpu.memory_space<vmem>>
    %dma_start3A_183 = tpu.memref_squeeze %dma_start3A_182 : memref<1x512xi32, #tpu.memory_space<vmem>> -> memref<512xi32, #tpu.memory_space<vmem>>
    %dma_start3A_184 = tpu.memref_slice %arg2[%add3A_179] : memref<425984xi32, #tpu.memory_space<hbm>> -> memref<512xi32, #tpu.memory_space<hbm>>
    %dma_start3A_185 = arith.constant 0 : i32
    %dma_start3A_186 = tpu.memref_slice %arg5[%dma_start3A_180, %dma_start3A_185] : memref<26x512xi32, #tpu.memory_space<vmem>> -> memref<1x512xi32, #tpu.memory_space<vmem>>
    %dma_start3A_187 = tpu.memref_squeeze %dma_start3A_186 : memref<1x512xi32, #tpu.memory_space<vmem>> -> memref<512xi32, #tpu.memory_space<vmem>>
    %dma_start3A_188 = tpu.memref_slice %arg2[%add3A_179] : memref<425984xi32, #tpu.memory_space<hbm>> -> memref<512xi32, #tpu.memory_space<hbm>>
    tpu.enqueue_dma source(%dma_start3A_188 : memref<512xi32, #tpu.memory_space<hbm>>) target(%dma_start3A_187 : memref<512xi32, #tpu.memory_space<vmem>>) target_semaphore(%arg14 : memref<!tpu.dma_semaphore, #tpu.memory_space<semaphore_mem>>)
    %add3A_189 = arith.constant 278528 : i32
    %add3A_190 = arith.addi %add3A_189, %multiple_of3A : i32
    %dma_start3A_191 = arith.constant 17 : i32
    %dma_start3A_192 = arith.constant 0 : i32
    %dma_start3A_193 = tpu.memref_slice %arg5[%dma_start3A_191, %dma_start3A_192] : memref<26x512xi32, #tpu.memory_space<vmem>> -> memref<1x512xi32, #tpu.memory_space<vmem>>
    %dma_start3A_194 = tpu.memref_squeeze %dma_start3A_193 : memref<1x512xi32, #tpu.memory_space<vmem>> -> memref<512xi32, #tpu.memory_space<vmem>>
    %dma_start3A_195 = tpu.memref_slice %arg2[%add3A_190] : memref<425984xi32, #tpu.memory_space<hbm>> -> memref<512xi32, #tpu.memory_space<hbm>>
    %dma_start3A_196 = arith.constant 0 : i32
    %dma_start3A_197 = tpu.memref_slice %arg5[%dma_start3A_191, %dma_start3A_196] : memref<26x512xi32, #tpu.memory_space<vmem>> -> memref<1x512xi32, #tpu.memory_space<vmem>>
    %dma_start3A_198 = tpu.memref_squeeze %dma_start3A_197 : memref<1x512xi32, #tpu.memory_space<vmem>> -> memref<512xi32, #tpu.memory_space<vmem>>
    %dma_start3A_199 = tpu.memref_slice %arg2[%add3A_190] : memref<425984xi32, #tpu.memory_space<hbm>> -> memref<512xi32, #tpu.memory_space<hbm>>
    tpu.enqueue_dma source(%dma_start3A_199 : memref<512xi32, #tpu.memory_space<hbm>>) target(%dma_start3A_198 : memref<512xi32, #tpu.memory_space<vmem>>) target_semaphore(%arg14 : memref<!tpu.dma_semaphore, #tpu.memory_space<semaphore_mem>>)
    %add3A_200 = arith.constant 294912 : i32
    %add3A_201 = arith.addi %add3A_200, %multiple_of3A : i32
    %dma_start3A_202 = arith.constant 18 : i32
    %dma_start3A_203 = arith.constant 0 : i32
    %dma_start3A_204 = tpu.memref_slice %arg5[%dma_start3A_202, %dma_start3A_203] : memref<26x512xi32, #tpu.memory_space<vmem>> -> memref<1x512xi32, #tpu.memory_space<vmem>>
    %dma_start3A_205 = tpu.memref_squeeze %dma_start3A_204 : memref<1x512xi32, #tpu.memory_space<vmem>> -> memref<512xi32, #tpu.memory_space<vmem>>
    %dma_start3A_206 = tpu.memref_slice %arg2[%add3A_201] : memref<425984xi32, #tpu.memory_space<hbm>> -> memref<512xi32, #tpu.memory_space<hbm>>
    %dma_start3A_207 = arith.constant 0 : i32
    %dma_start3A_208 = tpu.memref_slice %arg5[%dma_start3A_202, %dma_start3A_207] : memref<26x512xi32, #tpu.memory_space<vmem>> -> memref<1x512xi32, #tpu.memory_space<vmem>>
    %dma_start3A_209 = tpu.memref_squeeze %dma_start3A_208 : memref<1x512xi32, #tpu.memory_space<vmem>> -> memref<512xi32, #tpu.memory_space<vmem>>
    %dma_start3A_210 = tpu.memref_slice %arg2[%add3A_201] : memref<425984xi32, #tpu.memory_space<hbm>> -> memref<512xi32, #tpu.memory_space<hbm>>
    tpu.enqueue_dma source(%dma_start3A_210 : memref<512xi32, #tpu.memory_space<hbm>>) target(%dma_start3A_209 : memref<512xi32, #tpu.memory_space<vmem>>) target_semaphore(%arg14 : memref<!tpu.dma_semaphore, #tpu.memory_space<semaphore_mem>>)
    %add3A_211 = arith.constant 311296 : i32
    %add3A_212 = arith.addi %add3A_211, %multiple_of3A : i32
    %dma_start3A_213 = arith.constant 19 : i32
    %dma_start3A_214 = arith.constant 0 : i32
    %dma_start3A_215 = tpu.memref_slice %arg5[%dma_start3A_213, %dma_start3A_214] : memref<26x512xi32, #tpu.memory_space<vmem>> -> memref<1x512xi32, #tpu.memory_space<vmem>>
    %dma_start3A_216 = tpu.memref_squeeze %dma_start3A_215 : memref<1x512xi32, #tpu.memory_space<vmem>> -> memref<512xi32, #tpu.memory_space<vmem>>
    %dma_start3A_217 = tpu.memref_slice %arg2[%add3A_212] : memref<425984xi32, #tpu.memory_space<hbm>> -> memref<512xi32, #tpu.memory_space<hbm>>
    %dma_start3A_218 = arith.constant 0 : i32
    %dma_start3A_219 = tpu.memref_slice %arg5[%dma_start3A_213, %dma_start3A_218] : memref<26x512xi32, #tpu.memory_space<vmem>> -> memref<1x512xi32, #tpu.memory_space<vmem>>
    %dma_start3A_220 = tpu.memref_squeeze %dma_start3A_219 : memref<1x512xi32, #tpu.memory_space<vmem>> -> memref<512xi32, #tpu.memory_space<vmem>>
    %dma_start3A_221 = tpu.memref_slice %arg2[%add3A_212] : memref<425984xi32, #tpu.memory_space<hbm>> -> memref<512xi32, #tpu.memory_space<hbm>>
    tpu.enqueue_dma source(%dma_start3A_221 : memref<512xi32, #tpu.memory_space<hbm>>) target(%dma_start3A_220 : memref<512xi32, #tpu.memory_space<vmem>>) target_semaphore(%arg14 : memref<!tpu.dma_semaphore, #tpu.memory_space<semaphore_mem>>)
    %add3A_222 = arith.constant 327680 : i32
    %add3A_223 = arith.addi %add3A_222, %multiple_of3A : i32
    %dma_start3A_224 = arith.constant 20 : i32
    %dma_start3A_225 = arith.constant 0 : i32
    %dma_start3A_226 = tpu.memref_slice %arg5[%dma_start3A_224, %dma_start3A_225] : memref<26x512xi32, #tpu.memory_space<vmem>> -> memref<1x512xi32, #tpu.memory_space<vmem>>
    %dma_start3A_227 = tpu.memref_squeeze %dma_start3A_226 : memref<1x512xi32, #tpu.memory_space<vmem>> -> memref<512xi32, #tpu.memory_space<vmem>>
    %dma_start3A_228 = tpu.memref_slice %arg2[%add3A_223] : memref<425984xi32, #tpu.memory_space<hbm>> -> memref<512xi32, #tpu.memory_space<hbm>>
    %dma_start3A_229 = arith.constant 0 : i32
    %dma_start3A_230 = tpu.memref_slice %arg5[%dma_start3A_224, %dma_start3A_229] : memref<26x512xi32, #tpu.memory_space<vmem>> -> memref<1x512xi32, #tpu.memory_space<vmem>>
    %dma_start3A_231 = tpu.memref_squeeze %dma_start3A_230 : memref<1x512xi32, #tpu.memory_space<vmem>> -> memref<512xi32, #tpu.memory_space<vmem>>
    %dma_start3A_232 = tpu.memref_slice %arg2[%add3A_223] : memref<425984xi32, #tpu.memory_space<hbm>> -> memref<512xi32, #tpu.memory_space<hbm>>
    tpu.enqueue_dma source(%dma_start3A_232 : memref<512xi32, #tpu.memory_space<hbm>>) target(%dma_start3A_231 : memref<512xi32, #tpu.memory_space<vmem>>) target_semaphore(%arg14 : memref<!tpu.dma_semaphore, #tpu.memory_space<semaphore_mem>>)
    %add3A_233 = arith.constant 344064 : i32
    %add3A_234 = arith.addi %add3A_233, %multiple_of3A : i32
    %dma_start3A_235 = arith.constant 21 : i32
    %dma_start3A_236 = arith.constant 0 : i32
    %dma_start3A_237 = tpu.memref_slice %arg5[%dma_start3A_235, %dma_start3A_236] : memref<26x512xi32, #tpu.memory_space<vmem>> -> memref<1x512xi32, #tpu.memory_space<vmem>>
    %dma_start3A_238 = tpu.memref_squeeze %dma_start3A_237 : memref<1x512xi32, #tpu.memory_space<vmem>> -> memref<512xi32, #tpu.memory_space<vmem>>
    %dma_start3A_239 = tpu.memref_slice %arg2[%add3A_234] : memref<425984xi32, #tpu.memory_space<hbm>> -> memref<512xi32, #tpu.memory_space<hbm>>
    %dma_start3A_240 = arith.constant 0 : i32
    %dma_start3A_241 = tpu.memref_slice %arg5[%dma_start3A_235, %dma_start3A_240] : memref<26x512xi32, #tpu.memory_space<vmem>> -> memref<1x512xi32, #tpu.memory_space<vmem>>
    %dma_start3A_242 = tpu.memref_squeeze %dma_start3A_241 : memref<1x512xi32, #tpu.memory_space<vmem>> -> memref<512xi32, #tpu.memory_space<vmem>>
    %dma_start3A_243 = tpu.memref_slice %arg2[%add3A_234] : memref<425984xi32, #tpu.memory_space<hbm>> -> memref<512xi32, #tpu.memory_space<hbm>>
    tpu.enqueue_dma source(%dma_start3A_243 : memref<512xi32, #tpu.memory_space<hbm>>) target(%dma_start3A_242 : memref<512xi32, #tpu.memory_space<vmem>>) target_semaphore(%arg14 : memref<!tpu.dma_semaphore, #tpu.memory_space<semaphore_mem>>)
    %add3A_244 = arith.constant 360448 : i32
    %add3A_245 = arith.addi %add3A_244, %multiple_of3A : i32
    %dma_start3A_246 = arith.constant 22 : i32
    %dma_start3A_247 = arith.constant 0 : i32
    %dma_start3A_248 = tpu.memref_slice %arg5[%dma_start3A_246, %dma_start3A_247] : memref<26x512xi32, #tpu.memory_space<vmem>> -> memref<1x512xi32, #tpu.memory_space<vmem>>
    %dma_start3A_249 = tpu.memref_squeeze %dma_start3A_248 : memref<1x512xi32, #tpu.memory_space<vmem>> -> memref<512xi32, #tpu.memory_space<vmem>>
    %dma_start3A_250 = tpu.memref_slice %arg2[%add3A_245] : memref<425984xi32, #tpu.memory_space<hbm>> -> memref<512xi32, #tpu.memory_space<hbm>>
    %dma_start3A_251 = arith.constant 0 : i32
    %dma_start3A_252 = tpu.memref_slice %arg5[%dma_start3A_246, %dma_start3A_251] : memref<26x512xi32, #tpu.memory_space<vmem>> -> memref<1x512xi32, #tpu.memory_space<vmem>>
    %dma_start3A_253 = tpu.memref_squeeze %dma_start3A_252 : memref<1x512xi32, #tpu.memory_space<vmem>> -> memref<512xi32, #tpu.memory_space<vmem>>
    %dma_start3A_254 = tpu.memref_slice %arg2[%add3A_245] : memref<425984xi32, #tpu.memory_space<hbm>> -> memref<512xi32, #tpu.memory_space<hbm>>
    tpu.enqueue_dma source(%dma_start3A_254 : memref<512xi32, #tpu.memory_space<hbm>>) target(%dma_start3A_253 : memref<512xi32, #tpu.memory_space<vmem>>) target_semaphore(%arg14 : memref<!tpu.dma_semaphore, #tpu.memory_space<semaphore_mem>>)
    %add3A_255 = arith.constant 376832 : i32
    %add3A_256 = arith.addi %add3A_255, %multiple_of3A : i32
    %dma_start3A_257 = arith.constant 23 : i32
    %dma_start3A_258 = arith.constant 0 : i32
    %dma_start3A_259 = tpu.memref_slice %arg5[%dma_start3A_257, %dma_start3A_258] : memref<26x512xi32, #tpu.memory_space<vmem>> -> memref<1x512xi32, #tpu.memory_space<vmem>>
    %dma_start3A_260 = tpu.memref_squeeze %dma_start3A_259 : memref<1x512xi32, #tpu.memory_space<vmem>> -> memref<512xi32, #tpu.memory_space<vmem>>
    %dma_start3A_261 = tpu.memref_slice %arg2[%add3A_256] : memref<425984xi32, #tpu.memory_space<hbm>> -> memref<512xi32, #tpu.memory_space<hbm>>
    %dma_start3A_262 = arith.constant 0 : i32
    %dma_start3A_263 = tpu.memref_slice %arg5[%dma_start3A_257, %dma_start3A_262] : memref<26x512xi32, #tpu.memory_space<vmem>> -> memref<1x512xi32, #tpu.memory_space<vmem>>
    %dma_start3A_264 = tpu.memref_squeeze %dma_start3A_263 : memref<1x512xi32, #tpu.memory_space<vmem>> -> memref<512xi32, #tpu.memory_space<vmem>>
    %dma_start3A_265 = tpu.memref_slice %arg2[%add3A_256] : memref<425984xi32, #tpu.memory_space<hbm>> -> memref<512xi32, #tpu.memory_space<hbm>>
    tpu.enqueue_dma source(%dma_start3A_265 : memref<512xi32, #tpu.memory_space<hbm>>) target(%dma_start3A_264 : memref<512xi32, #tpu.memory_space<vmem>>) target_semaphore(%arg14 : memref<!tpu.dma_semaphore, #tpu.memory_space<semaphore_mem>>)
    %add3A_266 = arith.constant 393216 : i32
    %add3A_267 = arith.addi %add3A_266, %multiple_of3A : i32
    %dma_start3A_268 = arith.constant 24 : i32
    %dma_start3A_269 = arith.constant 0 : i32
    %dma_start3A_270 = tpu.memref_slice %arg5[%dma_start3A_268, %dma_start3A_269] : memref<26x512xi32, #tpu.memory_space<vmem>> -> memref<1x512xi32, #tpu.memory_space<vmem>>
    %dma_start3A_271 = tpu.memref_squeeze %dma_start3A_270 : memref<1x512xi32, #tpu.memory_space<vmem>> -> memref<512xi32, #tpu.memory_space<vmem>>
    %dma_start3A_272 = tpu.memref_slice %arg2[%add3A_267] : memref<425984xi32, #tpu.memory_space<hbm>> -> memref<512xi32, #tpu.memory_space<hbm>>
    %dma_start3A_273 = arith.constant 0 : i32
    %dma_start3A_274 = tpu.memref_slice %arg5[%dma_start3A_268, %dma_start3A_273] : memref<26x512xi32, #tpu.memory_space<vmem>> -> memref<1x512xi32, #tpu.memory_space<vmem>>
    %dma_start3A_275 = tpu.memref_squeeze %dma_start3A_274 : memref<1x512xi32, #tpu.memory_space<vmem>> -> memref<512xi32, #tpu.memory_space<vmem>>
    %dma_start3A_276 = tpu.memref_slice %arg2[%add3A_267] : memref<425984xi32, #tpu.memory_space<hbm>> -> memref<512xi32, #tpu.memory_space<hbm>>
    tpu.enqueue_dma source(%dma_start3A_276 : memref<512xi32, #tpu.memory_space<hbm>>) target(%dma_start3A_275 : memref<512xi32, #tpu.memory_space<vmem>>) target_semaphore(%arg14 : memref<!tpu.dma_semaphore, #tpu.memory_space<semaphore_mem>>)
    %add3A_277 = arith.constant 409600 : i32
    %add3A_278 = arith.addi %add3A_277, %multiple_of3A : i32
    %dma_start3A_279 = arith.constant 25 : i32
    %dma_start3A_280 = arith.constant 0 : i32
    %dma_start3A_281 = tpu.memref_slice %arg5[%dma_start3A_279, %dma_start3A_280] : memref<26x512xi32, #tpu.memory_space<vmem>> -> memref<1x512xi32, #tpu.memory_space<vmem>>
    %dma_start3A_282 = tpu.memref_squeeze %dma_start3A_281 : memref<1x512xi32, #tpu.memory_space<vmem>> -> memref<512xi32, #tpu.memory_space<vmem>>
    %dma_start3A_283 = tpu.memref_slice %arg2[%add3A_278] : memref<425984xi32, #tpu.memory_space<hbm>> -> memref<512xi32, #tpu.memory_space<hbm>>
    %dma_start3A_284 = arith.constant 0 : i32
    %dma_start3A_285 = tpu.memref_slice %arg5[%dma_start3A_279, %dma_start3A_284] : memref<26x512xi32, #tpu.memory_space<vmem>> -> memref<1x512xi32, #tpu.memory_space<vmem>>
    %dma_start3A_286 = tpu.memref_squeeze %dma_start3A_285 : memref<1x512xi32, #tpu.memory_space<vmem>> -> memref<512xi32, #tpu.memory_space<vmem>>
    %dma_start3A_287 = tpu.memref_slice %arg2[%add3A_278] : memref<425984xi32, #tpu.memory_space<hbm>> -> memref<512xi32, #tpu.memory_space<hbm>>
    tpu.enqueue_dma source(%dma_start3A_287 : memref<512xi32, #tpu.memory_space<hbm>>) target(%dma_start3A_286 : memref<512xi32, #tpu.memory_space<vmem>>) target_semaphore(%arg14 : memref<!tpu.dma_semaphore, #tpu.memory_space<semaphore_mem>>)
    %dma_wait3A = arith.constant 0 : i32
    %dma_wait3A_288 = arith.constant 0 : i32
    %dma_wait3A_289 = tpu.memref_slice %arg5[%dma_wait3A, %dma_wait3A_288] : memref<26x512xi32, #tpu.memory_space<vmem>> -> memref<1x512xi32, #tpu.memory_space<vmem>>
    %dma_wait3A_290 = tpu.memref_squeeze %dma_wait3A_289 : memref<1x512xi32, #tpu.memory_space<vmem>> -> memref<512xi32, #tpu.memory_space<vmem>>
    %dma_wait3A_291 = arith.constant 0 : i32
    %dma_wait3A_292 = tpu.memref_slice %arg2[%dma_wait3A_291] : memref<425984xi32, #tpu.memory_space<hbm>> -> memref<512xi32, #tpu.memory_space<hbm>>
    %dma_wait3A_293 = arith.constant 0 : i32
    %dma_wait3A_294 = tpu.memref_slice %arg5[%dma_wait3A, %dma_wait3A_293] : memref<26x512xi32, #tpu.memory_space<vmem>> -> memref<1x512xi32, #tpu.memory_space<vmem>>
    %dma_wait3A_295 = tpu.memref_squeeze %dma_wait3A_294 : memref<1x512xi32, #tpu.memory_space<vmem>> -> memref<512xi32, #tpu.memory_space<vmem>>
    %dma_wait3A_296 = arith.constant 0 : i32
    %dma_wait3A_297 = tpu.memref_slice %arg2[%dma_wait3A_296] : memref<425984xi32, #tpu.memory_space<hbm>> -> memref<512xi32, #tpu.memory_space<hbm>>
    tpu.wait_dma2 semaphore(%arg14 : memref<!tpu.dma_semaphore, #tpu.memory_space<semaphore_mem>>) src(%dma_wait3A_297 : memref<512xi32, #tpu.memory_space<hbm>>) dst(%dma_wait3A_295 : memref<512xi32, #tpu.memory_space<vmem>>)
    %dma_wait3A_298 = arith.constant 0 : i32
    %dma_wait3A_299 = arith.constant 0 : i32
    %dma_wait3A_300 = tpu.memref_slice %arg5[%dma_wait3A_298, %dma_wait3A_299] : memref<26x512xi32, #tpu.memory_space<vmem>> -> memref<1x512xi32, #tpu.memory_space<vmem>>
    %dma_wait3A_301 = tpu.memref_squeeze %dma_wait3A_300 : memref<1x512xi32, #tpu.memory_space<vmem>> -> memref<512xi32, #tpu.memory_space<vmem>>
    %dma_wait3A_302 = arith.constant 0 : i32
    %dma_wait3A_303 = tpu.memref_slice %arg2[%dma_wait3A_302] : memref<425984xi32, #tpu.memory_space<hbm>> -> memref<512xi32, #tpu.memory_space<hbm>>
    %dma_wait3A_304 = arith.constant 0 : i32
    %dma_wait3A_305 = tpu.memref_slice %arg5[%dma_wait3A_298, %dma_wait3A_304] : memref<26x512xi32, #tpu.memory_space<vmem>> -> memref<1x512xi32, #tpu.memory_space<vmem>>
    %dma_wait3A_306 = tpu.memref_squeeze %dma_wait3A_305 : memref<1x512xi32, #tpu.memory_space<vmem>> -> memref<512xi32, #tpu.memory_space<vmem>>
    %dma_wait3A_307 = arith.constant 0 : i32
    %dma_wait3A_308 = tpu.memref_slice %arg2[%dma_wait3A_307] : memref<425984xi32, #tpu.memory_space<hbm>> -> memref<512xi32, #tpu.memory_space<hbm>>
    tpu.wait_dma2 semaphore(%arg14 : memref<!tpu.dma_semaphore, #tpu.memory_space<semaphore_mem>>) src(%dma_wait3A_308 : memref<512xi32, #tpu.memory_space<hbm>>) dst(%dma_wait3A_306 : memref<512xi32, #tpu.memory_space<vmem>>)
    %dma_wait3A_309 = arith.constant 0 : i32
    %dma_wait3A_310 = arith.constant 0 : i32
    %dma_wait3A_311 = tpu.memref_slice %arg5[%dma_wait3A_309, %dma_wait3A_310] : memref<26x512xi32, #tpu.memory_space<vmem>> -> memref<1x512xi32, #tpu.memory_space<vmem>>
    %dma_wait3A_312 = tpu.memref_squeeze %dma_wait3A_311 : memref<1x512xi32, #tpu.memory_space<vmem>> -> memref<512xi32, #tpu.memory_space<vmem>>
    %dma_wait3A_313 = arith.constant 0 : i32
    %dma_wait3A_314 = tpu.memref_slice %arg2[%dma_wait3A_313] : memref<425984xi32, #tpu.memory_space<hbm>> -> memref<512xi32, #tpu.memory_space<hbm>>
    %dma_wait3A_315 = arith.constant 0 : i32
    %dma_wait3A_316 = tpu.memref_slice %arg5[%dma_wait3A_309, %dma_wait3A_315] : memref<26x512xi32, #tpu.memory_space<vmem>> -> memref<1x512xi32, #tpu.memory_space<vmem>>
    %dma_wait3A_317 = tpu.memref_squeeze %dma_wait3A_316 : memref<1x512xi32, #tpu.memory_space<vmem>> -> memref<512xi32, #tpu.memory_space<vmem>>
    %dma_wait3A_318 = arith.constant 0 : i32
    %dma_wait3A_319 = tpu.memref_slice %arg2[%dma_wait3A_318] : memref<425984xi32, #tpu.memory_space<hbm>> -> memref<512xi32, #tpu.memory_space<hbm>>
    tpu.wait_dma2 semaphore(%arg14 : memref<!tpu.dma_semaphore, #tpu.memory_space<semaphore_mem>>) src(%dma_wait3A_319 : memref<512xi32, #tpu.memory_space<hbm>>) dst(%dma_wait3A_317 : memref<512xi32, #tpu.memory_space<vmem>>)
    %dma_wait3A_320 = arith.constant 0 : i32
    %dma_wait3A_321 = arith.constant 0 : i32
    %dma_wait3A_322 = tpu.memref_slice %arg5[%dma_wait3A_320, %dma_wait3A_321] : memref<26x512xi32, #tpu.memory_space<vmem>> -> memref<1x512xi32, #tpu.memory_space<vmem>>
    %dma_wait3A_323 = tpu.memref_squeeze %dma_wait3A_322 : memref<1x512xi32, #tpu.memory_space<vmem>> -> memref<512xi32, #tpu.memory_space<vmem>>
    %dma_wait3A_324 = arith.constant 0 : i32
    %dma_wait3A_325 = tpu.memref_slice %arg2[%dma_wait3A_324] : memref<425984xi32, #tpu.memory_space<hbm>> -> memref<512xi32, #tpu.memory_space<hbm>>
    %dma_wait3A_326 = arith.constant 0 : i32
    %dma_wait3A_327 = tpu.memref_slice %arg5[%dma_wait3A_320, %dma_wait3A_326] : memref<26x512xi32, #tpu.memory_space<vmem>> -> memref<1x512xi32, #tpu.memory_space<vmem>>
    %dma_wait3A_328 = tpu.memref_squeeze %dma_wait3A_327 : memref<1x512xi32, #tpu.memory_space<vmem>> -> memref<512xi32, #tpu.memory_space<vmem>>
    %dma_wait3A_329 = arith.constant 0 : i32
    %dma_wait3A_330 = tpu.memref_slice %arg2[%dma_wait3A_329] : memref<425984xi32, #tpu.memory_space<hbm>> -> memref<512xi32, #tpu.memory_space<hbm>>
    tpu.wait_dma2 semaphore(%arg14 : memref<!tpu.dma_semaphore, #tpu.memory_space<semaphore_mem>>) src(%dma_wait3A_330 : memref<512xi32, #tpu.memory_space<hbm>>) dst(%dma_wait3A_328 : memref<512xi32, #tpu.memory_space<vmem>>)
    %dma_wait3A_331 = arith.constant 0 : i32
    %dma_wait3A_332 = arith.constant 0 : i32
    %dma_wait3A_333 = tpu.memref_slice %arg5[%dma_wait3A_331, %dma_wait3A_332] : memref<26x512xi32, #tpu.memory_space<vmem>> -> memref<1x512xi32, #tpu.memory_space<vmem>>
    %dma_wait3A_334 = tpu.memref_squeeze %dma_wait3A_333 : memref<1x512xi32, #tpu.memory_space<vmem>> -> memref<512xi32, #tpu.memory_space<vmem>>
    %dma_wait3A_335 = arith.constant 0 : i32
    %dma_wait3A_336 = tpu.memref_slice %arg2[%dma_wait3A_335] : memref<425984xi32, #tpu.memory_space<hbm>> -> memref<512xi32, #tpu.memory_space<hbm>>
    %dma_wait3A_337 = arith.constant 0 : i32
    %dma_wait3A_338 = tpu.memref_slice %arg5[%dma_wait3A_331, %dma_wait3A_337] : memref<26x512xi32, #tpu.memory_space<vmem>> -> memref<1x512xi32, #tpu.memory_space<vmem>>
    %dma_wait3A_339 = tpu.memref_squeeze %dma_wait3A_338 : memref<1x512xi32, #tpu.memory_space<vmem>> -> memref<512xi32, #tpu.memory_space<vmem>>
    %dma_wait3A_340 = arith.constant 0 : i32
    %dma_wait3A_341 = tpu.memref_slice %arg2[%dma_wait3A_340] : memref<425984xi32, #tpu.memory_space<hbm>> -> memref<512xi32, #tpu.memory_space<hbm>>
    tpu.wait_dma2 semaphore(%arg14 : memref<!tpu.dma_semaphore, #tpu.memory_space<semaphore_mem>>) src(%dma_wait3A_341 : memref<512xi32, #tpu.memory_space<hbm>>) dst(%dma_wait3A_339 : memref<512xi32, #tpu.memory_space<vmem>>)
    %dma_wait3A_342 = arith.constant 0 : i32
    %dma_wait3A_343 = arith.constant 0 : i32
    %dma_wait3A_344 = tpu.memref_slice %arg5[%dma_wait3A_342, %dma_wait3A_343] : memref<26x512xi32, #tpu.memory_space<vmem>> -> memref<1x512xi32, #tpu.memory_space<vmem>>
    %dma_wait3A_345 = tpu.memref_squeeze %dma_wait3A_344 : memref<1x512xi32, #tpu.memory_space<vmem>> -> memref<512xi32, #tpu.memory_space<vmem>>
    %dma_wait3A_346 = arith.constant 0 : i32
    %dma_wait3A_347 = tpu.memref_slice %arg2[%dma_wait3A_346] : memref<425984xi32, #tpu.memory_space<hbm>> -> memref<512xi32, #tpu.memory_space<hbm>>
    %dma_wait3A_348 = arith.constant 0 : i32
    %dma_wait3A_349 = tpu.memref_slice %arg5[%dma_wait3A_342, %dma_wait3A_348] : memref<26x512xi32, #tpu.memory_space<vmem>> -> memref<1x512xi32, #tpu.memory_space<vmem>>
    %dma_wait3A_350 = tpu.memref_squeeze %dma_wait3A_349 : memref<1x512xi32, #tpu.memory_space<vmem>> -> memref<512xi32, #tpu.memory_space<vmem>>
    %dma_wait3A_351 = arith.constant 0 : i32
    %dma_wait3A_352 = tpu.memref_slice %arg2[%dma_wait3A_351] : memref<425984xi32, #tpu.memory_space<hbm>> -> memref<512xi32, #tpu.memory_space<hbm>>
    tpu.wait_dma2 semaphore(%arg14 : memref<!tpu.dma_semaphore, #tpu.memory_space<semaphore_mem>>) src(%dma_wait3A_352 : memref<512xi32, #tpu.memory_space<hbm>>) dst(%dma_wait3A_350 : memref<512xi32, #tpu.memory_space<vmem>>)
    %dma_wait3A_353 = arith.constant 0 : i32
    %dma_wait3A_354 = arith.constant 0 : i32
    %dma_wait3A_355 = tpu.memref_slice %arg5[%dma_wait3A_353, %dma_wait3A_354] : memref<26x512xi32, #tpu.memory_space<vmem>> -> memref<1x512xi32, #tpu.memory_space<vmem>>
    %dma_wait3A_356 = tpu.memref_squeeze %dma_wait3A_355 : memref<1x512xi32, #tpu.memory_space<vmem>> -> memref<512xi32, #tpu.memory_space<vmem>>
    %dma_wait3A_357 = arith.constant 0 : i32
    %dma_wait3A_358 = tpu.memref_slice %arg2[%dma_wait3A_357] : memref<425984xi32, #tpu.memory_space<hbm>> -> memref<512xi32, #tpu.memory_space<hbm>>
    %dma_wait3A_359 = arith.constant 0 : i32
    %dma_wait3A_360 = tpu.memref_slice %arg5[%dma_wait3A_353, %dma_wait3A_359] : memref<26x512xi32, #tpu.memory_space<vmem>> -> memref<1x512xi32, #tpu.memory_space<vmem>>
    %dma_wait3A_361 = tpu.memref_squeeze %dma_wait3A_360 : memref<1x512xi32, #tpu.memory_space<vmem>> -> memref<512xi32, #tpu.memory_space<vmem>>
    %dma_wait3A_362 = arith.constant 0 : i32
    %dma_wait3A_363 = tpu.memref_slice %arg2[%dma_wait3A_362] : memref<425984xi32, #tpu.memory_space<hbm>> -> memref<512xi32, #tpu.memory_space<hbm>>
    tpu.wait_dma2 semaphore(%arg14 : memref<!tpu.dma_semaphore, #tpu.memory_space<semaphore_mem>>) src(%dma_wait3A_363 : memref<512xi32, #tpu.memory_space<hbm>>) dst(%dma_wait3A_361 : memref<512xi32, #tpu.memory_space<vmem>>)
    %dma_wait3A_364 = arith.constant 0 : i32
    %dma_wait3A_365 = arith.constant 0 : i32
    %dma_wait3A_366 = tpu.memref_slice %arg5[%dma_wait3A_364, %dma_wait3A_365] : memref<26x512xi32, #tpu.memory_space<vmem>> -> memref<1x512xi32, #tpu.memory_space<vmem>>
    %dma_wait3A_367 = tpu.memref_squeeze %dma_wait3A_366 : memref<1x512xi32, #tpu.memory_space<vmem>> -> memref<512xi32, #tpu.memory_space<vmem>>
    %dma_wait3A_368 = arith.constant 0 : i32
    %dma_wait3A_369 = tpu.memref_slice %arg2[%dma_wait3A_368] : memref<425984xi32, #tpu.memory_space<hbm>> -> memref<512xi32, #tpu.memory_space<hbm>>
    %dma_wait3A_370 = arith.constant 0 : i32
    %dma_wait3A_371 = tpu.memref_slice %arg5[%dma_wait3A_364, %dma_wait3A_370] : memref<26x512xi32, #tpu.memory_space<vmem>> -> memref<1x512xi32, #tpu.memory_space<vmem>>
    %dma_wait3A_372 = tpu.memref_squeeze %dma_wait3A_371 : memref<1x512xi32, #tpu.memory_space<vmem>> -> memref<512xi32, #tpu.memory_space<vmem>>
    %dma_wait3A_373 = arith.constant 0 : i32
    %dma_wait3A_374 = tpu.memref_slice %arg2[%dma_wait3A_373] : memref<425984xi32, #tpu.memory_space<hbm>> -> memref<512xi32, #tpu.memory_space<hbm>>
    tpu.wait_dma2 semaphore(%arg14 : memref<!tpu.dma_semaphore, #tpu.memory_space<semaphore_mem>>) src(%dma_wait3A_374 : memref<512xi32, #tpu.memory_space<hbm>>) dst(%dma_wait3A_372 : memref<512xi32, #tpu.memory_space<vmem>>)
    %dma_wait3A_375 = arith.constant 0 : i32
    %dma_wait3A_376 = arith.constant 0 : i32
    %dma_wait3A_377 = tpu.memref_slice %arg5[%dma_wait3A_375, %dma_wait3A_376] : memref<26x512xi32, #tpu.memory_space<vmem>> -> memref<1x512xi32, #tpu.memory_space<vmem>>
    %dma_wait3A_378 = tpu.memref_squeeze %dma_wait3A_377 : memref<1x512xi32, #tpu.memory_space<vmem>> -> memref<512xi32, #tpu.memory_space<vmem>>
    %dma_wait3A_379 = arith.constant 0 : i32
    %dma_wait3A_380 = tpu.memref_slice %arg2[%dma_wait3A_379] : memref<425984xi32, #tpu.memory_space<hbm>> -> memref<512xi32, #tpu.memory_space<hbm>>
    %dma_wait3A_381 = arith.constant 0 : i32
    %dma_wait3A_382 = tpu.memref_slice %arg5[%dma_wait3A_375, %dma_wait3A_381] : memref<26x512xi32, #tpu.memory_space<vmem>> -> memref<1x512xi32, #tpu.memory_space<vmem>>
    %dma_wait3A_383 = tpu.memref_squeeze %dma_wait3A_382 : memref<1x512xi32, #tpu.memory_space<vmem>> -> memref<512xi32, #tpu.memory_space<vmem>>
    %dma_wait3A_384 = arith.constant 0 : i32
    %dma_wait3A_385 = tpu.memref_slice %arg2[%dma_wait3A_384] : memref<425984xi32, #tpu.memory_space<hbm>> -> memref<512xi32, #tpu.memory_space<hbm>>
    tpu.wait_dma2 semaphore(%arg14 : memref<!tpu.dma_semaphore, #tpu.memory_space<semaphore_mem>>) src(%dma_wait3A_385 : memref<512xi32, #tpu.memory_space<hbm>>) dst(%dma_wait3A_383 : memref<512xi32, #tpu.memory_space<vmem>>)
    %dma_wait3A_386 = arith.constant 0 : i32
    %dma_wait3A_387 = arith.constant 0 : i32
    %dma_wait3A_388 = tpu.memref_slice %arg5[%dma_wait3A_386, %dma_wait3A_387] : memref<26x512xi32, #tpu.memory_space<vmem>> -> memref<1x512xi32, #tpu.memory_space<vmem>>
    %dma_wait3A_389 = tpu.memref_squeeze %dma_wait3A_388 : memref<1x512xi32, #tpu.memory_space<vmem>> -> memref<512xi32, #tpu.memory_space<vmem>>
    %dma_wait3A_390 = arith.constant 0 : i32
    %dma_wait3A_391 = tpu.memref_slice %arg2[%dma_wait3A_390] : memref<425984xi32, #tpu.memory_space<hbm>> -> memref<512xi32, #tpu.memory_space<hbm>>
    %dma_wait3A_392 = arith.constant 0 : i32
    %dma_wait3A_393 = tpu.memref_slice %arg5[%dma_wait3A_386, %dma_wait3A_392] : memref<26x512xi32, #tpu.memory_space<vmem>> -> memref<1x512xi32, #tpu.memory_space<vmem>>
    %dma_wait3A_394 = tpu.memref_squeeze %dma_wait3A_393 : memref<1x512xi32, #tpu.memory_space<vmem>> -> memref<512xi32, #tpu.memory_space<vmem>>
    %dma_wait3A_395 = arith.constant 0 : i32
    %dma_wait3A_396 = tpu.memref_slice %arg2[%dma_wait3A_395] : memref<425984xi32, #tpu.memory_space<hbm>> -> memref<512xi32, #tpu.memory_space<hbm>>
    tpu.wait_dma2 semaphore(%arg14 : memref<!tpu.dma_semaphore, #tpu.memory_space<semaphore_mem>>) src(%dma_wait3A_396 : memref<512xi32, #tpu.memory_space<hbm>>) dst(%dma_wait3A_394 : memref<512xi32, #tpu.memory_space<vmem>>)
    %dma_wait3A_397 = arith.constant 0 : i32
    %dma_wait3A_398 = arith.constant 0 : i32
    %dma_wait3A_399 = tpu.memref_slice %arg5[%dma_wait3A_397, %dma_wait3A_398] : memref<26x512xi32, #tpu.memory_space<vmem>> -> memref<1x512xi32, #tpu.memory_space<vmem>>
    %dma_wait3A_400 = tpu.memref_squeeze %dma_wait3A_399 : memref<1x512xi32, #tpu.memory_space<vmem>> -> memref<512xi32, #tpu.memory_space<vmem>>
    %dma_wait3A_401 = arith.constant 0 : i32
    %dma_wait3A_402 = tpu.memref_slice %arg2[%dma_wait3A_401] : memref<425984xi32, #tpu.memory_space<hbm>> -> memref<512xi32, #tpu.memory_space<hbm>>
    %dma_wait3A_403 = arith.constant 0 : i32
    %dma_wait3A_404 = tpu.memref_slice %arg5[%dma_wait3A_397, %dma_wait3A_403] : memref<26x512xi32, #tpu.memory_space<vmem>> -> memref<1x512xi32, #tpu.memory_space<vmem>>
    %dma_wait3A_405 = tpu.memref_squeeze %dma_wait3A_404 : memref<1x512xi32, #tpu.memory_space<vmem>> -> memref<512xi32, #tpu.memory_space<vmem>>
    %dma_wait3A_406 = arith.constant 0 : i32
    %dma_wait3A_407 = tpu.memref_slice %arg2[%dma_wait3A_406] : memref<425984xi32, #tpu.memory_space<hbm>> -> memref<512xi32, #tpu.memory_space<hbm>>
    tpu.wait_dma2 semaphore(%arg14 : memref<!tpu.dma_semaphore, #tpu.memory_space<semaphore_mem>>) src(%dma_wait3A_407 : memref<512xi32, #tpu.memory_space<hbm>>) dst(%dma_wait3A_405 : memref<512xi32, #tpu.memory_space<vmem>>)
    %dma_wait3A_408 = arith.constant 0 : i32
    %dma_wait3A_409 = arith.constant 0 : i32
    %dma_wait3A_410 = tpu.memref_slice %arg5[%dma_wait3A_408, %dma_wait3A_409] : memref<26x512xi32, #tpu.memory_space<vmem>> -> memref<1x512xi32, #tpu.memory_space<vmem>>
    %dma_wait3A_411 = tpu.memref_squeeze %dma_wait3A_410 : memref<1x512xi32, #tpu.memory_space<vmem>> -> memref<512xi32, #tpu.memory_space<vmem>>
    %dma_wait3A_412 = arith.constant 0 : i32
    %dma_wait3A_413 = tpu.memref_slice %arg2[%dma_wait3A_412] : memref<425984xi32, #tpu.memory_space<hbm>> -> memref<512xi32, #tpu.memory_space<hbm>>
    %dma_wait3A_414 = arith.constant 0 : i32
    %dma_wait3A_415 = tpu.memref_slice %arg5[%dma_wait3A_408, %dma_wait3A_414] : memref<26x512xi32, #tpu.memory_space<vmem>> -> memref<1x512xi32, #tpu.memory_space<vmem>>
    %dma_wait3A_416 = tpu.memref_squeeze %dma_wait3A_415 : memref<1x512xi32, #tpu.memory_space<vmem>> -> memref<512xi32, #tpu.memory_space<vmem>>
    %dma_wait3A_417 = arith.constant 0 : i32
    %dma_wait3A_418 = tpu.memref_slice %arg2[%dma_wait3A_417] : memref<425984xi32, #tpu.memory_space<hbm>> -> memref<512xi32, #tpu.memory_space<hbm>>
    tpu.wait_dma2 semaphore(%arg14 : memref<!tpu.dma_semaphore, #tpu.memory_space<semaphore_mem>>) src(%dma_wait3A_418 : memref<512xi32, #tpu.memory_space<hbm>>) dst(%dma_wait3A_416 : memref<512xi32, #tpu.memory_space<vmem>>)
    %dma_wait3A_419 = arith.constant 0 : i32
    %dma_wait3A_420 = arith.constant 0 : i32
    %dma_wait3A_421 = tpu.memref_slice %arg5[%dma_wait3A_419, %dma_wait3A_420] : memref<26x512xi32, #tpu.memory_space<vmem>> -> memref<1x512xi32, #tpu.memory_space<vmem>>
    %dma_wait3A_422 = tpu.memref_squeeze %dma_wait3A_421 : memref<1x512xi32, #tpu.memory_space<vmem>> -> memref<512xi32, #tpu.memory_space<vmem>>
    %dma_wait3A_423 = arith.constant 0 : i32
    %dma_wait3A_424 = tpu.memref_slice %arg2[%dma_wait3A_423] : memref<425984xi32, #tpu.memory_space<hbm>> -> memref<512xi32, #tpu.memory_space<hbm>>
    %dma_wait3A_425 = arith.constant 0 : i32
    %dma_wait3A_426 = tpu.memref_slice %arg5[%dma_wait3A_419, %dma_wait3A_425] : memref<26x512xi32, #tpu.memory_space<vmem>> -> memref<1x512xi32, #tpu.memory_space<vmem>>
    %dma_wait3A_427 = tpu.memref_squeeze %dma_wait3A_426 : memref<1x512xi32, #tpu.memory_space<vmem>> -> memref<512xi32, #tpu.memory_space<vmem>>
    %dma_wait3A_428 = arith.constant 0 : i32
    %dma_wait3A_429 = tpu.memref_slice %arg2[%dma_wait3A_428] : memref<425984xi32, #tpu.memory_space<hbm>> -> memref<512xi32, #tpu.memory_space<hbm>>
    tpu.wait_dma2 semaphore(%arg14 : memref<!tpu.dma_semaphore, #tpu.memory_space<semaphore_mem>>) src(%dma_wait3A_429 : memref<512xi32, #tpu.memory_space<hbm>>) dst(%dma_wait3A_427 : memref<512xi32, #tpu.memory_space<vmem>>)
    %dma_wait3A_430 = arith.constant 0 : i32
    %dma_wait3A_431 = arith.constant 0 : i32
    %dma_wait3A_432 = tpu.memref_slice %arg5[%dma_wait3A_430, %dma_wait3A_431] : memref<26x512xi32, #tpu.memory_space<vmem>> -> memref<1x512xi32, #tpu.memory_space<vmem>>
    %dma_wait3A_433 = tpu.memref_squeeze %dma_wait3A_432 : memref<1x512xi32, #tpu.memory_space<vmem>> -> memref<512xi32, #tpu.memory_space<vmem>>
    %dma_wait3A_434 = arith.constant 0 : i32
    %dma_wait3A_435 = tpu.memref_slice %arg2[%dma_wait3A_434] : memref<425984xi32, #tpu.memory_space<hbm>> -> memref<512xi32, #tpu.memory_space<hbm>>
    %dma_wait3A_436 = arith.constant 0 : i32
    %dma_wait3A_437 = tpu.memref_slice %arg5[%dma_wait3A_430, %dma_wait3A_436] : memref<26x512xi32, #tpu.memory_space<vmem>> -> memref<1x512xi32, #tpu.memory_space<vmem>>
    %dma_wait3A_438 = tpu.memref_squeeze %dma_wait3A_437 : memref<1x512xi32, #tpu.memory_space<vmem>> -> memref<512xi32, #tpu.memory_space<vmem>>
    %dma_wait3A_439 = arith.constant 0 : i32
    %dma_wait3A_440 = tpu.memref_slice %arg2[%dma_wait3A_439] : memref<425984xi32, #tpu.memory_space<hbm>> -> memref<512xi32, #tpu.memory_space<hbm>>
    tpu.wait_dma2 semaphore(%arg14 : memref<!tpu.dma_semaphore, #tpu.memory_space<semaphore_mem>>) src(%dma_wait3A_440 : memref<512xi32, #tpu.memory_space<hbm>>) dst(%dma_wait3A_438 : memref<512xi32, #tpu.memory_space<vmem>>)
    %dma_wait3A_441 = arith.constant 0 : i32
    %dma_wait3A_442 = arith.constant 0 : i32
    %dma_wait3A_443 = tpu.memref_slice %arg5[%dma_wait3A_441, %dma_wait3A_442] : memref<26x512xi32, #tpu.memory_space<vmem>> -> memref<1x512xi32, #tpu.memory_space<vmem>>
    %dma_wait3A_444 = tpu.memref_squeeze %dma_wait3A_443 : memref<1x512xi32, #tpu.memory_space<vmem>> -> memref<512xi32, #tpu.memory_space<vmem>>
    %dma_wait3A_445 = arith.constant 0 : i32
    %dma_wait3A_446 = tpu.memref_slice %arg2[%dma_wait3A_445] : memref<425984xi32, #tpu.memory_space<hbm>> -> memref<512xi32, #tpu.memory_space<hbm>>
    %dma_wait3A_447 = arith.constant 0 : i32
    %dma_wait3A_448 = tpu.memref_slice %arg5[%dma_wait3A_441, %dma_wait3A_447] : memref<26x512xi32, #tpu.memory_space<vmem>> -> memref<1x512xi32, #tpu.memory_space<vmem>>
    %dma_wait3A_449 = tpu.memref_squeeze %dma_wait3A_448 : memref<1x512xi32, #tpu.memory_space<vmem>> -> memref<512xi32, #tpu.memory_space<vmem>>
    %dma_wait3A_450 = arith.constant 0 : i32
    %dma_wait3A_451 = tpu.memref_slice %arg2[%dma_wait3A_450] : memref<425984xi32, #tpu.memory_space<hbm>> -> memref<512xi32, #tpu.memory_space<hbm>>
    tpu.wait_dma2 semaphore(%arg14 : memref<!tpu.dma_semaphore, #tpu.memory_space<semaphore_mem>>) src(%dma_wait3A_451 : memref<512xi32, #tpu.memory_space<hbm>>) dst(%dma_wait3A_449 : memref<512xi32, #tpu.memory_space<vmem>>)
    %dma_wait3A_452 = arith.constant 0 : i32
    %dma_wait3A_453 = arith.constant 0 : i32
    %dma_wait3A_454 = tpu.memref_slice %arg5[%dma_wait3A_452, %dma_wait3A_453] : memref<26x512xi32, #tpu.memory_space<vmem>> -> memref<1x512xi32, #tpu.memory_space<vmem>>
    %dma_wait3A_455 = tpu.memref_squeeze %dma_wait3A_454 : memref<1x512xi32, #tpu.memory_space<vmem>> -> memref<512xi32, #tpu.memory_space<vmem>>
    %dma_wait3A_456 = arith.constant 0 : i32
    %dma_wait3A_457 = tpu.memref_slice %arg2[%dma_wait3A_456] : memref<425984xi32, #tpu.memory_space<hbm>> -> memref<512xi32, #tpu.memory_space<hbm>>
    %dma_wait3A_458 = arith.constant 0 : i32
    %dma_wait3A_459 = tpu.memref_slice %arg5[%dma_wait3A_452, %dma_wait3A_458] : memref<26x512xi32, #tpu.memory_space<vmem>> -> memref<1x512xi32, #tpu.memory_space<vmem>>
    %dma_wait3A_460 = tpu.memref_squeeze %dma_wait3A_459 : memref<1x512xi32, #tpu.memory_space<vmem>> -> memref<512xi32, #tpu.memory_space<vmem>>
    %dma_wait3A_461 = arith.constant 0 : i32
    %dma_wait3A_462 = tpu.memref_slice %arg2[%dma_wait3A_461] : memref<425984xi32, #tpu.memory_space<hbm>> -> memref<512xi32, #tpu.memory_space<hbm>>
    tpu.wait_dma2 semaphore(%arg14 : memref<!tpu.dma_semaphore, #tpu.memory_space<semaphore_mem>>) src(%dma_wait3A_462 : memref<512xi32, #tpu.memory_space<hbm>>) dst(%dma_wait3A_460 : memref<512xi32, #tpu.memory_space<vmem>>)
    %dma_wait3A_463 = arith.constant 0 : i32
    %dma_wait3A_464 = arith.constant 0 : i32
    %dma_wait3A_465 = tpu.memref_slice %arg5[%dma_wait3A_463, %dma_wait3A_464] : memref<26x512xi32, #tpu.memory_space<vmem>> -> memref<1x512xi32, #tpu.memory_space<vmem>>
    %dma_wait3A_466 = tpu.memref_squeeze %dma_wait3A_465 : memref<1x512xi32, #tpu.memory_space<vmem>> -> memref<512xi32, #tpu.memory_space<vmem>>
    %dma_wait3A_467 = arith.constant 0 : i32
    %dma_wait3A_468 = tpu.memref_slice %arg2[%dma_wait3A_467] : memref<425984xi32, #tpu.memory_space<hbm>> -> memref<512xi32, #tpu.memory_space<hbm>>
    %dma_wait3A_469 = arith.constant 0 : i32
    %dma_wait3A_470 = tpu.memref_slice %arg5[%dma_wait3A_463, %dma_wait3A_469] : memref<26x512xi32, #tpu.memory_space<vmem>> -> memref<1x512xi32, #tpu.memory_space<vmem>>
    %dma_wait3A_471 = tpu.memref_squeeze %dma_wait3A_470 : memref<1x512xi32, #tpu.memory_space<vmem>> -> memref<512xi32, #tpu.memory_space<vmem>>
    %dma_wait3A_472 = arith.constant 0 : i32
    %dma_wait3A_473 = tpu.memref_slice %arg2[%dma_wait3A_472] : memref<425984xi32, #tpu.memory_space<hbm>> -> memref<512xi32, #tpu.memory_space<hbm>>
    tpu.wait_dma2 semaphore(%arg14 : memref<!tpu.dma_semaphore, #tpu.memory_space<semaphore_mem>>) src(%dma_wait3A_473 : memref<512xi32, #tpu.memory_space<hbm>>) dst(%dma_wait3A_471 : memref<512xi32, #tpu.memory_space<vmem>>)
    %dma_wait3A_474 = arith.constant 0 : i32
    %dma_wait3A_475 = arith.constant 0 : i32
    %dma_wait3A_476 = tpu.memref_slice %arg5[%dma_wait3A_474, %dma_wait3A_475] : memref<26x512xi32, #tpu.memory_space<vmem>> -> memref<1x512xi32, #tpu.memory_space<vmem>>
    %dma_wait3A_477 = tpu.memref_squeeze %dma_wait3A_476 : memref<1x512xi32, #tpu.memory_space<vmem>> -> memref<512xi32, #tpu.memory_space<vmem>>
    %dma_wait3A_478 = arith.constant 0 : i32
    %dma_wait3A_479 = tpu.memref_slice %arg2[%dma_wait3A_478] : memref<425984xi32, #tpu.memory_space<hbm>> -> memref<512xi32, #tpu.memory_space<hbm>>
    %dma_wait3A_480 = arith.constant 0 : i32
    %dma_wait3A_481 = tpu.memref_slice %arg5[%dma_wait3A_474, %dma_wait3A_480] : memref<26x512xi32, #tpu.memory_space<vmem>> -> memref<1x512xi32, #tpu.memory_space<vmem>>
    %dma_wait3A_482 = tpu.memref_squeeze %dma_wait3A_481 : memref<1x512xi32, #tpu.memory_space<vmem>> -> memref<512xi32, #tpu.memory_space<vmem>>
    %dma_wait3A_483 = arith.constant 0 : i32
    %dma_wait3A_484 = tpu.memref_slice %arg2[%dma_wait3A_483] : memref<425984xi32, #tpu.memory_space<hbm>> -> memref<512xi32, #tpu.memory_space<hbm>>
    tpu.wait_dma2 semaphore(%arg14 : memref<!tpu.dma_semaphore, #tpu.memory_space<semaphore_mem>>) src(%dma_wait3A_484 : memref<512xi32, #tpu.memory_space<hbm>>) dst(%dma_wait3A_482 : memref<512xi32, #tpu.memory_space<vmem>>)
    %dma_wait3A_485 = arith.constant 0 : i32
    %dma_wait3A_486 = arith.constant 0 : i32
    %dma_wait3A_487 = tpu.memref_slice %arg5[%dma_wait3A_485, %dma_wait3A_486] : memref<26x512xi32, #tpu.memory_space<vmem>> -> memref<1x512xi32, #tpu.memory_space<vmem>>
    %dma_wait3A_488 = tpu.memref_squeeze %dma_wait3A_487 : memref<1x512xi32, #tpu.memory_space<vmem>> -> memref<512xi32, #tpu.memory_space<vmem>>
    %dma_wait3A_489 = arith.constant 0 : i32
    %dma_wait3A_490 = tpu.memref_slice %arg2[%dma_wait3A_489] : memref<425984xi32, #tpu.memory_space<hbm>> -> memref<512xi32, #tpu.memory_space<hbm>>
    %dma_wait3A_491 = arith.constant 0 : i32
    %dma_wait3A_492 = tpu.memref_slice %arg5[%dma_wait3A_485, %dma_wait3A_491] : memref<26x512xi32, #tpu.memory_space<vmem>> -> memref<1x512xi32, #tpu.memory_space<vmem>>
    %dma_wait3A_493 = tpu.memref_squeeze %dma_wait3A_492 : memref<1x512xi32, #tpu.memory_space<vmem>> -> memref<512xi32, #tpu.memory_space<vmem>>
    %dma_wait3A_494 = arith.constant 0 : i32
    %dma_wait3A_495 = tpu.memref_slice %arg2[%dma_wait3A_494] : memref<425984xi32, #tpu.memory_space<hbm>> -> memref<512xi32, #tpu.memory_space<hbm>>
    tpu.wait_dma2 semaphore(%arg14 : memref<!tpu.dma_semaphore, #tpu.memory_space<semaphore_mem>>) src(%dma_wait3A_495 : memref<512xi32, #tpu.memory_space<hbm>>) dst(%dma_wait3A_493 : memref<512xi32, #tpu.memory_space<vmem>>)
    %dma_wait3A_496 = arith.constant 0 : i32
    %dma_wait3A_497 = arith.constant 0 : i32
    %dma_wait3A_498 = tpu.memref_slice %arg5[%dma_wait3A_496, %dma_wait3A_497] : memref<26x512xi32, #tpu.memory_space<vmem>> -> memref<1x512xi32, #tpu.memory_space<vmem>>
    %dma_wait3A_499 = tpu.memref_squeeze %dma_wait3A_498 : memref<1x512xi32, #tpu.memory_space<vmem>> -> memref<512xi32, #tpu.memory_space<vmem>>
    %dma_wait3A_500 = arith.constant 0 : i32
    %dma_wait3A_501 = tpu.memref_slice %arg2[%dma_wait3A_500] : memref<425984xi32, #tpu.memory_space<hbm>> -> memref<512xi32, #tpu.memory_space<hbm>>
    %dma_wait3A_502 = arith.constant 0 : i32
    %dma_wait3A_503 = tpu.memref_slice %arg5[%dma_wait3A_496, %dma_wait3A_502] : memref<26x512xi32, #tpu.memory_space<vmem>> -> memref<1x512xi32, #tpu.memory_space<vmem>>
    %dma_wait3A_504 = tpu.memref_squeeze %dma_wait3A_503 : memref<1x512xi32, #tpu.memory_space<vmem>> -> memref<512xi32, #tpu.memory_space<vmem>>
    %dma_wait3A_505 = arith.constant 0 : i32
    %dma_wait3A_506 = tpu.memref_slice %arg2[%dma_wait3A_505] : memref<425984xi32, #tpu.memory_space<hbm>> -> memref<512xi32, #tpu.memory_space<hbm>>
    tpu.wait_dma2 semaphore(%arg14 : memref<!tpu.dma_semaphore, #tpu.memory_space<semaphore_mem>>) src(%dma_wait3A_506 : memref<512xi32, #tpu.memory_space<hbm>>) dst(%dma_wait3A_504 : memref<512xi32, #tpu.memory_space<vmem>>)
    %dma_wait3A_507 = arith.constant 0 : i32
    %dma_wait3A_508 = arith.constant 0 : i32
    %dma_wait3A_509 = tpu.memref_slice %arg5[%dma_wait3A_507, %dma_wait3A_508] : memref<26x512xi32, #tpu.memory_space<vmem>> -> memref<1x512xi32, #tpu.memory_space<vmem>>
    %dma_wait3A_510 = tpu.memref_squeeze %dma_wait3A_509 : memref<1x512xi32, #tpu.memory_space<vmem>> -> memref<512xi32, #tpu.memory_space<vmem>>
    %dma_wait3A_511 = arith.constant 0 : i32
    %dma_wait3A_512 = tpu.memref_slice %arg2[%dma_wait3A_511] : memref<425984xi32, #tpu.memory_space<hbm>> -> memref<512xi32, #tpu.memory_space<hbm>>
    %dma_wait3A_513 = arith.constant 0 : i32
    %dma_wait3A_514 = tpu.memref_slice %arg5[%dma_wait3A_507, %dma_wait3A_513] : memref<26x512xi32, #tpu.memory_space<vmem>> -> memref<1x512xi32, #tpu.memory_space<vmem>>
    %dma_wait3A_515 = tpu.memref_squeeze %dma_wait3A_514 : memref<1x512xi32, #tpu.memory_space<vmem>> -> memref<512xi32, #tpu.memory_space<vmem>>
    %dma_wait3A_516 = arith.constant 0 : i32
    %dma_wait3A_517 = tpu.memref_slice %arg2[%dma_wait3A_516] : memref<425984xi32, #tpu.memory_space<hbm>> -> memref<512xi32, #tpu.memory_space<hbm>>
    tpu.wait_dma2 semaphore(%arg14 : memref<!tpu.dma_semaphore, #tpu.memory_space<semaphore_mem>>) src(%dma_wait3A_517 : memref<512xi32, #tpu.memory_space<hbm>>) dst(%dma_wait3A_515 : memref<512xi32, #tpu.memory_space<vmem>>)
    %dma_wait3A_518 = arith.constant 0 : i32
    %dma_wait3A_519 = arith.constant 0 : i32
    %dma_wait3A_520 = tpu.memref_slice %arg5[%dma_wait3A_518, %dma_wait3A_519] : memref<26x512xi32, #tpu.memory_space<vmem>> -> memref<1x512xi32, #tpu.memory_space<vmem>>
    %dma_wait3A_521 = tpu.memref_squeeze %dma_wait3A_520 : memref<1x512xi32, #tpu.memory_space<vmem>> -> memref<512xi32, #tpu.memory_space<vmem>>
    %dma_wait3A_522 = arith.constant 0 : i32
    %dma_wait3A_523 = tpu.memref_slice %arg2[%dma_wait3A_522] : memref<425984xi32, #tpu.memory_space<hbm>> -> memref<512xi32, #tpu.memory_space<hbm>>
    %dma_wait3A_524 = arith.constant 0 : i32
    %dma_wait3A_525 = tpu.memref_slice %arg5[%dma_wait3A_518, %dma_wait3A_524] : memref<26x512xi32, #tpu.memory_space<vmem>> -> memref<1x512xi32, #tpu.memory_space<vmem>>
    %dma_wait3A_526 = tpu.memref_squeeze %dma_wait3A_525 : memref<1x512xi32, #tpu.memory_space<vmem>> -> memref<512xi32, #tpu.memory_space<vmem>>
    %dma_wait3A_527 = arith.constant 0 : i32
    %dma_wait3A_528 = tpu.memref_slice %arg2[%dma_wait3A_527] : memref<425984xi32, #tpu.memory_space<hbm>> -> memref<512xi32, #tpu.memory_space<hbm>>
    tpu.wait_dma2 semaphore(%arg14 : memref<!tpu.dma_semaphore, #tpu.memory_space<semaphore_mem>>) src(%dma_wait3A_528 : memref<512xi32, #tpu.memory_space<hbm>>) dst(%dma_wait3A_526 : memref<512xi32, #tpu.memory_space<vmem>>)
    %dma_wait3A_529 = arith.constant 0 : i32
    %dma_wait3A_530 = arith.constant 0 : i32
    %dma_wait3A_531 = tpu.memref_slice %arg5[%dma_wait3A_529, %dma_wait3A_530] : memref<26x512xi32, #tpu.memory_space<vmem>> -> memref<1x512xi32, #tpu.memory_space<vmem>>
    %dma_wait3A_532 = tpu.memref_squeeze %dma_wait3A_531 : memref<1x512xi32, #tpu.memory_space<vmem>> -> memref<512xi32, #tpu.memory_space<vmem>>
    %dma_wait3A_533 = arith.constant 0 : i32
    %dma_wait3A_534 = tpu.memref_slice %arg2[%dma_wait3A_533] : memref<425984xi32, #tpu.memory_space<hbm>> -> memref<512xi32, #tpu.memory_space<hbm>>
    %dma_wait3A_535 = arith.constant 0 : i32
    %dma_wait3A_536 = tpu.memref_slice %arg5[%dma_wait3A_529, %dma_wait3A_535] : memref<26x512xi32, #tpu.memory_space<vmem>> -> memref<1x512xi32, #tpu.memory_space<vmem>>
    %dma_wait3A_537 = tpu.memref_squeeze %dma_wait3A_536 : memref<1x512xi32, #tpu.memory_space<vmem>> -> memref<512xi32, #tpu.memory_space<vmem>>
    %dma_wait3A_538 = arith.constant 0 : i32
    %dma_wait3A_539 = tpu.memref_slice %arg2[%dma_wait3A_538] : memref<425984xi32, #tpu.memory_space<hbm>> -> memref<512xi32, #tpu.memory_space<hbm>>
    tpu.wait_dma2 semaphore(%arg14 : memref<!tpu.dma_semaphore, #tpu.memory_space<semaphore_mem>>) src(%dma_wait3A_539 : memref<512xi32, #tpu.memory_space<hbm>>) dst(%dma_wait3A_537 : memref<512xi32, #tpu.memory_space<vmem>>)
    %dma_wait3A_540 = arith.constant 0 : i32
    %dma_wait3A_541 = arith.constant 0 : i32
    %dma_wait3A_542 = tpu.memref_slice %arg5[%dma_wait3A_540, %dma_wait3A_541] : memref<26x512xi32, #tpu.memory_space<vmem>> -> memref<1x512xi32, #tpu.memory_space<vmem>>
    %dma_wait3A_543 = tpu.memref_squeeze %dma_wait3A_542 : memref<1x512xi32, #tpu.memory_space<vmem>> -> memref<512xi32, #tpu.memory_space<vmem>>
    %dma_wait3A_544 = arith.constant 0 : i32
    %dma_wait3A_545 = tpu.memref_slice %arg2[%dma_wait3A_544] : memref<425984xi32, #tpu.memory_space<hbm>> -> memref<512xi32, #tpu.memory_space<hbm>>
    %dma_wait3A_546 = arith.constant 0 : i32
    %dma_wait3A_547 = tpu.memref_slice %arg5[%dma_wait3A_540, %dma_wait3A_546] : memref<26x512xi32, #tpu.memory_space<vmem>> -> memref<1x512xi32, #tpu.memory_space<vmem>>
    %dma_wait3A_548 = tpu.memref_squeeze %dma_wait3A_547 : memref<1x512xi32, #tpu.memory_space<vmem>> -> memref<512xi32, #tpu.memory_space<vmem>>
    %dma_wait3A_549 = arith.constant 0 : i32
    %dma_wait3A_550 = tpu.memref_slice %arg2[%dma_wait3A_549] : memref<425984xi32, #tpu.memory_space<hbm>> -> memref<512xi32, #tpu.memory_space<hbm>>
    tpu.wait_dma2 semaphore(%arg14 : memref<!tpu.dma_semaphore, #tpu.memory_space<semaphore_mem>>) src(%dma_wait3A_550 : memref<512xi32, #tpu.memory_space<hbm>>) dst(%dma_wait3A_548 : memref<512xi32, #tpu.memory_space<vmem>>)
    %dma_wait3A_551 = arith.constant 0 : i32
    %dma_wait3A_552 = arith.constant 0 : i32
    %dma_wait3A_553 = tpu.memref_slice %arg5[%dma_wait3A_551, %dma_wait3A_552] : memref<26x512xi32, #tpu.memory_space<vmem>> -> memref<1x512xi32, #tpu.memory_space<vmem>>
    %dma_wait3A_554 = tpu.memref_squeeze %dma_wait3A_553 : memref<1x512xi32, #tpu.memory_space<vmem>> -> memref<512xi32, #tpu.memory_space<vmem>>
    %dma_wait3A_555 = arith.constant 0 : i32
    %dma_wait3A_556 = tpu.memref_slice %arg2[%dma_wait3A_555] : memref<425984xi32, #tpu.memory_space<hbm>> -> memref<512xi32, #tpu.memory_space<hbm>>
    %dma_wait3A_557 = arith.constant 0 : i32
    %dma_wait3A_558 = tpu.memref_slice %arg5[%dma_wait3A_551, %dma_wait3A_557] : memref<26x512xi32, #tpu.memory_space<vmem>> -> memref<1x512xi32, #tpu.memory_space<vmem>>
    %dma_wait3A_559 = tpu.memref_squeeze %dma_wait3A_558 : memref<1x512xi32, #tpu.memory_space<vmem>> -> memref<512xi32, #tpu.memory_space<vmem>>
    %dma_wait3A_560 = arith.constant 0 : i32
    %dma_wait3A_561 = tpu.memref_slice %arg2[%dma_wait3A_560] : memref<425984xi32, #tpu.memory_space<hbm>> -> memref<512xi32, #tpu.memory_space<hbm>>
    tpu.wait_dma2 semaphore(%arg14 : memref<!tpu.dma_semaphore, #tpu.memory_space<semaphore_mem>>) src(%dma_wait3A_561 : memref<512xi32, #tpu.memory_space<hbm>>) dst(%dma_wait3A_559 : memref<512xi32, #tpu.memory_space<vmem>>)
    %dma_wait3A_562 = arith.constant 0 : i32
    %dma_wait3A_563 = arith.constant 0 : i32
    %dma_wait3A_564 = tpu.memref_slice %arg5[%dma_wait3A_562, %dma_wait3A_563] : memref<26x512xi32, #tpu.memory_space<vmem>> -> memref<1x512xi32, #tpu.memory_space<vmem>>
    %dma_wait3A_565 = tpu.memref_squeeze %dma_wait3A_564 : memref<1x512xi32, #tpu.memory_space<vmem>> -> memref<512xi32, #tpu.memory_space<vmem>>
    %dma_wait3A_566 = arith.constant 0 : i32
    %dma_wait3A_567 = tpu.memref_slice %arg2[%dma_wait3A_566] : memref<425984xi32, #tpu.memory_space<hbm>> -> memref<512xi32, #tpu.memory_space<hbm>>
    %dma_wait3A_568 = arith.constant 0 : i32
    %dma_wait3A_569 = tpu.memref_slice %arg5[%dma_wait3A_562, %dma_wait3A_568] : memref<26x512xi32, #tpu.memory_space<vmem>> -> memref<1x512xi32, #tpu.memory_space<vmem>>
    %dma_wait3A_570 = tpu.memref_squeeze %dma_wait3A_569 : memref<1x512xi32, #tpu.memory_space<vmem>> -> memref<512xi32, #tpu.memory_space<vmem>>
    %dma_wait3A_571 = arith.constant 0 : i32
    %dma_wait3A_572 = tpu.memref_slice %arg2[%dma_wait3A_571] : memref<425984xi32, #tpu.memory_space<hbm>> -> memref<512xi32, #tpu.memory_space<hbm>>
    tpu.wait_dma2 semaphore(%arg14 : memref<!tpu.dma_semaphore, #tpu.memory_space<semaphore_mem>>) src(%dma_wait3A_572 : memref<512xi32, #tpu.memory_space<hbm>>) dst(%dma_wait3A_570 : memref<512xi32, #tpu.memory_space<vmem>>)
    %scan3A = arith.constant 0 : i32
    %scan3A_573 = arith.constant 0 : i32
    %scan3A_574 = arith.constant 26 : i32
    %scan3A_575 = arith.addi %scan3A_573, %scan3A_574 : i32
    %scan3A_576 = arith.constant 1 : i32
    scf.for %scan3A_640 = %scan3A_573 to %scan3A_575 step %scan3A_576  : i32 {
      %mul3A_641 = arith.constant 1000 : i32
      %mul3A_642 = arith.muli %scan3A_640, %mul3A_641 : i32
      %get3A = arith.index_cast %scan3A_640 : i32 to index
      %get3A_643 = arith.constant 0 : index
      %get3A_644 = tpu.vector_load %arg5[%get3A, %get3A_643] {strides = array<i32>} : memref<26x512xi32, #tpu.memory_space<vmem>>, vector<1x16xi32>,
      %get3A_645 = vector.shape_cast %get3A_644 : vector<1x16xi32> to vector<16xi32>
      %add3A_646 = vector.broadcast %mul3A_642 : i32 to vector<16xi32>
      %add3A_647 = arith.addi %get3A_645, %add3A_646 : vector<16xi32>
      %swap3A = arith.index_cast %scan3A_640 : i32 to index
      %swap3A_648 = arith.constant 0 : index
      %swap3A_649 = tpu.vector_load %arg5[%swap3A, %swap3A_648] {strides = array<i32>} : memref<26x512xi32, #tpu.memory_space<vmem>>, vector<1x16xi32>,
      %swap3A_650 = vector.shape_cast %swap3A_649 : vector<1x16xi32> to vector<16xi32>
      %swap3A_651 = vector.shape_cast %add3A_647 : vector<16xi32> to vector<1x16xi32>
      tpu.vector_store %arg5[%swap3A, %swap3A_648], %swap3A_651 {strides = array<i32>} : memref<26x512xi32, #tpu.memory_space<vmem>>, vector<1x16xi32>,
      %get3A_652 = arith.index_cast %scan3A_640 : i32 to index
      %get3A_653 = arith.constant 16 : index
      %get3A_654 = tpu.vector_load %arg5[%get3A_652, %get3A_653] {strides = array<i32>} : memref<26x512xi32, #tpu.memory_space<vmem>>, vector<1x16xi32>,
      %get3A_655 = vector.shape_cast %get3A_654 : vector<1x16xi32> to vector<16xi32>
      %add3A_656 = vector.broadcast %mul3A_642 : i32 to vector<16xi32>
      %add3A_657 = arith.addi %get3A_655, %add3A_656 : vector<16xi32>
      %swap3A_658 = arith.index_cast %scan3A_640 : i32 to index
      %swap3A_659 = arith.constant 16 : index
      %swap3A_660 = tpu.vector_load %arg5[%swap3A_658, %swap3A_659] {strides = array<i32>} : memref<26x512xi32, #tpu.memory_space<vmem>>, vector<1x16xi32>,
      %swap3A_661 = vector.shape_cast %swap3A_660 : vector<1x16xi32> to vector<16xi32>
      %swap3A_662 = vector.shape_cast %add3A_657 : vector<16xi32> to vector<1x16xi32>
      tpu.vector_store %arg5[%swap3A_658, %swap3A_659], %swap3A_662 {strides = array<i32>} : memref<26x512xi32, #tpu.memory_space<vmem>>, vector<1x16xi32>,
      %get3A_663 = arith.index_cast %scan3A_640 : i32 to index
      %get3A_664 = arith.constant 32 : index
      %get3A_665 = tpu.vector_load %arg5[%get3A_663, %get3A_664] {strides = array<i32>} : memref<26x512xi32, #tpu.memory_space<vmem>>, vector<1x16xi32>,
      %get3A_666 = vector.shape_cast %get3A_665 : vector<1x16xi32> to vector<16xi32>
      %add3A_667 = vector.broadcast %mul3A_642 : i32 to vector<16xi32>
      %add3A_668 = arith.addi %get3A_666, %add3A_667 : vector<16xi32>
      %swap3A_669 = arith.index_cast %scan3A_640 : i32 to index
      %swap3A_670 = arith.constant 32 : index
      %swap3A_671 = tpu.vector_load %arg5[%swap3A_669, %swap3A_670] {strides = array<i32>} : memref<26x512xi32, #tpu.memory_space<vmem>>, vector<1x16xi32>,
      %swap3A_672 = vector.shape_cast %swap3A_671 : vector<1x16xi32> to vector<16xi32>
      %swap3A_673 = vector.shape_cast %add3A_668 : vector<16xi32> to vector<1x16xi32>
      tpu.vector_store %arg5[%swap3A_669, %swap3A_670], %swap3A_673 {strides = array<i32>} : memref<26x512xi32, #tpu.memory_space<vmem>>, vector<1x16xi32>,
      %get3A_674 = arith.index_cast %scan3A_640 : i32 to index
      %get3A_675 = arith.constant 48 : index
      %get3A_676 = tpu.vector_load %arg5[%get3A_674, %get3A_675] {strides = array<i32>} : memref<26x512xi32, #tpu.memory_space<vmem>>, vector<1x16xi32>,
      %get3A_677 = vector.shape_cast %get3A_676 : vector<1x16xi32> to vector<16xi32>
      %add3A_678 = vector.broadcast %mul3A_642 : i32 to vector<16xi32>
      %add3A_679 = arith.addi %get3A_677, %add3A_678 : vector<16xi32>
      %swap3A_680 = arith.index_cast %scan3A_640 : i32 to index
      %swap3A_681 = arith.constant 48 : index
      %swap3A_682 = tpu.vector_load %arg5[%swap3A_680, %swap3A_681] {strides = array<i32>} : memref<26x512xi32, #tpu.memory_space<vmem>>, vector<1x16xi32>,
      %swap3A_683 = vector.shape_cast %swap3A_682 : vector<1x16xi32> to vector<16xi32>
      %swap3A_684 = vector.shape_cast %add3A_679 : vector<16xi32> to vector<1x16xi32>
      tpu.vector_store %arg5[%swap3A_680, %swap3A_681], %swap3A_684 {strides = array<i32>} : memref<26x512xi32, #tpu.memory_space<vmem>>, vector<1x16xi32>,
      %get3A_685 = arith.index_cast %scan3A_640 : i32 to index
      %get3A_686 = arith.constant 64 : index
      %get3A_687 = tpu.vector_load %arg5[%get3A_685, %get3A_686] {strides = array<i32>} : memref<26x512xi32, #tpu.memory_space<vmem>>, vector<1x16xi32>,
      %get3A_688 = vector.shape_cast %get3A_687 : vector<1x16xi32> to vector<16xi32>
      %add3A_689 = vector.broadcast %mul3A_642 : i32 to vector<16xi32>
      %add3A_690 = arith.addi %get3A_688, %add3A_689 : vector<16xi32>
      %swap3A_691 = arith.index_cast %scan3A_640 : i32 to index
      %swap3A_692 = arith.constant 64 : index
      %swap3A_693 = tpu.vector_load %arg5[%swap3A_691, %swap3A_692] {strides = array<i32>} : memref<26x512xi32, #tpu.memory_space<vmem>>, vector<1x16xi32>,
      %swap3A_694 = vector.shape_cast %swap3A_693 : vector<1x16xi32> to vector<16xi32>
      %swap3A_695 = vector.shape_cast %add3A_690 : vector<16xi32> to vector<1x16xi32>
      tpu.vector_store %arg5[%swap3A_691, %swap3A_692], %swap3A_695 {strides = array<i32>} : memref<26x512xi32, #tpu.memory_space<vmem>>, vector<1x16xi32>,
      %get3A_696 = arith.index_cast %scan3A_640 : i32 to index
      %get3A_697 = arith.constant 80 : index
      %get3A_698 = tpu.vector_load %arg5[%get3A_696, %get3A_697] {strides = array<i32>} : memref<26x512xi32, #tpu.memory_space<vmem>>, vector<1x16xi32>,
      %get3A_699 = vector.shape_cast %get3A_698 : vector<1x16xi32> to vector<16xi32>
      %add3A_700 = vector.broadcast %mul3A_642 : i32 to vector<16xi32>
      %add3A_701 = arith.addi %get3A_699, %add3A_700 : vector<16xi32>
      %swap3A_702 = arith.index_cast %scan3A_640 : i32 to index
      %swap3A_703 = arith.constant 80 : index
      %swap3A_704 = tpu.vector_load %arg5[%swap3A_702, %swap3A_703] {strides = array<i32>} : memref<26x512xi32, #tpu.memory_space<vmem>>, vector<1x16xi32>,
      %swap3A_705 = vector.shape_cast %swap3A_704 : vector<1x16xi32> to vector<16xi32>
      %swap3A_706 = vector.shape_cast %add3A_701 : vector<16xi32> to vector<1x16xi32>
      tpu.vector_store %arg5[%swap3A_702, %swap3A_703], %swap3A_706 {strides = array<i32>} : memref<26x512xi32, #tpu.memory_space<vmem>>, vector<1x16xi32>,
      %get3A_707 = arith.index_cast %scan3A_640 : i32 to index
      %get3A_708 = arith.constant 96 : index
      %get3A_709 = tpu.vector_load %arg5[%get3A_707, %get3A_708] {strides = array<i32>} : memref<26x512xi32, #tpu.memory_space<vmem>>, vector<1x16xi32>,
      %get3A_710 = vector.shape_cast %get3A_709 : vector<1x16xi32> to vector<16xi32>
      %add3A_711 = vector.broadcast %mul3A_642 : i32 to vector<16xi32>
      %add3A_712 = arith.addi %get3A_710, %add3A_711 : vector<16xi32>
      %swap3A_713 = arith.index_cast %scan3A_640 : i32 to index
      %swap3A_714 = arith.constant 96 : index
      %swap3A_715 = tpu.vector_load %arg5[%swap3A_713, %swap3A_714] {strides = array<i32>} : memref<26x512xi32, #tpu.memory_space<vmem>>, vector<1x16xi32>,
      %swap3A_716 = vector.shape_cast %swap3A_715 : vector<1x16xi32> to vector<16xi32>
      %swap3A_717 = vector.shape_cast %add3A_712 : vector<16xi32> to vector<1x16xi32>
      tpu.vector_store %arg5[%swap3A_713, %swap3A_714], %swap3A_717 {strides = array<i32>} : memref<26x512xi32, #tpu.memory_space<vmem>>, vector<1x16xi32>,
      %get3A_718 = arith.index_cast %scan3A_640 : i32 to index
      %get3A_719 = arith.constant 112 : index
      %get3A_720 = tpu.vector_load %arg5[%get3A_718, %get3A_719] {strides = array<i32>} : memref<26x512xi32, #tpu.memory_space<vmem>>, vector<1x16xi32>,
      %get3A_721 = vector.shape_cast %get3A_720 : vector<1x16xi32> to vector<16xi32>
      %add3A_722 = vector.broadcast %mul3A_642 : i32 to vector<16xi32>
      %add3A_723 = arith.addi %get3A_721, %add3A_722 : vector<16xi32>
      %swap3A_724 = arith.index_cast %scan3A_640 : i32 to index
      %swap3A_725 = arith.constant 112 : index
      %swap3A_726 = tpu.vector_load %arg5[%swap3A_724, %swap3A_725] {strides = array<i32>} : memref<26x512xi32, #tpu.memory_space<vmem>>, vector<1x16xi32>,
      %swap3A_727 = vector.shape_cast %swap3A_726 : vector<1x16xi32> to vector<16xi32>
      %swap3A_728 = vector.shape_cast %add3A_723 : vector<16xi32> to vector<1x16xi32>
      tpu.vector_store %arg5[%swap3A_724, %swap3A_725], %swap3A_728 {strides = array<i32>} : memref<26x512xi32, #tpu.memory_space<vmem>>, vector<1x16xi32>,
      %get3A_729 = arith.index_cast %scan3A_640 : i32 to index
      %get3A_730 = arith.constant 128 : index
      %get3A_731 = tpu.vector_load %arg5[%get3A_729, %get3A_730] {strides = array<i32>} : memref<26x512xi32, #tpu.memory_space<vmem>>, vector<1x16xi32>,
      %get3A_732 = vector.shape_cast %get3A_731 : vector<1x16xi32> to vector<16xi32>
      %add3A_733 = vector.broadcast %mul3A_642 : i32 to vector<16xi32>
      %add3A_734 = arith.addi %get3A_732, %add3A_733 : vector<16xi32>
      %swap3A_735 = arith.index_cast %scan3A_640 : i32 to index
      %swap3A_736 = arith.constant 128 : index
      %swap3A_737 = tpu.vector_load %arg5[%swap3A_735, %swap3A_736] {strides = array<i32>} : memref<26x512xi32, #tpu.memory_space<vmem>>, vector<1x16xi32>,
      %swap3A_738 = vector.shape_cast %swap3A_737 : vector<1x16xi32> to vector<16xi32>
      %swap3A_739 = vector.shape_cast %add3A_734 : vector<16xi32> to vector<1x16xi32>
      tpu.vector_store %arg5[%swap3A_735, %swap3A_736], %swap3A_739 {strides = array<i32>} : memref<26x512xi32, #tpu.memory_space<vmem>>, vector<1x16xi32>,
      %get3A_740 = arith.index_cast %scan3A_640 : i32 to index
      %get3A_741 = arith.constant 144 : index
      %get3A_742 = tpu.vector_load %arg5[%get3A_740, %get3A_741] {strides = array<i32>} : memref<26x512xi32, #tpu.memory_space<vmem>>, vector<1x16xi32>,
      %get3A_743 = vector.shape_cast %get3A_742 : vector<1x16xi32> to vector<16xi32>
      %add3A_744 = vector.broadcast %mul3A_642 : i32 to vector<16xi32>
      %add3A_745 = arith.addi %get3A_743, %add3A_744 : vector<16xi32>
      %swap3A_746 = arith.index_cast %scan3A_640 : i32 to index
      %swap3A_747 = arith.constant 144 : index
      %swap3A_748 = tpu.vector_load %arg5[%swap3A_746, %swap3A_747] {strides = array<i32>} : memref<26x512xi32, #tpu.memory_space<vmem>>, vector<1x16xi32>,
      %swap3A_749 = vector.shape_cast %swap3A_748 : vector<1x16xi32> to vector<16xi32>
      %swap3A_750 = vector.shape_cast %add3A_745 : vector<16xi32> to vector<1x16xi32>
      tpu.vector_store %arg5[%swap3A_746, %swap3A_747], %swap3A_750 {strides = array<i32>} : memref<26x512xi32, #tpu.memory_space<vmem>>, vector<1x16xi32>,
      %get3A_751 = arith.index_cast %scan3A_640 : i32 to index
      %get3A_752 = arith.constant 160 : index
      %get3A_753 = tpu.vector_load %arg5[%get3A_751, %get3A_752] {strides = array<i32>} : memref<26x512xi32, #tpu.memory_space<vmem>>, vector<1x16xi32>,
      %get3A_754 = vector.shape_cast %get3A_753 : vector<1x16xi32> to vector<16xi32>
      %add3A_755 = vector.broadcast %mul3A_642 : i32 to vector<16xi32>
      %add3A_756 = arith.addi %get3A_754, %add3A_755 : vector<16xi32>
      %swap3A_757 = arith.index_cast %scan3A_640 : i32 to index
      %swap3A_758 = arith.constant 160 : index
      %swap3A_759 = tpu.vector_load %arg5[%swap3A_757, %swap3A_758] {strides = array<i32>} : memref<26x512xi32, #tpu.memory_space<vmem>>, vector<1x16xi32>,
      %swap3A_760 = vector.shape_cast %swap3A_759 : vector<1x16xi32> to vector<16xi32>
      %swap3A_761 = vector.shape_cast %add3A_756 : vector<16xi32> to vector<1x16xi32>
      tpu.vector_store %arg5[%swap3A_757, %swap3A_758], %swap3A_761 {strides = array<i32>} : memref<26x512xi32, #tpu.memory_space<vmem>>, vector<1x16xi32>,
      %get3A_762 = arith.index_cast %scan3A_640 : i32 to index
      %get3A_763 = arith.constant 176 : index
      %get3A_764 = tpu.vector_load %arg5[%get3A_762, %get3A_763] {strides = array<i32>} : memref<26x512xi32, #tpu.memory_space<vmem>>, vector<1x16xi32>,
      %get3A_765 = vector.shape_cast %get3A_764 : vector<1x16xi32> to vector<16xi32>
      %add3A_766 = vector.broadcast %mul3A_642 : i32 to vector<16xi32>
      %add3A_767 = arith.addi %get3A_765, %add3A_766 : vector<16xi32>
      %swap3A_768 = arith.index_cast %scan3A_640 : i32 to index
      %swap3A_769 = arith.constant 176 : index
      %swap3A_770 = tpu.vector_load %arg5[%swap3A_768, %swap3A_769] {strides = array<i32>} : memref<26x512xi32, #tpu.memory_space<vmem>>, vector<1x16xi32>,
      %swap3A_771 = vector.shape_cast %swap3A_770 : vector<1x16xi32> to vector<16xi32>
      %swap3A_772 = vector.shape_cast %add3A_767 : vector<16xi32> to vector<1x16xi32>
      tpu.vector_store %arg5[%swap3A_768, %swap3A_769], %swap3A_772 {strides = array<i32>} : memref<26x512xi32, #tpu.memory_space<vmem>>, vector<1x16xi32>,
      %get3A_773 = arith.index_cast %scan3A_640 : i32 to index
      %get3A_774 = arith.constant 192 : index
      %get3A_775 = tpu.vector_load %arg5[%get3A_773, %get3A_774] {strides = array<i32>} : memref<26x512xi32, #tpu.memory_space<vmem>>, vector<1x16xi32>,
      %get3A_776 = vector.shape_cast %get3A_775 : vector<1x16xi32> to vector<16xi32>
      %add3A_777 = vector.broadcast %mul3A_642 : i32 to vector<16xi32>
      %add3A_778 = arith.addi %get3A_776, %add3A_777 : vector<16xi32>
      %swap3A_779 = arith.index_cast %scan3A_640 : i32 to index
      %swap3A_780 = arith.constant 192 : index
      %swap3A_781 = tpu.vector_load %arg5[%swap3A_779, %swap3A_780] {strides = array<i32>} : memref<26x512xi32, #tpu.memory_space<vmem>>, vector<1x16xi32>,
      %swap3A_782 = vector.shape_cast %swap3A_781 : vector<1x16xi32> to vector<16xi32>
      %swap3A_783 = vector.shape_cast %add3A_778 : vector<16xi32> to vector<1x16xi32>
      tpu.vector_store %arg5[%swap3A_779, %swap3A_780], %swap3A_783 {strides = array<i32>} : memref<26x512xi32, #tpu.memory_space<vmem>>, vector<1x16xi32>,
      %get3A_784 = arith.index_cast %scan3A_640 : i32 to index
      %get3A_785 = arith.constant 208 : index
      %get3A_786 = tpu.vector_load %arg5[%get3A_784, %get3A_785] {strides = array<i32>} : memref<26x512xi32, #tpu.memory_space<vmem>>, vector<1x16xi32>,
      %get3A_787 = vector.shape_cast %get3A_786 : vector<1x16xi32> to vector<16xi32>
      %add3A_788 = vector.broadcast %mul3A_642 : i32 to vector<16xi32>
      %add3A_789 = arith.addi %get3A_787, %add3A_788 : vector<16xi32>
      %swap3A_790 = arith.index_cast %scan3A_640 : i32 to index
      %swap3A_791 = arith.constant 208 : index
      %swap3A_792 = tpu.vector_load %arg5[%swap3A_790, %swap3A_791] {strides = array<i32>} : memref<26x512xi32, #tpu.memory_space<vmem>>, vector<1x16xi32>,
      %swap3A_793 = vector.shape_cast %swap3A_792 : vector<1x16xi32> to vector<16xi32>
      %swap3A_794 = vector.shape_cast %add3A_789 : vector<16xi32> to vector<1x16xi32>
      tpu.vector_store %arg5[%swap3A_790, %swap3A_791], %swap3A_794 {strides = array<i32>} : memref<26x512xi32, #tpu.memory_space<vmem>>, vector<1x16xi32>,
      %get3A_795 = arith.index_cast %scan3A_640 : i32 to index
      %get3A_796 = arith.constant 224 : index
      %get3A_797 = tpu.vector_load %arg5[%get3A_795, %get3A_796] {strides = array<i32>} : memref<26x512xi32, #tpu.memory_space<vmem>>, vector<1x16xi32>,
      %get3A_798 = vector.shape_cast %get3A_797 : vector<1x16xi32> to vector<16xi32>
      %add3A_799 = vector.broadcast %mul3A_642 : i32 to vector<16xi32>
      %add3A_800 = arith.addi %get3A_798, %add3A_799 : vector<16xi32>
      %swap3A_801 = arith.index_cast %scan3A_640 : i32 to index
      %swap3A_802 = arith.constant 224 : index
      %swap3A_803 = tpu.vector_load %arg5[%swap3A_801, %swap3A_802] {strides = array<i32>} : memref<26x512xi32, #tpu.memory_space<vmem>>, vector<1x16xi32>,
      %swap3A_804 = vector.shape_cast %swap3A_803 : vector<1x16xi32> to vector<16xi32>
      %swap3A_805 = vector.shape_cast %add3A_800 : vector<16xi32> to vector<1x16xi32>
      tpu.vector_store %arg5[%swap3A_801, %swap3A_802], %swap3A_805 {strides = array<i32>} : memref<26x512xi32, #tpu.memory_space<vmem>>, vector<1x16xi32>,
      %get3A_806 = arith.index_cast %scan3A_640 : i32 to index
      %get3A_807 = arith.constant 240 : index
      %get3A_808 = tpu.vector_load %arg5[%get3A_806, %get3A_807] {strides = array<i32>} : memref<26x512xi32, #tpu.memory_space<vmem>>, vector<1x16xi32>,
      %get3A_809 = vector.shape_cast %get3A_808 : vector<1x16xi32> to vector<16xi32>
      %add3A_810 = vector.broadcast %mul3A_642 : i32 to vector<16xi32>
      %add3A_811 = arith.addi %get3A_809, %add3A_810 : vector<16xi32>
      %swap3A_812 = arith.index_cast %scan3A_640 : i32 to index
      %swap3A_813 = arith.constant 240 : index
      %swap3A_814 = tpu.vector_load %arg5[%swap3A_812, %swap3A_813] {strides = array<i32>} : memref<26x512xi32, #tpu.memory_space<vmem>>, vector<1x16xi32>,
      %swap3A_815 = vector.shape_cast %swap3A_814 : vector<1x16xi32> to vector<16xi32>
      %swap3A_816 = vector.shape_cast %add3A_811 : vector<16xi32> to vector<1x16xi32>
      tpu.vector_store %arg5[%swap3A_812, %swap3A_813], %swap3A_816 {strides = array<i32>} : memref<26x512xi32, #tpu.memory_space<vmem>>, vector<1x16xi32>,
      %get3A_817 = arith.index_cast %scan3A_640 : i32 to index
      %get3A_818 = arith.constant 256 : index
      %get3A_819 = tpu.vector_load %arg5[%get3A_817, %get3A_818] {strides = array<i32>} : memref<26x512xi32, #tpu.memory_space<vmem>>, vector<1x16xi32>,
      %get3A_820 = vector.shape_cast %get3A_819 : vector<1x16xi32> to vector<16xi32>
      %add3A_821 = vector.broadcast %mul3A_642 : i32 to vector<16xi32>
      %add3A_822 = arith.addi %get3A_820, %add3A_821 : vector<16xi32>
      %swap3A_823 = arith.index_cast %scan3A_640 : i32 to index
      %swap3A_824 = arith.constant 256 : index
      %swap3A_825 = tpu.vector_load %arg5[%swap3A_823, %swap3A_824] {strides = array<i32>} : memref<26x512xi32, #tpu.memory_space<vmem>>, vector<1x16xi32>,
      %swap3A_826 = vector.shape_cast %swap3A_825 : vector<1x16xi32> to vector<16xi32>
      %swap3A_827 = vector.shape_cast %add3A_822 : vector<16xi32> to vector<1x16xi32>
      tpu.vector_store %arg5[%swap3A_823, %swap3A_824], %swap3A_827 {strides = array<i32>} : memref<26x512xi32, #tpu.memory_space<vmem>>, vector<1x16xi32>,
      %get3A_828 = arith.index_cast %scan3A_640 : i32 to index
      %get3A_829 = arith.constant 272 : index
      %get3A_830 = tpu.vector_load %arg5[%get3A_828, %get3A_829] {strides = array<i32>} : memref<26x512xi32, #tpu.memory_space<vmem>>, vector<1x16xi32>,
      %get3A_831 = vector.shape_cast %get3A_830 : vector<1x16xi32> to vector<16xi32>
      %add3A_832 = vector.broadcast %mul3A_642 : i32 to vector<16xi32>
      %add3A_833 = arith.addi %get3A_831, %add3A_832 : vector<16xi32>
      %swap3A_834 = arith.index_cast %scan3A_640 : i32 to index
      %swap3A_835 = arith.constant 272 : index
      %swap3A_836 = tpu.vector_load %arg5[%swap3A_834, %swap3A_835] {strides = array<i32>} : memref<26x512xi32, #tpu.memory_space<vmem>>, vector<1x16xi32>,
      %swap3A_837 = vector.shape_cast %swap3A_836 : vector<1x16xi32> to vector<16xi32>
      %swap3A_838 = vector.shape_cast %add3A_833 : vector<16xi32> to vector<1x16xi32>
      tpu.vector_store %arg5[%swap3A_834, %swap3A_835], %swap3A_838 {strides = array<i32>} : memref<26x512xi32, #tpu.memory_space<vmem>>, vector<1x16xi32>,
      %get3A_839 = arith.index_cast %scan3A_640 : i32 to index
      %get3A_840 = arith.constant 288 : index
      %get3A_841 = tpu.vector_load %arg5[%get3A_839, %get3A_840] {strides = array<i32>} : memref<26x512xi32, #tpu.memory_space<vmem>>, vector<1x16xi32>,
      %get3A_842 = vector.shape_cast %get3A_841 : vector<1x16xi32> to vector<16xi32>
      %add3A_843 = vector.broadcast %mul3A_642 : i32 to vector<16xi32>
      %add3A_844 = arith.addi %get3A_842, %add3A_843 : vector<16xi32>
      %swap3A_845 = arith.index_cast %scan3A_640 : i32 to index
      %swap3A_846 = arith.constant 288 : index
      %swap3A_847 = tpu.vector_load %arg5[%swap3A_845, %swap3A_846] {strides = array<i32>} : memref<26x512xi32, #tpu.memory_space<vmem>>, vector<1x16xi32>,
      %swap3A_848 = vector.shape_cast %swap3A_847 : vector<1x16xi32> to vector<16xi32>
      %swap3A_849 = vector.shape_cast %add3A_844 : vector<16xi32> to vector<1x16xi32>
      tpu.vector_store %arg5[%swap3A_845, %swap3A_846], %swap3A_849 {strides = array<i32>} : memref<26x512xi32, #tpu.memory_space<vmem>>, vector<1x16xi32>,
      %get3A_850 = arith.index_cast %scan3A_640 : i32 to index
      %get3A_851 = arith.constant 304 : index
      %get3A_852 = tpu.vector_load %arg5[%get3A_850, %get3A_851] {strides = array<i32>} : memref<26x512xi32, #tpu.memory_space<vmem>>, vector<1x16xi32>,
      %get3A_853 = vector.shape_cast %get3A_852 : vector<1x16xi32> to vector<16xi32>
      %add3A_854 = vector.broadcast %mul3A_642 : i32 to vector<16xi32>
      %add3A_855 = arith.addi %get3A_853, %add3A_854 : vector<16xi32>
      %swap3A_856 = arith.index_cast %scan3A_640 : i32 to index
      %swap3A_857 = arith.constant 304 : index
      %swap3A_858 = tpu.vector_load %arg5[%swap3A_856, %swap3A_857] {strides = array<i32>} : memref<26x512xi32, #tpu.memory_space<vmem>>, vector<1x16xi32>,
      %swap3A_859 = vector.shape_cast %swap3A_858 : vector<1x16xi32> to vector<16xi32>
      %swap3A_860 = vector.shape_cast %add3A_855 : vector<16xi32> to vector<1x16xi32>
      tpu.vector_store %arg5[%swap3A_856, %swap3A_857], %swap3A_860 {strides = array<i32>} : memref<26x512xi32, #tpu.memory_space<vmem>>, vector<1x16xi32>,
      %get3A_861 = arith.index_cast %scan3A_640 : i32 to index
      %get3A_862 = arith.constant 320 : index
      %get3A_863 = tpu.vector_load %arg5[%get3A_861, %get3A_862] {strides = array<i32>} : memref<26x512xi32, #tpu.memory_space<vmem>>, vector<1x16xi32>,
      %get3A_864 = vector.shape_cast %get3A_863 : vector<1x16xi32> to vector<16xi32>
      %add3A_865 = vector.broadcast %mul3A_642 : i32 to vector<16xi32>
      %add3A_866 = arith.addi %get3A_864, %add3A_865 : vector<16xi32>
      %swap3A_867 = arith.index_cast %scan3A_640 : i32 to index
      %swap3A_868 = arith.constant 320 : index
      %swap3A_869 = tpu.vector_load %arg5[%swap3A_867, %swap3A_868] {strides = array<i32>} : memref<26x512xi32, #tpu.memory_space<vmem>>, vector<1x16xi32>,
      %swap3A_870 = vector.shape_cast %swap3A_869 : vector<1x16xi32> to vector<16xi32>
      %swap3A_871 = vector.shape_cast %add3A_866 : vector<16xi32> to vector<1x16xi32>
      tpu.vector_store %arg5[%swap3A_867, %swap3A_868], %swap3A_871 {strides = array<i32>} : memref<26x512xi32, #tpu.memory_space<vmem>>, vector<1x16xi32>,
      %get3A_872 = arith.index_cast %scan3A_640 : i32 to index
      %get3A_873 = arith.constant 336 : index
      %get3A_874 = tpu.vector_load %arg5[%get3A_872, %get3A_873] {strides = array<i32>} : memref<26x512xi32, #tpu.memory_space<vmem>>, vector<1x16xi32>,
      %get3A_875 = vector.shape_cast %get3A_874 : vector<1x16xi32> to vector<16xi32>
      %add3A_876 = vector.broadcast %mul3A_642 : i32 to vector<16xi32>
      %add3A_877 = arith.addi %get3A_875, %add3A_876 : vector<16xi32>
      %swap3A_878 = arith.index_cast %scan3A_640 : i32 to index
      %swap3A_879 = arith.constant 336 : index
      %swap3A_880 = tpu.vector_load %arg5[%swap3A_878, %swap3A_879] {strides = array<i32>} : memref<26x512xi32, #tpu.memory_space<vmem>>, vector<1x16xi32>,
      %swap3A_881 = vector.shape_cast %swap3A_880 : vector<1x16xi32> to vector<16xi32>
      %swap3A_882 = vector.shape_cast %add3A_877 : vector<16xi32> to vector<1x16xi32>
      tpu.vector_store %arg5[%swap3A_878, %swap3A_879], %swap3A_882 {strides = array<i32>} : memref<26x512xi32, #tpu.memory_space<vmem>>, vector<1x16xi32>,
      %get3A_883 = arith.index_cast %scan3A_640 : i32 to index
      %get3A_884 = arith.constant 352 : index
      %get3A_885 = tpu.vector_load %arg5[%get3A_883, %get3A_884] {strides = array<i32>} : memref<26x512xi32, #tpu.memory_space<vmem>>, vector<1x16xi32>,
      %get3A_886 = vector.shape_cast %get3A_885 : vector<1x16xi32> to vector<16xi32>
      %add3A_887 = vector.broadcast %mul3A_642 : i32 to vector<16xi32>
      %add3A_888 = arith.addi %get3A_886, %add3A_887 : vector<16xi32>
      %swap3A_889 = arith.index_cast %scan3A_640 : i32 to index
      %swap3A_890 = arith.constant 352 : index
      %swap3A_891 = tpu.vector_load %arg5[%swap3A_889, %swap3A_890] {strides = array<i32>} : memref<26x512xi32, #tpu.memory_space<vmem>>, vector<1x16xi32>,
      %swap3A_892 = vector.shape_cast %swap3A_891 : vector<1x16xi32> to vector<16xi32>
      %swap3A_893 = vector.shape_cast %add3A_888 : vector<16xi32> to vector<1x16xi32>
      tpu.vector_store %arg5[%swap3A_889, %swap3A_890], %swap3A_893 {strides = array<i32>} : memref<26x512xi32, #tpu.memory_space<vmem>>, vector<1x16xi32>,
      %get3A_894 = arith.index_cast %scan3A_640 : i32 to index
      %get3A_895 = arith.constant 368 : index
      %get3A_896 = tpu.vector_load %arg5[%get3A_894, %get3A_895] {strides = array<i32>} : memref<26x512xi32, #tpu.memory_space<vmem>>, vector<1x16xi32>,
      %get3A_897 = vector.shape_cast %get3A_896 : vector<1x16xi32> to vector<16xi32>
      %add3A_898 = vector.broadcast %mul3A_642 : i32 to vector<16xi32>
      %add3A_899 = arith.addi %get3A_897, %add3A_898 : vector<16xi32>
      %swap3A_900 = arith.index_cast %scan3A_640 : i32 to index
      %swap3A_901 = arith.constant 368 : index
      %swap3A_902 = tpu.vector_load %arg5[%swap3A_900, %swap3A_901] {strides = array<i32>} : memref<26x512xi32, #tpu.memory_space<vmem>>, vector<1x16xi32>,
      %swap3A_903 = vector.shape_cast %swap3A_902 : vector<1x16xi32> to vector<16xi32>
      %swap3A_904 = vector.shape_cast %add3A_899 : vector<16xi32> to vector<1x16xi32>
      tpu.vector_store %arg5[%swap3A_900, %swap3A_901], %swap3A_904 {strides = array<i32>} : memref<26x512xi32, #tpu.memory_space<vmem>>, vector<1x16xi32>,
      %get3A_905 = arith.index_cast %scan3A_640 : i32 to index
      %get3A_906 = arith.constant 384 : index
      %get3A_907 = tpu.vector_load %arg5[%get3A_905, %get3A_906] {strides = array<i32>} : memref<26x512xi32, #tpu.memory_space<vmem>>, vector<1x16xi32>,
      %get3A_908 = vector.shape_cast %get3A_907 : vector<1x16xi32> to vector<16xi32>
      %add3A_909 = vector.broadcast %mul3A_642 : i32 to vector<16xi32>
      %add3A_910 = arith.addi %get3A_908, %add3A_909 : vector<16xi32>
      %swap3A_911 = arith.index_cast %scan3A_640 : i32 to index
      %swap3A_912 = arith.constant 384 : index
      %swap3A_913 = tpu.vector_load %arg5[%swap3A_911, %swap3A_912] {strides = array<i32>} : memref<26x512xi32, #tpu.memory_space<vmem>>, vector<1x16xi32>,
      %swap3A_914 = vector.shape_cast %swap3A_913 : vector<1x16xi32> to vector<16xi32>
      %swap3A_915 = vector.shape_cast %add3A_910 : vector<16xi32> to vector<1x16xi32>
      tpu.vector_store %arg5[%swap3A_911, %swap3A_912], %swap3A_915 {strides = array<i32>} : memref<26x512xi32, #tpu.memory_space<vmem>>, vector<1x16xi32>,
      %get3A_916 = arith.index_cast %scan3A_640 : i32 to index
      %get3A_917 = arith.constant 400 : index
      %get3A_918 = tpu.vector_load %arg5[%get3A_916, %get3A_917] {strides = array<i32>} : memref<26x512xi32, #tpu.memory_space<vmem>>, vector<1x16xi32>,
      %get3A_919 = vector.shape_cast %get3A_918 : vector<1x16xi32> to vector<16xi32>
      %add3A_920 = vector.broadcast %mul3A_642 : i32 to vector<16xi32>
      %add3A_921 = arith.addi %get3A_919, %add3A_920 : vector<16xi32>
      %swap3A_922 = arith.index_cast %scan3A_640 : i32 to index
      %swap3A_923 = arith.constant 400 : index
      %swap3A_924 = tpu.vector_load %arg5[%swap3A_922, %swap3A_923] {strides = array<i32>} : memref<26x512xi32, #tpu.memory_space<vmem>>, vector<1x16xi32>,
      %swap3A_925 = vector.shape_cast %swap3A_924 : vector<1x16xi32> to vector<16xi32>
      %swap3A_926 = vector.shape_cast %add3A_921 : vector<16xi32> to vector<1x16xi32>
      tpu.vector_store %arg5[%swap3A_922, %swap3A_923], %swap3A_926 {strides = array<i32>} : memref<26x512xi32, #tpu.memory_space<vmem>>, vector<1x16xi32>,
      %get3A_927 = arith.index_cast %scan3A_640 : i32 to index
      %get3A_928 = arith.constant 416 : index
      %get3A_929 = tpu.vector_load %arg5[%get3A_927, %get3A_928] {strides = array<i32>} : memref<26x512xi32, #tpu.memory_space<vmem>>, vector<1x16xi32>,
      %get3A_930 = vector.shape_cast %get3A_929 : vector<1x16xi32> to vector<16xi32>
      %add3A_931 = vector.broadcast %mul3A_642 : i32 to vector<16xi32>
      %add3A_932 = arith.addi %get3A_930, %add3A_931 : vector<16xi32>
      %swap3A_933 = arith.index_cast %scan3A_640 : i32 to index
      %swap3A_934 = arith.constant 416 : index
      %swap3A_935 = tpu.vector_load %arg5[%swap3A_933, %swap3A_934] {strides = array<i32>} : memref<26x512xi32, #tpu.memory_space<vmem>>, vector<1x16xi32>,
      %swap3A_936 = vector.shape_cast %swap3A_935 : vector<1x16xi32> to vector<16xi32>
      %swap3A_937 = vector.shape_cast %add3A_932 : vector<16xi32> to vector<1x16xi32>
      tpu.vector_store %arg5[%swap3A_933, %swap3A_934], %swap3A_937 {strides = array<i32>} : memref<26x512xi32, #tpu.memory_space<vmem>>, vector<1x16xi32>,
      %get3A_938 = arith.index_cast %scan3A_640 : i32 to index
      %get3A_939 = arith.constant 432 : index
      %get3A_940 = tpu.vector_load %arg5[%get3A_938, %get3A_939] {strides = array<i32>} : memref<26x512xi32, #tpu.memory_space<vmem>>, vector<1x16xi32>,
      %get3A_941 = vector.shape_cast %get3A_940 : vector<1x16xi32> to vector<16xi32>
      %add3A_942 = vector.broadcast %mul3A_642 : i32 to vector<16xi32>
      %add3A_943 = arith.addi %get3A_941, %add3A_942 : vector<16xi32>
      %swap3A_944 = arith.index_cast %scan3A_640 : i32 to index
      %swap3A_945 = arith.constant 432 : index
      %swap3A_946 = tpu.vector_load %arg5[%swap3A_944, %swap3A_945] {strides = array<i32>} : memref<26x512xi32, #tpu.memory_space<vmem>>, vector<1x16xi32>,
      %swap3A_947 = vector.shape_cast %swap3A_946 : vector<1x16xi32> to vector<16xi32>
      %swap3A_948 = vector.shape_cast %add3A_943 : vector<16xi32> to vector<1x16xi32>
      tpu.vector_store %arg5[%swap3A_944, %swap3A_945], %swap3A_948 {strides = array<i32>} : memref<26x512xi32, #tpu.memory_space<vmem>>, vector<1x16xi32>,
      %get3A_949 = arith.index_cast %scan3A_640 : i32 to index
      %get3A_950 = arith.constant 448 : index
      %get3A_951 = tpu.vector_load %arg5[%get3A_949, %get3A_950] {strides = array<i32>} : memref<26x512xi32, #tpu.memory_space<vmem>>, vector<1x16xi32>,
      %get3A_952 = vector.shape_cast %get3A_951 : vector<1x16xi32> to vector<16xi32>
      %add3A_953 = vector.broadcast %mul3A_642 : i32 to vector<16xi32>
      %add3A_954 = arith.addi %get3A_952, %add3A_953 : vector<16xi32>
      %swap3A_955 = arith.index_cast %scan3A_640 : i32 to index
      %swap3A_956 = arith.constant 448 : index
      %swap3A_957 = tpu.vector_load %arg5[%swap3A_955, %swap3A_956] {strides = array<i32>} : memref<26x512xi32, #tpu.memory_space<vmem>>, vector<1x16xi32>,
      %swap3A_958 = vector.shape_cast %swap3A_957 : vector<1x16xi32> to vector<16xi32>
      %swap3A_959 = vector.shape_cast %add3A_954 : vector<16xi32> to vector<1x16xi32>
      tpu.vector_store %arg5[%swap3A_955, %swap3A_956], %swap3A_959 {strides = array<i32>} : memref<26x512xi32, #tpu.memory_space<vmem>>, vector<1x16xi32>,
      %get3A_960 = arith.index_cast %scan3A_640 : i32 to index
      %get3A_961 = arith.constant 464 : index
      %get3A_962 = tpu.vector_load %arg5[%get3A_960, %get3A_961] {strides = array<i32>} : memref<26x512xi32, #tpu.memory_space<vmem>>, vector<1x16xi32>,
      %get3A_963 = vector.shape_cast %get3A_962 : vector<1x16xi32> to vector<16xi32>
      %add3A_964 = vector.broadcast %mul3A_642 : i32 to vector<16xi32>
      %add3A_965 = arith.addi %get3A_963, %add3A_964 : vector<16xi32>
      %swap3A_966 = arith.index_cast %scan3A_640 : i32 to index
      %swap3A_967 = arith.constant 464 : index
      %swap3A_968 = tpu.vector_load %arg5[%swap3A_966, %swap3A_967] {strides = array<i32>} : memref<26x512xi32, #tpu.memory_space<vmem>>, vector<1x16xi32>,
      %swap3A_969 = vector.shape_cast %swap3A_968 : vector<1x16xi32> to vector<16xi32>
      %swap3A_970 = vector.shape_cast %add3A_965 : vector<16xi32> to vector<1x16xi32>
      tpu.vector_store %arg5[%swap3A_966, %swap3A_967], %swap3A_970 {strides = array<i32>} : memref<26x512xi32, #tpu.memory_space<vmem>>, vector<1x16xi32>,
      %get3A_971 = arith.index_cast %scan3A_640 : i32 to index
      %get3A_972 = arith.constant 480 : index
      %get3A_973 = tpu.vector_load %arg5[%get3A_971, %get3A_972] {strides = array<i32>} : memref<26x512xi32, #tpu.memory_space<vmem>>, vector<1x16xi32>,
      %get3A_974 = vector.shape_cast %get3A_973 : vector<1x16xi32> to vector<16xi32>
      %add3A_975 = vector.broadcast %mul3A_642 : i32 to vector<16xi32>
      %add3A_976 = arith.addi %get3A_974, %add3A_975 : vector<16xi32>
      %swap3A_977 = arith.index_cast %scan3A_640 : i32 to index
      %swap3A_978 = arith.constant 480 : index
      %swap3A_979 = tpu.vector_load %arg5[%swap3A_977, %swap3A_978] {strides = array<i32>} : memref<26x512xi32, #tpu.memory_space<vmem>>, vector<1x16xi32>,
      %swap3A_980 = vector.shape_cast %swap3A_979 : vector<1x16xi32> to vector<16xi32>
      %swap3A_981 = vector.shape_cast %add3A_976 : vector<16xi32> to vector<1x16xi32>
      tpu.vector_store %arg5[%swap3A_977, %swap3A_978], %swap3A_981 {strides = array<i32>} : memref<26x512xi32, #tpu.memory_space<vmem>>, vector<1x16xi32>,
      %get3A_982 = arith.index_cast %scan3A_640 : i32 to index
      %get3A_983 = arith.constant 496 : index
      %get3A_984 = tpu.vector_load %arg5[%get3A_982, %get3A_983] {strides = array<i32>} : memref<26x512xi32, #tpu.memory_space<vmem>>, vector<1x16xi32>,
      %get3A_985 = vector.shape_cast %get3A_984 : vector<1x16xi32> to vector<16xi32>
      %add3A_986 = vector.broadcast %mul3A_642 : i32 to vector<16xi32>
      %add3A_987 = arith.addi %get3A_985, %add3A_986 : vector<16xi32>
      %swap3A_988 = arith.index_cast %scan3A_640 : i32 to index
      %swap3A_989 = arith.constant 496 : index
      %swap3A_990 = tpu.vector_load %arg5[%swap3A_988, %swap3A_989] {strides = array<i32>} : memref<26x512xi32, #tpu.memory_space<vmem>>, vector<1x16xi32>,
      %swap3A_991 = vector.shape_cast %swap3A_990 : vector<1x16xi32> to vector<16xi32>
      %swap3A_992 = vector.shape_cast %add3A_987 : vector<16xi32> to vector<1x16xi32>
      tpu.vector_store %arg5[%swap3A_988, %swap3A_989], %swap3A_992 {strides = array<i32>} : memref<26x512xi32, #tpu.memory_space<vmem>>, vector<1x16xi32>,
    }
    %scan3A_577 = arith.constant 26 : i32
    %dma_start3A_578 = arith.constant 0 : i32
    %dma_start3A_579 = arith.constant 0 : i32
    %dma_start3A_580 = tpu.memref_slice %arg5[%dma_start3A_578, %dma_start3A_579] : memref<26x512xi32, #tpu.memory_space<vmem>> -> memref<1x64xi32, #tpu.memory_space<vmem>>
    %dma_start3A_581 = tpu.memref_squeeze %dma_start3A_580 : memref<1x64xi32, #tpu.memory_space<vmem>> -> memref<64xi32, #tpu.memory_space<vmem>>
    %dma_start3A_582 = arith.constant 0 : i32
    %dma_start3A_583 = arith.constant 0 : i32
    %dma_start3A_584 = tpu.memref_slice %arg3[%dma_start3A_582, %dma_start3A_583] : memref<26000x128xf32, #tpu.memory_space<hbm>> -> memref<26000x128xf32, #tpu.memory_space<hbm>>
    tpu.enqueue_indirect_dma source(%dma_start3A_584 : memref<26000x128xf32, #tpu.memory_space<hbm>>) target(%arg6 : memref<64x128xf32, #tpu.memory_space<vmem>>) offsets(%dma_start3A_581 : memref<64xi32, #tpu.memory_space<vmem>>) semaphore(%arg15 : memref<!tpu.dma_semaphore, #tpu.memory_space<semaphore_mem>>)
    %dma_start3A_585 = arith.constant 0 : i32
    %dma_start3A_586 = arith.constant 64 : i32
    %dma_start3A_587 = tpu.memref_slice %arg5[%dma_start3A_585, %dma_start3A_586] : memref<26x512xi32, #tpu.memory_space<vmem>> -> memref<1x64xi32, #tpu.memory_space<vmem>>
    %dma_start3A_588 = tpu.memref_squeeze %dma_start3A_587 : memref<1x64xi32, #tpu.memory_space<vmem>> -> memref<64xi32, #tpu.memory_space<vmem>>
    %dma_start3A_589 = arith.constant 0 : i32
    %dma_start3A_590 = arith.constant 0 : i32
    %dma_start3A_591 = tpu.memref_slice %arg3[%dma_start3A_589, %dma_start3A_590] : memref<26000x128xf32, #tpu.memory_space<hbm>> -> memref<26000x128xf32, #tpu.memory_space<hbm>>
    tpu.enqueue_indirect_dma source(%dma_start3A_591 : memref<26000x128xf32, #tpu.memory_space<hbm>>) target(%arg7 : memref<64x128xf32, #tpu.memory_space<vmem>>) offsets(%dma_start3A_588 : memref<64xi32, #tpu.memory_space<vmem>>) semaphore(%arg16 : memref<!tpu.dma_semaphore, #tpu.memory_space<semaphore_mem>>)
    %dma_start3A_592 = arith.constant 0 : i32
    %dma_start3A_593 = arith.constant 128 : i32
    %dma_start3A_594 = tpu.memref_slice %arg5[%dma_start3A_592, %dma_start3A_593] : memref<26x512xi32, #tpu.memory_space<vmem>> -> memref<1x64xi32, #tpu.memory_space<vmem>>
    %dma_start3A_595 = tpu.memref_squeeze %dma_start3A_594 : memref<1x64xi32, #tpu.memory_space<vmem>> -> memref<64xi32, #tpu.memory_space<vmem>>
    %dma_start3A_596 = arith.constant 0 : i32
    %dma_start3A_597 = arith.constant 0 : i32
    %dma_start3A_598 = tpu.memref_slice %arg3[%dma_start3A_596, %dma_start3A_597] : memref<26000x128xf32, #tpu.memory_space<hbm>> -> memref<26000x128xf32, #tpu.memory_space<hbm>>
    tpu.enqueue_indirect_dma source(%dma_start3A_598 : memref<26000x128xf32, #tpu.memory_space<hbm>>) target(%arg8 : memref<64x128xf32, #tpu.memory_space<vmem>>) offsets(%dma_start3A_595 : memref<64xi32, #tpu.memory_space<vmem>>) semaphore(%arg17 : memref<!tpu.dma_semaphore, #tpu.memory_space<semaphore_mem>>)
    %dma_start3A_599 = arith.constant 0 : i32
    %dma_start3A_600 = arith.constant 192 : i32
    %dma_start3A_601 = tpu.memref_slice %arg5[%dma_start3A_599, %dma_start3A_600] : memref<26x512xi32, #tpu.memory_space<vmem>> -> memref<1x64xi32, #tpu.memory_space<vmem>>
    %dma_start3A_602 = tpu.memref_squeeze %dma_start3A_601 : memref<1x64xi32, #tpu.memory_space<vmem>> -> memref<64xi32, #tpu.memory_space<vmem>>
    %dma_start3A_603 = arith.constant 0 : i32
    %dma_start3A_604 = arith.constant 0 : i32
    %dma_start3A_605 = tpu.memref_slice %arg3[%dma_start3A_603, %dma_start3A_604] : memref<26000x128xf32, #tpu.memory_space<hbm>> -> memref<26000x128xf32, #tpu.memory_space<hbm>>
    tpu.enqueue_indirect_dma source(%dma_start3A_605 : memref<26000x128xf32, #tpu.memory_space<hbm>>) target(%arg9 : memref<64x128xf32, #tpu.memory_space<vmem>>) offsets(%dma_start3A_602 : memref<64xi32, #tpu.memory_space<vmem>>) semaphore(%arg18 : memref<!tpu.dma_semaphore, #tpu.memory_space<semaphore_mem>>)
    %dma_start3A_606 = arith.constant 0 : i32
    %dma_start3A_607 = arith.constant 256 : i32
    %dma_start3A_608 = tpu.memref_slice %arg5[%dma_start3A_606, %dma_start3A_607] : memref<26x512xi32, #tpu.memory_space<vmem>> -> memref<1x64xi32, #tpu.memory_space<vmem>>
    %dma_start3A_609 = tpu.memref_squeeze %dma_start3A_608 : memref<1x64xi32, #tpu.memory_space<vmem>> -> memref<64xi32, #tpu.memory_space<vmem>>
    %dma_start3A_610 = arith.constant 0 : i32
    %dma_start3A_611 = arith.constant 0 : i32
    %dma_start3A_612 = tpu.memref_slice %arg3[%dma_start3A_610, %dma_start3A_611] : memref<26000x128xf32, #tpu.memory_space<hbm>> -> memref<26000x128xf32, #tpu.memory_space<hbm>>
    tpu.enqueue_indirect_dma source(%dma_start3A_612 : memref<26000x128xf32, #tpu.memory_space<hbm>>) target(%arg10 : memref<64x128xf32, #tpu.memory_space<vmem>>) offsets(%dma_start3A_609 : memref<64xi32, #tpu.memory_space<vmem>>) semaphore(%arg19 : memref<!tpu.dma_semaphore, #tpu.memory_space<semaphore_mem>>)
    %dma_start3A_613 = arith.constant 0 : i32
    %dma_start3A_614 = arith.constant 320 : i32
    %dma_start3A_615 = tpu.memref_slice %arg5[%dma_start3A_613, %dma_start3A_614] : memref<26x512xi32, #tpu.memory_space<vmem>> -> memref<1x64xi32, #tpu.memory_space<vmem>>
    %dma_start3A_616 = tpu.memref_squeeze %dma_start3A_615 : memref<1x64xi32, #tpu.memory_space<vmem>> -> memref<64xi32, #tpu.memory_space<vmem>>
    %dma_start3A_617 = arith.constant 0 : i32
    %dma_start3A_618 = arith.constant 0 : i32
    %dma_start3A_619 = tpu.memref_slice %arg3[%dma_start3A_617, %dma_start3A_618] : memref<26000x128xf32, #tpu.memory_space<hbm>> -> memref<26000x128xf32, #tpu.memory_space<hbm>>
    tpu.enqueue_indirect_dma source(%dma_start3A_619 : memref<26000x128xf32, #tpu.memory_space<hbm>>) target(%arg11 : memref<64x128xf32, #tpu.memory_space<vmem>>) offsets(%dma_start3A_616 : memref<64xi32, #tpu.memory_space<vmem>>) semaphore(%arg20 : memref<!tpu.dma_semaphore, #tpu.memory_space<semaphore_mem>>)
    %dma_start3A_620 = arith.constant 0 : i32
    %dma_start3A_621 = arith.constant 384 : i32
    %dma_start3A_622 = tpu.memref_slice %arg5[%dma_start3A_620, %dma_start3A_621] : memref<26x512xi32, #tpu.memory_space<vmem>> -> memref<1x64xi32, #tpu.memory_space<vmem>>
    %dma_start3A_623 = tpu.memref_squeeze %dma_start3A_622 : memref<1x64xi32, #tpu.memory_space<vmem>> -> memref<64xi32, #tpu.memory_space<vmem>>
    %dma_start3A_624 = arith.constant 0 : i32
    %dma_start3A_625 = arith.constant 0 : i32
    %dma_start3A_626 = tpu.memref_slice %arg3[%dma_start3A_624, %dma_start3A_625] : memref<26000x128xf32, #tpu.memory_space<hbm>> -> memref<26000x128xf32, #tpu.memory_space<hbm>>
    tpu.enqueue_indirect_dma source(%dma_start3A_626 : memref<26000x128xf32, #tpu.memory_space<hbm>>) target(%arg12 : memref<64x128xf32, #tpu.memory_space<vmem>>) offsets(%dma_start3A_623 : memref<64xi32, #tpu.memory_space<vmem>>) semaphore(%arg21 : memref<!tpu.dma_semaphore, #tpu.memory_space<semaphore_mem>>)
    %dma_start3A_627 = arith.constant 0 : i32
    %dma_start3A_628 = arith.constant 448 : i32
    %dma_start3A_629 = tpu.memref_slice %arg5[%dma_start3A_627, %dma_start3A_628] : memref<26x512xi32, #tpu.memory_space<vmem>> -> memref<1x64xi32, #tpu.memory_space<vmem>>
    %dma_start3A_630 = tpu.memref_squeeze %dma_start3A_629 : memref<1x64xi32, #tpu.memory_space<vmem>> -> memref<64xi32, #tpu.memory_space<vmem>>
    %dma_start3A_631 = arith.constant 0 : i32
    %dma_start3A_632 = arith.constant 0 : i32
    %dma_start3A_633 = tpu.memref_slice %arg3[%dma_start3A_631, %dma_start3A_632] : memref<26000x128xf32, #tpu.memory_space<hbm>> -> memref<26000x128xf32, #tpu.memory_space<hbm>>
    tpu.enqueue_indirect_dma source(%dma_start3A_633 : memref<26000x128xf32, #tpu.memory_space<hbm>>) target(%arg13 : memref<64x128xf32, #tpu.memory_space<vmem>>) offsets(%dma_start3A_630 : memref<64xi32, #tpu.memory_space<vmem>>) semaphore(%arg22 : memref<!tpu.dma_semaphore, #tpu.memory_space<semaphore_mem>>)
    %scan3A_634 = arith.constant 0 : i32
    %scan3A_635 = arith.constant 0 : i32
    %scan3A_636 = arith.constant 26 : i32
    %scan3A_637 = arith.addi %scan3A_635, %scan3A_636 : i32
    %scan3A_638 = arith.constant 1 : i32
    scf.for %scan3A_640 = %scan3A_635 to %scan3A_637 step %scan3A_638  : i32 {
      %dma_wait3A_641 = arith.constant 0 : i32
      %dma_wait3A_642 = arith.constant 0 : i32
      %dma_wait3A_643 = tpu.memref_slice %arg5[%dma_wait3A_641, %dma_wait3A_642] : memref<26x512xi32, #tpu.memory_space<vmem>> -> memref<1x64xi32, #tpu.memory_space<vmem>>
      %dma_wait3A_644 = tpu.memref_squeeze %dma_wait3A_643 : memref<1x64xi32, #tpu.memory_space<vmem>> -> memref<64xi32, #tpu.memory_space<vmem>>
      %dma_wait3A_645 = arith.constant 0 : i32
      %dma_wait3A_646 = arith.constant 0 : i32
      %dma_wait3A_647 = tpu.memref_slice %arg3[%dma_wait3A_645, %dma_wait3A_646] : memref<26000x128xf32, #tpu.memory_space<hbm>> -> memref<26000x128xf32, #tpu.memory_space<hbm>>
      tpu.wait_indirect_dma semaphore(%arg15 : memref<!tpu.dma_semaphore, #tpu.memory_space<semaphore_mem>>) src(%dma_wait3A_647 : memref<26000x128xf32, #tpu.memory_space<hbm>>) dst(%arg6 : memref<64x128xf32, #tpu.memory_space<vmem>>)
      %add3A_648 = arith.constant 0 : i32
      %add3A_649 = arith.addi %multiple_of3A, %add3A_648 : i32
      %mul3A_650 = arith.constant 128 : i32
      %mul3A_651 = arith.muli %scan3A_640, %mul3A_650 : i32
      %dma_start3A_652 = tpu.memref_slice %arg4[%add3A_649, %mul3A_651] : memref<16384x3328xf32, #tpu.memory_space<hbm>> -> memref<64x128xf32, #tpu.memory_space<hbm>>
      %dma_start3A_653 = tpu.memref_slice %arg4[%add3A_649, %mul3A_651] : memref<16384x3328xf32, #tpu.memory_space<hbm>> -> memref<64x128xf32, #tpu.memory_space<hbm>>
      tpu.enqueue_dma source(%arg6 : memref<64x128xf32, #tpu.memory_space<vmem>>) target(%dma_start3A_653 : memref<64x128xf32, #tpu.memory_space<hbm>>) target_semaphore(%arg23 : memref<!tpu.dma_semaphore, #tpu.memory_space<semaphore_mem>>)
      %dma_wait3A_654 = arith.constant 0 : i32
      %dma_wait3A_655 = arith.constant 0 : i32
      %dma_wait3A_656 = tpu.memref_slice %arg5[%dma_wait3A_654, %dma_wait3A_655] : memref<26x512xi32, #tpu.memory_space<vmem>> -> memref<1x64xi32, #tpu.memory_space<vmem>>
      %dma_wait3A_657 = tpu.memref_squeeze %dma_wait3A_656 : memref<1x64xi32, #tpu.memory_space<vmem>> -> memref<64xi32, #tpu.memory_space<vmem>>
      %dma_wait3A_658 = arith.constant 0 : i32
      %dma_wait3A_659 = arith.constant 0 : i32
      %dma_wait3A_660 = tpu.memref_slice %arg3[%dma_wait3A_658, %dma_wait3A_659] : memref<26000x128xf32, #tpu.memory_space<hbm>> -> memref<26000x128xf32, #tpu.memory_space<hbm>>
      tpu.wait_indirect_dma semaphore(%arg16 : memref<!tpu.dma_semaphore, #tpu.memory_space<semaphore_mem>>) src(%dma_wait3A_660 : memref<26000x128xf32, #tpu.memory_space<hbm>>) dst(%arg7 : memref<64x128xf32, #tpu.memory_space<vmem>>)
      %add3A_661 = arith.constant 64 : i32
      %add3A_662 = arith.addi %multiple_of3A, %add3A_661 : i32
      %mul3A_663 = arith.constant 128 : i32
      %mul3A_664 = arith.muli %scan3A_640, %mul3A_663 : i32
      %dma_start3A_665 = tpu.memref_slice %arg4[%add3A_662, %mul3A_664] : memref<16384x3328xf32, #tpu.memory_space<hbm>> -> memref<64x128xf32, #tpu.memory_space<hbm>>
      %dma_start3A_666 = tpu.memref_slice %arg4[%add3A_662, %mul3A_664] : memref<16384x3328xf32, #tpu.memory_space<hbm>> -> memref<64x128xf32, #tpu.memory_space<hbm>>
      tpu.enqueue_dma source(%arg7 : memref<64x128xf32, #tpu.memory_space<vmem>>) target(%dma_start3A_666 : memref<64x128xf32, #tpu.memory_space<hbm>>) target_semaphore(%arg24 : memref<!tpu.dma_semaphore, #tpu.memory_space<semaphore_mem>>)
      %dma_wait3A_667 = arith.constant 0 : i32
      %dma_wait3A_668 = arith.constant 0 : i32
      %dma_wait3A_669 = tpu.memref_slice %arg5[%dma_wait3A_667, %dma_wait3A_668] : memref<26x512xi32, #tpu.memory_space<vmem>> -> memref<1x64xi32, #tpu.memory_space<vmem>>
      %dma_wait3A_670 = tpu.memref_squeeze %dma_wait3A_669 : memref<1x64xi32, #tpu.memory_space<vmem>> -> memref<64xi32, #tpu.memory_space<vmem>>
      %dma_wait3A_671 = arith.constant 0 : i32
      %dma_wait3A_672 = arith.constant 0 : i32
      %dma_wait3A_673 = tpu.memref_slice %arg3[%dma_wait3A_671, %dma_wait3A_672] : memref<26000x128xf32, #tpu.memory_space<hbm>> -> memref<26000x128xf32, #tpu.memory_space<hbm>>
      tpu.wait_indirect_dma semaphore(%arg17 : memref<!tpu.dma_semaphore, #tpu.memory_space<semaphore_mem>>) src(%dma_wait3A_673 : memref<26000x128xf32, #tpu.memory_space<hbm>>) dst(%arg8 : memref<64x128xf32, #tpu.memory_space<vmem>>)
      %add3A_674 = arith.constant 128 : i32
      %add3A_675 = arith.addi %multiple_of3A, %add3A_674 : i32
      %mul3A_676 = arith.constant 128 : i32
      %mul3A_677 = arith.muli %scan3A_640, %mul3A_676 : i32
      %dma_start3A_678 = tpu.memref_slice %arg4[%add3A_675, %mul3A_677] : memref<16384x3328xf32, #tpu.memory_space<hbm>> -> memref<64x128xf32, #tpu.memory_space<hbm>>
      %dma_start3A_679 = tpu.memref_slice %arg4[%add3A_675, %mul3A_677] : memref<16384x3328xf32, #tpu.memory_space<hbm>> -> memref<64x128xf32, #tpu.memory_space<hbm>>
      tpu.enqueue_dma source(%arg8 : memref<64x128xf32, #tpu.memory_space<vmem>>) target(%dma_start3A_679 : memref<64x128xf32, #tpu.memory_space<hbm>>) target_semaphore(%arg25 : memref<!tpu.dma_semaphore, #tpu.memory_space<semaphore_mem>>)
      %dma_wait3A_680 = arith.constant 0 : i32
      %dma_wait3A_681 = arith.constant 0 : i32
      %dma_wait3A_682 = tpu.memref_slice %arg5[%dma_wait3A_680, %dma_wait3A_681] : memref<26x512xi32, #tpu.memory_space<vmem>> -> memref<1x64xi32, #tpu.memory_space<vmem>>
      %dma_wait3A_683 = tpu.memref_squeeze %dma_wait3A_682 : memref<1x64xi32, #tpu.memory_space<vmem>> -> memref<64xi32, #tpu.memory_space<vmem>>
      %dma_wait3A_684 = arith.constant 0 : i32
      %dma_wait3A_685 = arith.constant 0 : i32
      %dma_wait3A_686 = tpu.memref_slice %arg3[%dma_wait3A_684, %dma_wait3A_685] : memref<26000x128xf32, #tpu.memory_space<hbm>> -> memref<26000x128xf32, #tpu.memory_space<hbm>>
      tpu.wait_indirect_dma semaphore(%arg18 : memref<!tpu.dma_semaphore, #tpu.memory_space<semaphore_mem>>) src(%dma_wait3A_686 : memref<26000x128xf32, #tpu.memory_space<hbm>>) dst(%arg9 : memref<64x128xf32, #tpu.memory_space<vmem>>)
      %add3A_687 = arith.constant 192 : i32
      %add3A_688 = arith.addi %multiple_of3A, %add3A_687 : i32
      %mul3A_689 = arith.constant 128 : i32
      %mul3A_690 = arith.muli %scan3A_640, %mul3A_689 : i32
      %dma_start3A_691 = tpu.memref_slice %arg4[%add3A_688, %mul3A_690] : memref<16384x3328xf32, #tpu.memory_space<hbm>> -> memref<64x128xf32, #tpu.memory_space<hbm>>
      %dma_start3A_692 = tpu.memref_slice %arg4[%add3A_688, %mul3A_690] : memref<16384x3328xf32, #tpu.memory_space<hbm>> -> memref<64x128xf32, #tpu.memory_space<hbm>>
      tpu.enqueue_dma source(%arg9 : memref<64x128xf32, #tpu.memory_space<vmem>>) target(%dma_start3A_692 : memref<64x128xf32, #tpu.memory_space<hbm>>) target_semaphore(%arg26 : memref<!tpu.dma_semaphore, #tpu.memory_space<semaphore_mem>>)
      %dma_wait3A_693 = arith.constant 0 : i32
      %dma_wait3A_694 = arith.constant 0 : i32
      %dma_wait3A_695 = tpu.memref_slice %arg5[%dma_wait3A_693, %dma_wait3A_694] : memref<26x512xi32, #tpu.memory_space<vmem>> -> memref<1x64xi32, #tpu.memory_space<vmem>>
      %dma_wait3A_696 = tpu.memref_squeeze %dma_wait3A_695 : memref<1x64xi32, #tpu.memory_space<vmem>> -> memref<64xi32, #tpu.memory_space<vmem>>
      %dma_wait3A_697 = arith.constant 0 : i32
      %dma_wait3A_698 = arith.constant 0 : i32
      %dma_wait3A_699 = tpu.memref_slice %arg3[%dma_wait3A_697, %dma_wait3A_698] : memref<26000x128xf32, #tpu.memory_space<hbm>> -> memref<26000x128xf32, #tpu.memory_space<hbm>>
      tpu.wait_indirect_dma semaphore(%arg19 : memref<!tpu.dma_semaphore, #tpu.memory_space<semaphore_mem>>) src(%dma_wait3A_699 : memref<26000x128xf32, #tpu.memory_space<hbm>>) dst(%arg10 : memref<64x128xf32, #tpu.memory_space<vmem>>)
      %add3A_700 = arith.constant 256 : i32
      %add3A_701 = arith.addi %multiple_of3A, %add3A_700 : i32
      %mul3A_702 = arith.constant 128 : i32
      %mul3A_703 = arith.muli %scan3A_640, %mul3A_702 : i32
      %dma_start3A_704 = tpu.memref_slice %arg4[%add3A_701, %mul3A_703] : memref<16384x3328xf32, #tpu.memory_space<hbm>> -> memref<64x128xf32, #tpu.memory_space<hbm>>
      %dma_start3A_705 = tpu.memref_slice %arg4[%add3A_701, %mul3A_703] : memref<16384x3328xf32, #tpu.memory_space<hbm>> -> memref<64x128xf32, #tpu.memory_space<hbm>>
      tpu.enqueue_dma source(%arg10 : memref<64x128xf32, #tpu.memory_space<vmem>>) target(%dma_start3A_705 : memref<64x128xf32, #tpu.memory_space<hbm>>) target_semaphore(%arg27 : memref<!tpu.dma_semaphore, #tpu.memory_space<semaphore_mem>>)
      %dma_wait3A_706 = arith.constant 0 : i32
      %dma_wait3A_707 = arith.constant 0 : i32
      %dma_wait3A_708 = tpu.memref_slice %arg5[%dma_wait3A_706, %dma_wait3A_707] : memref<26x512xi32, #tpu.memory_space<vmem>> -> memref<1x64xi32, #tpu.memory_space<vmem>>
      %dma_wait3A_709 = tpu.memref_squeeze %dma_wait3A_708 : memref<1x64xi32, #tpu.memory_space<vmem>> -> memref<64xi32, #tpu.memory_space<vmem>>
      %dma_wait3A_710 = arith.constant 0 : i32
      %dma_wait3A_711 = arith.constant 0 : i32
      %dma_wait3A_712 = tpu.memref_slice %arg3[%dma_wait3A_710, %dma_wait3A_711] : memref<26000x128xf32, #tpu.memory_space<hbm>> -> memref<26000x128xf32, #tpu.memory_space<hbm>>
      tpu.wait_indirect_dma semaphore(%arg20 : memref<!tpu.dma_semaphore, #tpu.memory_space<semaphore_mem>>) src(%dma_wait3A_712 : memref<26000x128xf32, #tpu.memory_space<hbm>>) dst(%arg11 : memref<64x128xf32, #tpu.memory_space<vmem>>)
      %add3A_713 = arith.constant 320 : i32
      %add3A_714 = arith.addi %multiple_of3A, %add3A_713 : i32
      %mul3A_715 = arith.constant 128 : i32
      %mul3A_716 = arith.muli %scan3A_640, %mul3A_715 : i32
      %dma_start3A_717 = tpu.memref_slice %arg4[%add3A_714, %mul3A_716] : memref<16384x3328xf32, #tpu.memory_space<hbm>> -> memref<64x128xf32, #tpu.memory_space<hbm>>
      %dma_start3A_718 = tpu.memref_slice %arg4[%add3A_714, %mul3A_716] : memref<16384x3328xf32, #tpu.memory_space<hbm>> -> memref<64x128xf32, #tpu.memory_space<hbm>>
      tpu.enqueue_dma source(%arg11 : memref<64x128xf32, #tpu.memory_space<vmem>>) target(%dma_start3A_718 : memref<64x128xf32, #tpu.memory_space<hbm>>) target_semaphore(%arg28 : memref<!tpu.dma_semaphore, #tpu.memory_space<semaphore_mem>>)
      %dma_wait3A_719 = arith.constant 0 : i32
      %dma_wait3A_720 = arith.constant 0 : i32
      %dma_wait3A_721 = tpu.memref_slice %arg5[%dma_wait3A_719, %dma_wait3A_720] : memref<26x512xi32, #tpu.memory_space<vmem>> -> memref<1x64xi32, #tpu.memory_space<vmem>>
      %dma_wait3A_722 = tpu.memref_squeeze %dma_wait3A_721 : memref<1x64xi32, #tpu.memory_space<vmem>> -> memref<64xi32, #tpu.memory_space<vmem>>
      %dma_wait3A_723 = arith.constant 0 : i32
      %dma_wait3A_724 = arith.constant 0 : i32
      %dma_wait3A_725 = tpu.memref_slice %arg3[%dma_wait3A_723, %dma_wait3A_724] : memref<26000x128xf32, #tpu.memory_space<hbm>> -> memref<26000x128xf32, #tpu.memory_space<hbm>>
      tpu.wait_indirect_dma semaphore(%arg21 : memref<!tpu.dma_semaphore, #tpu.memory_space<semaphore_mem>>) src(%dma_wait3A_725 : memref<26000x128xf32, #tpu.memory_space<hbm>>) dst(%arg12 : memref<64x128xf32, #tpu.memory_space<vmem>>)
      %add3A_726 = arith.constant 384 : i32
      %add3A_727 = arith.addi %multiple_of3A, %add3A_726 : i32
      %mul3A_728 = arith.constant 128 : i32
      %mul3A_729 = arith.muli %scan3A_640, %mul3A_728 : i32
      %dma_start3A_730 = tpu.memref_slice %arg4[%add3A_727, %mul3A_729] : memref<16384x3328xf32, #tpu.memory_space<hbm>> -> memref<64x128xf32, #tpu.memory_space<hbm>>
      %dma_start3A_731 = tpu.memref_slice %arg4[%add3A_727, %mul3A_729] : memref<16384x3328xf32, #tpu.memory_space<hbm>> -> memref<64x128xf32, #tpu.memory_space<hbm>>
      tpu.enqueue_dma source(%arg12 : memref<64x128xf32, #tpu.memory_space<vmem>>) target(%dma_start3A_731 : memref<64x128xf32, #tpu.memory_space<hbm>>) target_semaphore(%arg29 : memref<!tpu.dma_semaphore, #tpu.memory_space<semaphore_mem>>)
      %dma_wait3A_732 = arith.constant 0 : i32
      %dma_wait3A_733 = arith.constant 0 : i32
      %dma_wait3A_734 = tpu.memref_slice %arg5[%dma_wait3A_732, %dma_wait3A_733] : memref<26x512xi32, #tpu.memory_space<vmem>> -> memref<1x64xi32, #tpu.memory_space<vmem>>
      %dma_wait3A_735 = tpu.memref_squeeze %dma_wait3A_734 : memref<1x64xi32, #tpu.memory_space<vmem>> -> memref<64xi32, #tpu.memory_space<vmem>>
      %dma_wait3A_736 = arith.constant 0 : i32
      %dma_wait3A_737 = arith.constant 0 : i32
      %dma_wait3A_738 = tpu.memref_slice %arg3[%dma_wait3A_736, %dma_wait3A_737] : memref<26000x128xf32, #tpu.memory_space<hbm>> -> memref<26000x128xf32, #tpu.memory_space<hbm>>
      tpu.wait_indirect_dma semaphore(%arg22 : memref<!tpu.dma_semaphore, #tpu.memory_space<semaphore_mem>>) src(%dma_wait3A_738 : memref<26000x128xf32, #tpu.memory_space<hbm>>) dst(%arg13 : memref<64x128xf32, #tpu.memory_space<vmem>>)
      %add3A_739 = arith.constant 448 : i32
      %add3A_740 = arith.addi %multiple_of3A, %add3A_739 : i32
      %mul3A_741 = arith.constant 128 : i32
      %mul3A_742 = arith.muli %scan3A_640, %mul3A_741 : i32
      %dma_start3A_743 = tpu.memref_slice %arg4[%add3A_740, %mul3A_742] : memref<16384x3328xf32, #tpu.memory_space<hbm>> -> memref<64x128xf32, #tpu.memory_space<hbm>>
      %dma_start3A_744 = tpu.memref_slice %arg4[%add3A_740, %mul3A_742] : memref<16384x3328xf32, #tpu.memory_space<hbm>> -> memref<64x128xf32, #tpu.memory_space<hbm>>
      tpu.enqueue_dma source(%arg13 : memref<64x128xf32, #tpu.memory_space<vmem>>) target(%dma_start3A_744 : memref<64x128xf32, #tpu.memory_space<hbm>>) target_semaphore(%arg30 : memref<!tpu.dma_semaphore, #tpu.memory_space<semaphore_mem>>)
      %add3A_745 = arith.constant 0 : i32
      %add3A_746 = arith.addi %multiple_of3A, %add3A_745 : i32
      %dma_wait3A_747 = arith.constant 0 : i32
      %dma_wait3A_748 = tpu.memref_slice %arg4[%add3A_746, %dma_wait3A_747] : memref<16384x3328xf32, #tpu.memory_space<hbm>> -> memref<64x128xf32, #tpu.memory_space<hbm>>
      %dma_wait3A_749 = arith.constant 0 : i32
      %dma_wait3A_750 = tpu.memref_slice %arg4[%add3A_746, %dma_wait3A_749] : memref<16384x3328xf32, #tpu.memory_space<hbm>> -> memref<64x128xf32, #tpu.memory_space<hbm>>
      tpu.wait_dma2 semaphore(%arg23 : memref<!tpu.dma_semaphore, #tpu.memory_space<semaphore_mem>>) src(%arg6 : memref<64x128xf32, #tpu.memory_space<vmem>>) dst(%dma_wait3A_750 : memref<64x128xf32, #tpu.memory_space<hbm>>)
      %add3A_751 = arith.constant 1 : i32
      %add3A_752 = arith.addi %scan3A_640, %add3A_751 : i32
      %lt3A = arith.constant 26 : i32
      %lt3A_753 = arith.cmpi slt, %add3A_752, %lt3A : i32
      %convert_element_type3A = arith.extui %lt3A_753 : i1 to i32
      %cond3A = arith.constant 0 : i32
      %cond3A_754 = arith.cmpi ne, %convert_element_type3A, %cond3A : i32
      scf.if %cond3A_754 {
        %add3A_846 = arith.constant 1 : i32
        %add3A_847 = arith.addi %scan3A_640, %add3A_846 : i32
        %dma_start3A_848 = arith.constant 0 : i32
        %dma_start3A_849 = tpu.memref_slice %arg5[%add3A_847, %dma_start3A_848] : memref<26x512xi32, #tpu.memory_space<vmem>> -> memref<1x64xi32, #tpu.memory_space<vmem>>
        %dma_start3A_850 = tpu.memref_squeeze %dma_start3A_849 : memref<1x64xi32, #tpu.memory_space<vmem>> -> memref<64xi32, #tpu.memory_space<vmem>>
        %dma_start3A_851 = arith.constant 0 : i32
        %dma_start3A_852 = arith.constant 0 : i32
        %dma_start3A_853 = tpu.memref_slice %arg3[%dma_start3A_851, %dma_start3A_852] : memref<26000x128xf32, #tpu.memory_space<hbm>> -> memref<26000x128xf32, #tpu.memory_space<hbm>>
        tpu.enqueue_indirect_dma source(%dma_start3A_853 : memref<26000x128xf32, #tpu.memory_space<hbm>>) target(%arg6 : memref<64x128xf32, #tpu.memory_space<vmem>>) offsets(%dma_start3A_850 : memref<64xi32, #tpu.memory_space<vmem>>) semaphore(%arg15 : memref<!tpu.dma_semaphore, #tpu.memory_space<semaphore_mem>>)
      } else {
      }
      %add3A_755 = arith.constant 0 : i32
      %add3A_756 = arith.addi %multiple_of3A, %add3A_755 : i32
      %dma_wait3A_757 = arith.constant 0 : i32
      %dma_wait3A_758 = tpu.memref_slice %arg4[%add3A_756, %dma_wait3A_757] : memref<16384x3328xf32, #tpu.memory_space<hbm>> -> memref<64x128xf32, #tpu.memory_space<hbm>>
      %dma_wait3A_759 = arith.constant 0 : i32
      %dma_wait3A_760 = tpu.memref_slice %arg4[%add3A_756, %dma_wait3A_759] : memref<16384x3328xf32, #tpu.memory_space<hbm>> -> memref<64x128xf32, #tpu.memory_space<hbm>>
      tpu.wait_dma2 semaphore(%arg24 : memref<!tpu.dma_semaphore, #tpu.memory_space<semaphore_mem>>) src(%arg7 : memref<64x128xf32, #tpu.memory_space<vmem>>) dst(%dma_wait3A_760 : memref<64x128xf32, #tpu.memory_space<hbm>>)
      %add3A_761 = arith.constant 1 : i32
      %add3A_762 = arith.addi %scan3A_640, %add3A_761 : i32
      %lt3A_763 = arith.constant 26 : i32
      %lt3A_764 = arith.cmpi slt, %add3A_762, %lt3A_763 : i32
      %convert_element_type3A_765 = arith.extui %lt3A_764 : i1 to i32
      %cond3A_766 = arith.constant 0 : i32
      %cond3A_767 = arith.cmpi ne, %convert_element_type3A_765, %cond3A_766 : i32
      scf.if %cond3A_767 {
        %add3A_846 = arith.constant 1 : i32
        %add3A_847 = arith.addi %scan3A_640, %add3A_846 : i32
        %dma_start3A_848 = arith.constant 64 : i32
        %dma_start3A_849 = tpu.memref_slice %arg5[%add3A_847, %dma_start3A_848] : memref<26x512xi32, #tpu.memory_space<vmem>> -> memref<1x64xi32, #tpu.memory_space<vmem>>
        %dma_start3A_850 = tpu.memref_squeeze %dma_start3A_849 : memref<1x64xi32, #tpu.memory_space<vmem>> -> memref<64xi32, #tpu.memory_space<vmem>>
        %dma_start3A_851 = arith.constant 0 : i32
        %dma_start3A_852 = arith.constant 0 : i32
        %dma_start3A_853 = tpu.memref_slice %arg3[%dma_start3A_851, %dma_start3A_852] : memref<26000x128xf32, #tpu.memory_space<hbm>> -> memref<26000x128xf32, #tpu.memory_space<hbm>>
        tpu.enqueue_indirect_dma source(%dma_start3A_853 : memref<26000x128xf32, #tpu.memory_space<hbm>>) target(%arg7 : memref<64x128xf32, #tpu.memory_space<vmem>>) offsets(%dma_start3A_850 : memref<64xi32, #tpu.memory_space<vmem>>) semaphore(%arg16 : memref<!tpu.dma_semaphore, #tpu.memory_space<semaphore_mem>>)
      } else {
      }
      %add3A_768 = arith.constant 0 : i32
      %add3A_769 = arith.addi %multiple_of3A, %add3A_768 : i32
      %dma_wait3A_770 = arith.constant 0 : i32
      %dma_wait3A_771 = tpu.memref_slice %arg4[%add3A_769, %dma_wait3A_770] : memref<16384x3328xf32, #tpu.memory_space<hbm>> -> memref<64x128xf32, #tpu.memory_space<hbm>>
      %dma_wait3A_772 = arith.constant 0 : i32
      %dma_wait3A_773 = tpu.memref_slice %arg4[%add3A_769, %dma_wait3A_772] : memref<16384x3328xf32, #tpu.memory_space<hbm>> -> memref<64x128xf32, #tpu.memory_space<hbm>>
      tpu.wait_dma2 semaphore(%arg25 : memref<!tpu.dma_semaphore, #tpu.memory_space<semaphore_mem>>) src(%arg8 : memref<64x128xf32, #tpu.memory_space<vmem>>) dst(%dma_wait3A_773 : memref<64x128xf32, #tpu.memory_space<hbm>>)
      %add3A_774 = arith.constant 1 : i32
      %add3A_775 = arith.addi %scan3A_640, %add3A_774 : i32
      %lt3A_776 = arith.constant 26 : i32
      %lt3A_777 = arith.cmpi slt, %add3A_775, %lt3A_776 : i32
      %convert_element_type3A_778 = arith.extui %lt3A_777 : i1 to i32
      %cond3A_779 = arith.constant 0 : i32
      %cond3A_780 = arith.cmpi ne, %convert_element_type3A_778, %cond3A_779 : i32
      scf.if %cond3A_780 {
        %add3A_846 = arith.constant 1 : i32
        %add3A_847 = arith.addi %scan3A_640, %add3A_846 : i32
        %dma_start3A_848 = arith.constant 128 : i32
        %dma_start3A_849 = tpu.memref_slice %arg5[%add3A_847, %dma_start3A_848] : memref<26x512xi32, #tpu.memory_space<vmem>> -> memref<1x64xi32, #tpu.memory_space<vmem>>
        %dma_start3A_850 = tpu.memref_squeeze %dma_start3A_849 : memref<1x64xi32, #tpu.memory_space<vmem>> -> memref<64xi32, #tpu.memory_space<vmem>>
        %dma_start3A_851 = arith.constant 0 : i32
        %dma_start3A_852 = arith.constant 0 : i32
        %dma_start3A_853 = tpu.memref_slice %arg3[%dma_start3A_851, %dma_start3A_852] : memref<26000x128xf32, #tpu.memory_space<hbm>> -> memref<26000x128xf32, #tpu.memory_space<hbm>>
        tpu.enqueue_indirect_dma source(%dma_start3A_853 : memref<26000x128xf32, #tpu.memory_space<hbm>>) target(%arg8 : memref<64x128xf32, #tpu.memory_space<vmem>>) offsets(%dma_start3A_850 : memref<64xi32, #tpu.memory_space<vmem>>) semaphore(%arg17 : memref<!tpu.dma_semaphore, #tpu.memory_space<semaphore_mem>>)
      } else {
      }
      %add3A_781 = arith.constant 0 : i32
      %add3A_782 = arith.addi %multiple_of3A, %add3A_781 : i32
      %dma_wait3A_783 = arith.constant 0 : i32
      %dma_wait3A_784 = tpu.memref_slice %arg4[%add3A_782, %dma_wait3A_783] : memref<16384x3328xf32, #tpu.memory_space<hbm>> -> memref<64x128xf32, #tpu.memory_space<hbm>>
      %dma_wait3A_785 = arith.constant 0 : i32
      %dma_wait3A_786 = tpu.memref_slice %arg4[%add3A_782, %dma_wait3A_785] : memref<16384x3328xf32, #tpu.memory_space<hbm>> -> memref<64x128xf32, #tpu.memory_space<hbm>>
      tpu.wait_dma2 semaphore(%arg26 : memref<!tpu.dma_semaphore, #tpu.memory_space<semaphore_mem>>) src(%arg9 : memref<64x128xf32, #tpu.memory_space<vmem>>) dst(%dma_wait3A_786 : memref<64x128xf32, #tpu.memory_space<hbm>>)
      %add3A_787 = arith.constant 1 : i32
      %add3A_788 = arith.addi %scan3A_640, %add3A_787 : i32
      %lt3A_789 = arith.constant 26 : i32
      %lt3A_790 = arith.cmpi slt, %add3A_788, %lt3A_789 : i32
      %convert_element_type3A_791 = arith.extui %lt3A_790 : i1 to i32
      %cond3A_792 = arith.constant 0 : i32
      %cond3A_793 = arith.cmpi ne, %convert_element_type3A_791, %cond3A_792 : i32
      scf.if %cond3A_793 {
        %add3A_846 = arith.constant 1 : i32
        %add3A_847 = arith.addi %scan3A_640, %add3A_846 : i32
        %dma_start3A_848 = arith.constant 192 : i32
        %dma_start3A_849 = tpu.memref_slice %arg5[%add3A_847, %dma_start3A_848] : memref<26x512xi32, #tpu.memory_space<vmem>> -> memref<1x64xi32, #tpu.memory_space<vmem>>
        %dma_start3A_850 = tpu.memref_squeeze %dma_start3A_849 : memref<1x64xi32, #tpu.memory_space<vmem>> -> memref<64xi32, #tpu.memory_space<vmem>>
        %dma_start3A_851 = arith.constant 0 : i32
        %dma_start3A_852 = arith.constant 0 : i32
        %dma_start3A_853 = tpu.memref_slice %arg3[%dma_start3A_851, %dma_start3A_852] : memref<26000x128xf32, #tpu.memory_space<hbm>> -> memref<26000x128xf32, #tpu.memory_space<hbm>>
        tpu.enqueue_indirect_dma source(%dma_start3A_853 : memref<26000x128xf32, #tpu.memory_space<hbm>>) target(%arg9 : memref<64x128xf32, #tpu.memory_space<vmem>>) offsets(%dma_start3A_850 : memref<64xi32, #tpu.memory_space<vmem>>) semaphore(%arg18 : memref<!tpu.dma_semaphore, #tpu.memory_space<semaphore_mem>>)
      } else {
      }
      %add3A_794 = arith.constant 0 : i32
      %add3A_795 = arith.addi %multiple_of3A, %add3A_794 : i32
      %dma_wait3A_796 = arith.constant 0 : i32
      %dma_wait3A_797 = tpu.memref_slice %arg4[%add3A_795, %dma_wait3A_796] : memref<16384x3328xf32, #tpu.memory_space<hbm>> -> memref<64x128xf32, #tpu.memory_space<hbm>>
      %dma_wait3A_798 = arith.constant 0 : i32
      %dma_wait3A_799 = tpu.memref_slice %arg4[%add3A_795, %dma_wait3A_798] : memref<16384x3328xf32, #tpu.memory_space<hbm>> -> memref<64x128xf32, #tpu.memory_space<hbm>>
      tpu.wait_dma2 semaphore(%arg27 : memref<!tpu.dma_semaphore, #tpu.memory_space<semaphore_mem>>) src(%arg10 : memref<64x128xf32, #tpu.memory_space<vmem>>) dst(%dma_wait3A_799 : memref<64x128xf32, #tpu.memory_space<hbm>>)
      %add3A_800 = arith.constant 1 : i32
      %add3A_801 = arith.addi %scan3A_640, %add3A_800 : i32
      %lt3A_802 = arith.constant 26 : i32
      %lt3A_803 = arith.cmpi slt, %add3A_801, %lt3A_802 : i32
      %convert_element_type3A_804 = arith.extui %lt3A_803 : i1 to i32
      %cond3A_805 = arith.constant 0 : i32
      %cond3A_806 = arith.cmpi ne, %convert_element_type3A_804, %cond3A_805 : i32
      scf.if %cond3A_806 {
        %add3A_846 = arith.constant 1 : i32
        %add3A_847 = arith.addi %scan3A_640, %add3A_846 : i32
        %dma_start3A_848 = arith.constant 256 : i32
        %dma_start3A_849 = tpu.memref_slice %arg5[%add3A_847, %dma_start3A_848] : memref<26x512xi32, #tpu.memory_space<vmem>> -> memref<1x64xi32, #tpu.memory_space<vmem>>
        %dma_start3A_850 = tpu.memref_squeeze %dma_start3A_849 : memref<1x64xi32, #tpu.memory_space<vmem>> -> memref<64xi32, #tpu.memory_space<vmem>>
        %dma_start3A_851 = arith.constant 0 : i32
        %dma_start3A_852 = arith.constant 0 : i32
        %dma_start3A_853 = tpu.memref_slice %arg3[%dma_start3A_851, %dma_start3A_852] : memref<26000x128xf32, #tpu.memory_space<hbm>> -> memref<26000x128xf32, #tpu.memory_space<hbm>>
        tpu.enqueue_indirect_dma source(%dma_start3A_853 : memref<26000x128xf32, #tpu.memory_space<hbm>>) target(%arg10 : memref<64x128xf32, #tpu.memory_space<vmem>>) offsets(%dma_start3A_850 : memref<64xi32, #tpu.memory_space<vmem>>) semaphore(%arg19 : memref<!tpu.dma_semaphore, #tpu.memory_space<semaphore_mem>>)
      } else {
      }
      %add3A_807 = arith.constant 0 : i32
      %add3A_808 = arith.addi %multiple_of3A, %add3A_807 : i32
      %dma_wait3A_809 = arith.constant 0 : i32
      %dma_wait3A_810 = tpu.memref_slice %arg4[%add3A_808, %dma_wait3A_809] : memref<16384x3328xf32, #tpu.memory_space<hbm>> -> memref<64x128xf32, #tpu.memory_space<hbm>>
      %dma_wait3A_811 = arith.constant 0 : i32
      %dma_wait3A_812 = tpu.memref_slice %arg4[%add3A_808, %dma_wait3A_811] : memref<16384x3328xf32, #tpu.memory_space<hbm>> -> memref<64x128xf32, #tpu.memory_space<hbm>>
      tpu.wait_dma2 semaphore(%arg28 : memref<!tpu.dma_semaphore, #tpu.memory_space<semaphore_mem>>) src(%arg11 : memref<64x128xf32, #tpu.memory_space<vmem>>) dst(%dma_wait3A_812 : memref<64x128xf32, #tpu.memory_space<hbm>>)
      %add3A_813 = arith.constant 1 : i32
      %add3A_814 = arith.addi %scan3A_640, %add3A_813 : i32
      %lt3A_815 = arith.constant 26 : i32
      %lt3A_816 = arith.cmpi slt, %add3A_814, %lt3A_815 : i32
      %convert_element_type3A_817 = arith.extui %lt3A_816 : i1 to i32
      %cond3A_818 = arith.constant 0 : i32
      %cond3A_819 = arith.cmpi ne, %convert_element_type3A_817, %cond3A_818 : i32
      scf.if %cond3A_819 {
        %add3A_846 = arith.constant 1 : i32
        %add3A_847 = arith.addi %scan3A_640, %add3A_846 : i32
        %dma_start3A_848 = arith.constant 320 : i32
        %dma_start3A_849 = tpu.memref_slice %arg5[%add3A_847, %dma_start3A_848] : memref<26x512xi32, #tpu.memory_space<vmem>> -> memref<1x64xi32, #tpu.memory_space<vmem>>
        %dma_start3A_850 = tpu.memref_squeeze %dma_start3A_849 : memref<1x64xi32, #tpu.memory_space<vmem>> -> memref<64xi32, #tpu.memory_space<vmem>>
        %dma_start3A_851 = arith.constant 0 : i32
        %dma_start3A_852 = arith.constant 0 : i32
        %dma_start3A_853 = tpu.memref_slice %arg3[%dma_start3A_851, %dma_start3A_852] : memref<26000x128xf32, #tpu.memory_space<hbm>> -> memref<26000x128xf32, #tpu.memory_space<hbm>>
        tpu.enqueue_indirect_dma source(%dma_start3A_853 : memref<26000x128xf32, #tpu.memory_space<hbm>>) target(%arg11 : memref<64x128xf32, #tpu.memory_space<vmem>>) offsets(%dma_start3A_850 : memref<64xi32, #tpu.memory_space<vmem>>) semaphore(%arg20 : memref<!tpu.dma_semaphore, #tpu.memory_space<semaphore_mem>>)
      } else {
      }
      %add3A_820 = arith.constant 0 : i32
      %add3A_821 = arith.addi %multiple_of3A, %add3A_820 : i32
      %dma_wait3A_822 = arith.constant 0 : i32
      %dma_wait3A_823 = tpu.memref_slice %arg4[%add3A_821, %dma_wait3A_822] : memref<16384x3328xf32, #tpu.memory_space<hbm>> -> memref<64x128xf32, #tpu.memory_space<hbm>>
      %dma_wait3A_824 = arith.constant 0 : i32
      %dma_wait3A_825 = tpu.memref_slice %arg4[%add3A_821, %dma_wait3A_824] : memref<16384x3328xf32, #tpu.memory_space<hbm>> -> memref<64x128xf32, #tpu.memory_space<hbm>>
      tpu.wait_dma2 semaphore(%arg29 : memref<!tpu.dma_semaphore, #tpu.memory_space<semaphore_mem>>) src(%arg12 : memref<64x128xf32, #tpu.memory_space<vmem>>) dst(%dma_wait3A_825 : memref<64x128xf32, #tpu.memory_space<hbm>>)
      %add3A_826 = arith.constant 1 : i32
      %add3A_827 = arith.addi %scan3A_640, %add3A_826 : i32
      %lt3A_828 = arith.constant 26 : i32
      %lt3A_829 = arith.cmpi slt, %add3A_827, %lt3A_828 : i32
      %convert_element_type3A_830 = arith.extui %lt3A_829 : i1 to i32
      %cond3A_831 = arith.constant 0 : i32
      %cond3A_832 = arith.cmpi ne, %convert_element_type3A_830, %cond3A_831 : i32
      scf.if %cond3A_832 {
        %add3A_846 = arith.constant 1 : i32
        %add3A_847 = arith.addi %scan3A_640, %add3A_846 : i32
        %dma_start3A_848 = arith.constant 384 : i32
        %dma_start3A_849 = tpu.memref_slice %arg5[%add3A_847, %dma_start3A_848] : memref<26x512xi32, #tpu.memory_space<vmem>> -> memref<1x64xi32, #tpu.memory_space<vmem>>
        %dma_start3A_850 = tpu.memref_squeeze %dma_start3A_849 : memref<1x64xi32, #tpu.memory_space<vmem>> -> memref<64xi32, #tpu.memory_space<vmem>>
        %dma_start3A_851 = arith.constant 0 : i32
        %dma_start3A_852 = arith.constant 0 : i32
        %dma_start3A_853 = tpu.memref_slice %arg3[%dma_start3A_851, %dma_start3A_852] : memref<26000x128xf32, #tpu.memory_space<hbm>> -> memref<26000x128xf32, #tpu.memory_space<hbm>>
        tpu.enqueue_indirect_dma source(%dma_start3A_853 : memref<26000x128xf32, #tpu.memory_space<hbm>>) target(%arg12 : memref<64x128xf32, #tpu.memory_space<vmem>>) offsets(%dma_start3A_850 : memref<64xi32, #tpu.memory_space<vmem>>) semaphore(%arg21 : memref<!tpu.dma_semaphore, #tpu.memory_space<semaphore_mem>>)
      } else {
      }
      %add3A_833 = arith.constant 0 : i32
      %add3A_834 = arith.addi %multiple_of3A, %add3A_833 : i32
      %dma_wait3A_835 = arith.constant 0 : i32
      %dma_wait3A_836 = tpu.memref_slice %arg4[%add3A_834, %dma_wait3A_835] : memref<16384x3328xf32, #tpu.memory_space<hbm>> -> memref<64x128xf32, #tpu.memory_space<hbm>>
      %dma_wait3A_837 = arith.constant 0 : i32
      %dma_wait3A_838 = tpu.memref_slice %arg4[%add3A_834, %dma_wait3A_837] : memref<16384x3328xf32, #tpu.memory_space<hbm>> -> memref<64x128xf32, #tpu.memory_space<hbm>>
      tpu.wait_dma2 semaphore(%arg30 : memref<!tpu.dma_semaphore, #tpu.memory_space<semaphore_mem>>) src(%arg13 : memref<64x128xf32, #tpu.memory_space<vmem>>) dst(%dma_wait3A_838 : memref<64x128xf32, #tpu.memory_space<hbm>>)
      %add3A_839 = arith.constant 1 : i32
      %add3A_840 = arith.addi %scan3A_640, %add3A_839 : i32
      %lt3A_841 = arith.constant 26 : i32
      %lt3A_842 = arith.cmpi slt, %add3A_840, %lt3A_841 : i32
      %convert_element_type3A_843 = arith.extui %lt3A_842 : i1 to i32
      %cond3A_844 = arith.constant 0 : i32
      %cond3A_845 = arith.cmpi ne, %convert_element_type3A_843, %cond3A_844 : i32
      scf.if %cond3A_845 {
        %add3A_846 = arith.constant 1 : i32
        %add3A_847 = arith.addi %scan3A_640, %add3A_846 : i32
        %dma_start3A_848 = arith.constant 448 : i32
        %dma_start3A_849 = tpu.memref_slice %arg5[%add3A_847, %dma_start3A_848] : memref<26x512xi32, #tpu.memory_space<vmem>> -> memref<1x64xi32, #tpu.memory_space<vmem>>
        %dma_start3A_850 = tpu.memref_squeeze %dma_start3A_849 : memref<1x64xi32, #tpu.memory_space<vmem>> -> memref<64xi32, #tpu.memory_space<vmem>>
        %dma_start3A_851 = arith.constant 0 : i32
        %dma_start3A_852 = arith.constant 0 : i32
        %dma_start3A_853 = tpu.memref_slice %arg3[%dma_start3A_851, %dma_start3A_852] : memref<26000x128xf32, #tpu.memory_space<hbm>> -> memref<26000x128xf32, #tpu.memory_space<hbm>>
        tpu.enqueue_indirect_dma source(%dma_start3A_853 : memref<26000x128xf32, #tpu.memory_space<hbm>>) target(%arg13 : memref<64x128xf32, #tpu.memory_space<vmem>>) offsets(%dma_start3A_850 : memref<64xi32, #tpu.memory_space<vmem>>) semaphore(%arg22 : memref<!tpu.dma_semaphore, #tpu.memory_space<semaphore_mem>>)
      } else {
      }
    }
    %scan3A_639 = arith.constant 26 : i32
    return
  }
}

</mosaic_0001>

<sc_bundles>
// kernel: _sc_gather.3.cloned.1.call-start
scs
__scs_entry_jumppad:
0x0: {  	(pc) =	sbr.rel $0x88, $3  }
0x1: {  	(tag) =	ssettag $0x0;
	lr =	simm.s32 $0x1  }
0x2: {  	[smem:$0x3F9F] =	sst lr;
	_ =	strace $0xD0000000  }
0x3: {  	_ = 	snop  }
0x4: {  	_ = 	snop  }
0x5: {  	_ = 	snop  }
0x6: {  	_ = 	snop  }
0x7: {  	_ = 	snop  }
__scs_overlays_trampoline_lowered:
0x8: {  	[smem:$0x3FAE] =	sst s0  }
0x9: {  	[smem:$0x3FAF] =	sst s1  }
0xa: {  	[smem:$0x3FB0] =	sst s2  }
0xb: {  	[smem:$0x3FB1] =	sst s3  }
0xc: {  	[smem:$0x3FB2] =	sst s4  }
0xd: {  	[smem:$0x3FB3] =	sst s5  }
0xe: {  	[smem:$0x3FB4] =	sst s6  }
0xf: {  	[smem:$0x3FB5] =	sst s7  }
0x10: {  	[smem:$0x3FB6] =	sst s8  }
0x11: {  	[smem:$0x3FB7] =	sst s9;
	s0 =	simm.s32 @!p0 $0x0  }
0x12: {  	s1 =	sld [smem:$0x3F9D];
	s0 =	simm.s32 @p0 $0x1  }
0x13: {  	[smem:$0x3FB8] =	sst s0;
	s0 =	simm.s32 @!p1 $0x0  }
0x14: {  	s2 =	sld [smem:$0x3F9C];
	s0 =	simm.s32 @p1 $0x1  }
0x15: {  	[smem:$0x3FB9] =	sst s0;
	s0 =	simm.s32 @!p2 $0x0  }
0x16: {  	s3 =	sld [smem:$0x3FDB];
	s0 =	simm.s32 @p2 $0x1  }
0x17: {  	s4 =	simm.s32 $0x1BF5;
	[smem:$0x3FBB] =	sst s0  }
0x18: {  	s0 =	sld [smem:$0x3F9E];
	_ =	swait.ge [sflag:s4], $0x0  }
0x19: {  	s7 =	sld [smem:$0x3F9F]  }
0x1a: {  	s8 =	sadd.s32 $0xFFFFE003, lr  }
0x1b: {  	s9 =	sadd.s32 $0xFFFFFEF7, lr;
	s5 =	simm.s32 $0xFFFFFFFF;
	p2 =	slt.u32 s8, $0xFFFFF086  }
0x1c: {  	p1 =	slt.u32 s9, $0xF7A;
	s5 =	simm.s32 @!p2 $0x0  }
0x1d: {  	s5 =	simm.s32 @p1 $0x1;
	p0 =	seq.s32 s7, s2  }
0x1e: {  	s7 =	smul.u32 @!p0 $0xF7A, s2;
	p2 =	seq.s32 @!p0 s5, $0x0  }
0x1f: {  	s9 =	smul.u32 $0xF7A, s1;
	s8 =	simm.s32 @!p0 $0x1BF5;
	p2 =	por !p2, p0  }
0x20: {  	[sflag:s8] =	ssyncset.s32 @!p0 $0xFFFFF086;
	s6 =	sadd.s32 @!p0 s3, s7;
	s7 =	simm.s32 @!p0 $0x108  }
0x21: {  	s3 =	sadd.s32 s3, s9;
	s6 =	sadd.s32 @!p0 $0x88, s6;
	s7 =	simm.s32 @p2 $0x1082  }
0x22: {  	[simem:s7], [sflag:s8] =	dma.local @!p0 [hbm:s6], $0xF7A  }
0x23: {  	s9 =	sor.u32 $0xD0000000, s2;
	s6 =	simm.s32 $0x108;
	_ =	swait.ge @!p0 [sflag:s8], $0x0  }
0x24: {  	s3 =	sadd.s32 $0x88, s3;
	s6 =	simm.s32 @!p1 $0x1082;
	[sflag:s4] =	ssyncset.s32 $0xFFFFF086  }
0x25: {  	[simem:s6], [sflag:s4] =	dma.local [hbm:s3], $0xF7A  }
0x26: {  	[smem:$0x3F9F] =	sst s1;
	(tag) =	ssettag s2;
	_ =	strace s9  }
0x27: {  	s1 =	sld [smem:$0x3FAF]  }
0x28: {  	s2 =	sld [smem:$0x3FB0]  }
0x29: {  	s4 =	sld [smem:$0x3FB2]  }
0x2a: {  	p0 =	seq.s32 s5, $0x0;
	s5 =	sld [smem:$0x3FB3]  }
0x2b: {  	s6 =	sld [smem:$0x3FB4]  }
0x2c: {  	s7 =	sld [smem:$0x3FB5]  }
0x2d: {  	s3 =	simm.s32 $0x108;
	s8 =	sld [smem:$0x3FB6]  }
0x2e: {  	s3 =	simm.s32 @!p0 $0x1082;
	s9 =	sld [smem:$0x3FB7]  }
0x2f: {  	lr =	sadd.s32 s0, s3;
	s0 =	sld [smem:$0x3FAE]  }
0x30: {  	s3 =	sld [smem:$0x3FB1]  }
0x31: {  	[smem:$0x3FBA] =	sst s10  }
0x32: {  	s10 =	sld [smem:$0x3FB8];
	_ =	sdelay $0x3  }
0x33: {  	p0 =	seq.s32 s10, $0x1;
	s10 =	sld [smem:$0x3FBA];
	_ =	sdelay $0x3  }
0x34: {  	[smem:$0x3FBA] =	sst s10  }
0x35: {  	s10 =	sld [smem:$0x3FB9];
	_ =	sdelay $0x3  }
0x36: {  	p1 =	seq.s32 s10, $0x1;
	s10 =	sld [smem:$0x3FBA];
	_ =	sdelay $0x3  }
0x37: {  	[smem:$0x3FBA] =	sst s10  }
0x38: {  	s10 =	sld [smem:$0x3FBB]  }
0x39: {  	_ = 	snop;
	(pc) =	sbr.ind lr, $3  }
0x3a: {  	_ = 	snop  }
0x3b: {  	_ = 	snop  }
0x3c: {  	p2 =	seq.s32 s10, $0x1;
	s10 =	sld [smem:$0x3FBA]  }
0x3d: {  	_ =	shalt  }
0x3e: {  	_ =	shalt  }
0x3f: {  	_ =	shalt  }
0x40: {  	_ =	shalt  }
0x41: {  	_ =	shalt  }
0x42: {  	_ =	shalt  }
0x43: {  	_ =	shalt  }
0x44: {  	_ =	shalt  }
0x45: {  	_ =	shalt  }
0x46: {  	_ =	shalt  }
0x47: {  	_ =	shalt  }
0x48: {  	_ =	shalt  }
0x49: {  	_ =	shalt  }
0x4a: {  	_ =	shalt  }
0x4b: {  	_ =	shalt  }
0x4c: {  	_ =	shalt  }
0x4d: {  	_ =	shalt  }
0x4e: {  	_ =	shalt  }
0x4f: {  	_ =	shalt  }
0x50: {  	_ =	shalt  }
0x51: {  	_ =	shalt  }
0x52: {  	_ =	shalt  }
0x53: {  	_ =	shalt  }
0x54: {  	_ =	shalt  }
0x55: {  	_ =	shalt  }
0x56: {  	_ =	shalt  }
0x57: {  	_ =	shalt  }
0x58: {  	_ =	shalt  }
0x59: {  	_ =	shalt  }
0x5a: {  	_ =	shalt  }
0x5b: {  	_ =	shalt  }
0x5c: {  	_ =	shalt  }
0x5d: {  	_ =	shalt  }
0x5e: {  	_ =	shalt  }
0x5f: {  	_ =	shalt  }
0x60: {  	_ =	shalt  }
0x61: {  	_ =	shalt  }
0x62: {  	_ =	shalt  }
0x63: {  	_ =	shalt  }
0x64: {  	_ =	shalt  }
0x65: {  	_ =	shalt  }
0x66: {  	_ =	shalt  }
0x67: {  	_ =	shalt  }
0x68: {  	_ =	shalt  }
0x69: {  	_ =	shalt  }
0x6a: {  	_ =	shalt  }
0x6b: {  	_ =	shalt  }
0x6c: {  	_ =	shalt  }
0x6d: {  	_ =	shalt  }
0x6e: {  	_ =	shalt  }
0x6f: {  	_ =	shalt  }
0x70: {  	_ =	shalt  }
0x71: {  	_ =	shalt  }
0x72: {  	_ =	shalt  }
0x73: {  	_ =	shalt  }
0x74: {  	_ =	shalt  }
0x75: {  	_ =	shalt  }
0x76: {  	_ =	shalt  }
0x77: {  	_ =	shalt  }
0x78: {  	_ =	shalt  }
0x79: {  	_ =	shalt  }
0x7a: {  	_ =	shalt  }
0x7b: {  	_ =	shalt  }
0x7c: {  	_ =	shalt  }
0x7d: {  	_ =	shalt  }
0x7e: {  	_ =	shalt  }
0x7f: {  	_ =	shalt  }
0x80: {  	_ =	shalt  }
0x81: {  	_ =	shalt  }
0x82: {  	_ =	shalt  }
0x83: {  	_ =	shalt  }
0x84: {  	_ =	shalt  }
0x85: {  	_ =	shalt  }
0x86: {  	_ =	shalt  }
0x87: {  	_ =	shalt  }
.Lfunc_end0:
.L_simem_size_0:
called_computation_lowered:
.L_overlay_start_0:
0x88: {  	s2 =	sld [smem:$0x3FD9]  }
0x89: {  	s3 =	sld [smem:$0x3FFE];
	_ =	sdelay $0x1  }
0x8a: {  	s1 =	srdreg.scid  }
0x8b: {  	s0 =	sand.u32 $0x1, s1  }
0x8c: {  	s18 =	sshll.u32 s0, $0xA;
	s2 =	sadd.s32 s3, s2  }
0x8d: {  	s2 =	sadd.s32 s2, s18  }
0x8e: {  	[smem:$0x3FC6] =	sst s2  }
0x8f: {  	_ = 	snop  }
0x90: {  	s2 =	sld [smem:$0x3FC9]  }
0x91: {  	s19 =	sld [smem:$0x3FC8]  }
0x92: {  	s4 =	sld [smem:$0x3FD0];
	(tm) =	ssettm $0x1  }
0x93: {  	s5 =	sld [smem:$0x3FFB];
	_ =	sdelay $0x3  }
0x94: {  	_ =	strace s5  }
0x95: {  	s5 =	sld [smem:$0x3FFC];
	_ =	sdelay $0x3  }
0x96: {  	_ =	strace s5  }
0x97: {  	s5 =	sld [smem:$0x3FFD];
	_ =	sdelay $0x3  }
0x98: {  	_ =	strace s5  }
0x99: {  	_ =	strace $0x8FFFFFFF  }
0x9a: {  	s20 =	sld [smem:$0x3FDB];
	_ =	sdelay $0x1  }
0x9b: {  	s6 =	simm.s32 $_scs_section_size  }
0x9c: {  	s7 =	simm.s32 $_size__tile_overlayer_lowered;
	s8 =	simm.s32 $_tile_overlayer_lowered  }
0x9d: {  	s23 =	simm.s32 $0x1BFF;
	s22 =	sshll.u32 s8, $0x1;
	s5 =	sadd.s32 s6, s20  }
0x9e: {  	s9 =	simm.s32 $0x0;
	s21 =	sshll.u32 s7, $0x1;
	s7 =	sadd.s32 s22, s5  }
0x9f: {  	[timem:s9], [sflag:s23] =	dma.local [hbm:s7], s21  }
0xa0: {  	_ =	swait.ge [sflag:s23], s21  }
0xa1: {  	s6 =	ssub.s32 $0x0, s21;
	[sflag:s23] =	ssyncset.done $0x0  }
0xa2: {  	[sflag:s23] =	ssyncadd.s32 s6;
	_ =	sdelay $0x1  }
0xa3: {  	s24 =	simm.s32 $0x1B8B  }
0xa4: {  	_ =	swait.ge [sflag:s24], $0x1  }
0xa5: {  	[sflag:s24] =	ssyncset.done $0x0  }
0xa6: {  	s25 =	simm.s32 $0x1B8E;
	[sflag:s24] =	ssyncadd.s32 $0xFFFFFFFF  }
0xa7: {  	s26 =	simm.s32 $execute0_lowered;
	[smem:$0x3FD2] =	sst s25  }
0xa8: {  	s6 =	sshll.u32 s26, $0x1;
	_ =	strace $0x80000046;
	[dreg:$0x1] =	wrdreg $0xFFFFFFFF  }
0xa9: {  	s28 =	simm.s32 $_size_execute0_lowered;
	s5 =	sadd.s32 s5, s6;
	[dreg:$0x0] =	wrdreg $0x0  }
0xaa: {  	s6 =	sshll.u32 s28, $0x1;
	[dreg:$0x2] =	wrdreg s5  }
0xab: {  	[dreg:$0x3] =	wrdreg s6  }
0xac: {  	[dreg:$0x4] =	wrdreg $0xC0  }
0xad: {  	_ =	task [dreg:s9], $0x5FFFF  }
0xae: {  	[dreg:$0x1] =	wrdreg $0xFFFFFFFF  }
0xaf: {  	[dreg:$0x0] =	wrdreg $0x60  }
0xb0: {  	[dreg:$0x2] =	wrdreg s2  }
0xb1: {  	[dreg:$0x3] =	wrdreg s19  }
0xb2: {  	[dreg:$0x4] =	wrdreg s4  }
0xb3: {  	[dreg:$0x5] =	wrdreg $0x9  }
0xb4: {  	_ =	task.clear_ibuf [dreg:s9], $0x6FFFF;
	_ =	strace $0x90000046  }
0xb5: {  	s29 =	simm.s32 $0x9;
	_ =	strace $0x80000048  }
0xb6: {  	_ =	swait.ge [sflag:s29], $0x1  }
0xb7: {  	[sflag:s29] =	ssyncadd.s32 $0xFFFFFFFF  }
0xb8: {  	_ =	strace $0x90000048  }
0xb9: {  	_ =	sfence  }
0xba: {  	s30 =	sld [smem:$0x0];
	_ =	sdelay $0x2  }
0xbb: {  	s31 =	sshll.u32 s1, $0xD;
	s1 =	sshrl.u32 s1, $0x2  }
0xbc: {  	s3 =	sand.u32 $0x4000, s31;
	s1 =	sadd.s32 s1, s30  }
0xbd: {  	s0 =	sor.u32 s3, s0;
	s1 =	sshll.u32 s1, $0x11  }
0xbe: {  	s0 =	sor.u32 s1, s0  }
0xbf: {  	s0 =	sadd.s32 $0x8F2B, s0  }
0xc0: {  	[sflag:s0] =	ssyncadd.remote.s32 $0x1  }
0xc1: {  	_ =	sfence.sel $0xFFFF  }
0xc2: {  	[dreg:$0x0] =	wrdreg $0xFFFFFFFF;
	(pc) =	sbr.abs _section_cstart, $3  }
0xc3: {  	[dreg:$0x1] =	wrdreg $0xFFFFFFFF  }
0xc4: {  	_ =	task.clear_ibuf [dreg:s9], $0x2FFFF;
	_ =	strace $0x9FFFFFFF  }
0xc5: {  	(tm) =	ssettm $0x7FFFFFFF  }
tec
execute0_lowered:
.L_overlay_start_1:
0x0: {  	(tag) =	ssettag $0x1  }
0x1: {  	s4 =	srdreg.scid  }
0x2: {  	s0 =	rddreg [dreg:$0x0];
	s8 =	stileid.u32;
	s4 =	sand.u32 $0x1, s4  }
0x3: {  	s1 =	rddreg [dreg:$0x1];
	s5 =	sshll.u32 s8, $0x7;
	s6 =	sshll.u32 s4, $0x6  }
0x4: {  	s2 =	rddreg [dreg:$0x2];
	s3 =	simm.s32 $0x0;
	s5 =	sor.u32 s6, s5  }
0x5: {  	[smem:$0x7FF] =	sst s3;
	s9 =	sadd.s32 s0, s5  }
0x6: {  	_ =	strace $0x80000047;
	s22 =	sadd.s32 $0x800, s9;
	[dreg:$0x4] =	wrdreg s9  }
0x7: {  	s23 =	sadd.s32 $0x1000, s9;
	[dreg:$0x5] =	wrdreg s22  }
0x8: {  	s21 =	smul.u32 $0x340000, s8;
	s24 =	sadd.s32 $0x1800, s9;
	[dreg:$0x6] =	wrdreg s23  }
0x9: {  	s7 =	ssub.s32 $0x2, s4;
	s25 =	sadd.s32 $0x2000, s9;
	[dreg:$0x7] =	wrdreg s24  }
0xa: {  	s20 =	sshrl.u32 s7, $0x1;
	s26 =	sadd.s32 $0x2800, s9;
	[dreg:$0x8] =	wrdreg s25  }
0xb: {  	s5 =	ssub.s32 s7, s20;
	s7 =	sadd.s32 $0x3000, s9;
	[dreg:$0x9] =	wrdreg s26  }
0xc: {  	s4 =	smul.u32 $0x1A0000, s4;
	s8 =	sadd.s32 $0x3800, s9;
	[dreg:$0xa] =	wrdreg s7  }
0xd: {  	s10 =	sadd.s32 $0x4000, s9;
	[dreg:$0xb] =	wrdreg s8  }
0xe: {  	s0 =	sadd.s32 s4, s21;
	s12 =	sadd.s32 $0x4800, s9;
	[dreg:$0xc] =	wrdreg s10  }
0xf: {  	s11 =	sadd.s32 $0x16C000, s0;
	s13 =	sadd.s32 $0x5000, s9;
	[dreg:$0xd] =	wrdreg s12  }
0x10: {  	s14 =	sadd.s32 $0x5800, s9;
	s15 =	sadd.s32 $0x104000, s0;
	[dreg:$0xe] =	wrdreg s13  }
0x11: {  	s4 =	sshrl.u32 s11, $0x3;
	[dreg:$0xf] =	wrdreg s14;
	s11 =	sadd.s32 $0x6000, s9  }
0x12: {  	s16 =	sadd.s32 $0x9C000, s0;
	s12 =	smax.u32 s5, $0x1;
	[dreg:$0x18] =	wrdreg s11  }
0x13: {  	s17 =	sadd.s32 $0x34000, s0;
	s13 =	sadd.s32 $0x6800, s9;
	[dreg:$0x19] =	wrdreg s12  }
0x14: {  	s21 =	sadd.s32 $0x138000, s0;
	s14 =	sadd.s32 $0x7000, s9;
	[dreg:$0x1a] =	wrdreg s13  }
0x15: {  	s18 =	sshrl.u32 s16, $0x3;
	s16 =	sadd.s32 $0x8000, s9;
	[dreg:$0x1b] =	wrdreg s14  }
0x16: {  	s19 =	sshrl.u32 s17, $0x3;
	s17 =	sadd.s32 $0x8800, s9;
	[dreg:$0x1d] =	wrdreg s16  }
0x17: {  	s22 =	sadd.s32 $0xD0000, s0;
	s5 =	sadd.s32 $0x10, s9;
	[dreg:$0x1e] =	wrdreg s17  }
0x18: {  	s23 =	sadd.s32 $0x68000, s0;
	s7 =	sadd.s32 $0x30, s9;
	[smem:$0x7B0] =	sst s5  }
0x19: {  	s0 =	sshrl.u32 s0, $0x3;
	s20 =	sadd.s32 s19, s2;
	[smem:$0x7B2] =	sst s7  }
0x1a: {  	s24 =	sadd.s32 s4, s2;
	s0 =	sadd.s32 s0, s2;
	[dreg:$0x13] =	wrdreg s20  }
0x1b: {  	s4 =	sshrl.u32 s15, $0x3;
	s15 =	sadd.s32 $0x7800, s9;
	[dreg:$0x17] =	wrdreg s0  }
0x1c: {  	s26 =	sadd.s32 s18, s2;
	s18 =	sadd.s32 $0x9000, s9;
	[dreg:$0x1c] =	wrdreg s15  }
0x1d: {  	s19 =	sadd.s32 $0x9800, s9;
	[dreg:$0x1f] =	wrdreg s18  }
0x1e: {  	s6 =	sshrl.u32 s22, $0x3;
	s22 =	sadd.s32 $0xB000, s9;
	[smem:$0x7A9] =	sst s19  }
0x1f: {  	s8 =	sshrl.u32 s23, $0x3;
	s23 =	sadd.s32 $0xB800, s9;
	[smem:$0x7AC] =	sst s22  }
0x20: {  	s11 =	sadd.s32 $0x830, s9;
	[smem:$0x7AD] =	sst s23  }
0x21: {  	s12 =	sadd.s32 $0x1010, s9;
	[smem:$0x7B5] =	sst s11  }
0x22: {  	s13 =	sadd.s32 $0x1020, s9;
	[smem:$0x7B6] =	sst s12  }
0x23: {  	s14 =	sadd.s32 $0x1030, s9;
	[smem:$0x7B7] =	sst s13  }
0x24: {  	s16 =	sadd.s32 $0x1820, s9;
	[smem:$0x7B8] =	sst s14  }
0x25: {  	s17 =	sadd.s32 $0x1830, s9;
	[smem:$0x7BA] =	sst s16  }
0x26: {  	s5 =	sadd.s32 $0x3030, s9;
	[smem:$0x7BB] =	sst s17  }
0x27: {  	s7 =	sadd.s32 $0x3820, s9;
	[smem:$0x7C4] =	sst s5  }
0x28: {  	[smem:$0x7C6] =	sst s7  }
0x29: {  	[dreg:$0x10] =	wrdreg s24  }
0x2a: {  	s10 =	sadd.s32 s8, s2;
	[dreg:$0x12] =	wrdreg s26  }
0x2b: {  	s25 =	sadd.s32 s4, s2;
	s20 =	sadd.s32 $0xA000, s9;
	[dreg:$0x16] =	wrdreg s10  }
0x2c: {  	s4 =	sshrl.u32 s21, $0x3;
	s21 =	sadd.s32 $0xA800, s9;
	[smem:$0x7AA] =	sst s20  }
0x2d: {  	s8 =	sadd.s32 $0x810, s9;
	[smem:$0x7AB] =	sst s21  }
0x2e: {  	s15 =	sadd.s32 $0x1810, s9;
	[smem:$0x7B3] =	sst s8  }
0x2f: {  	s18 =	sadd.s32 $0x2010, s9;
	[smem:$0x7B9] =	sst s15  }
0x30: {  	s19 =	sadd.s32 $0x2020, s9;
	[smem:$0x7BC] =	sst s18  }
0x31: {  	s22 =	sadd.s32 $0x2820, s9;
	[smem:$0x7BD] =	sst s19  }
0x32: {  	s23 =	sadd.s32 $0x2830, s9;
	[smem:$0x7C0] =	sst s22  }
0x33: {  	s11 =	sadd.s32 $0x4020, s9;
	[smem:$0x7C1] =	sst s23  }
0x34: {  	s12 =	sadd.s32 $0x4030, s9;
	[smem:$0x7C9] =	sst s11  }
0x35: {  	s13 =	sadd.s32 $0x4810, s9;
	[smem:$0x7CA] =	sst s12  }
0x36: {  	s14 =	sadd.s32 $0x4820, s9;
	[smem:$0x7CB] =	sst s13  }
0x37: {  	s16 =	sadd.s32 $0x5010, s9;
	[smem:$0x7CC] =	sst s14  }
0x38: {  	s17 =	sadd.s32 $0x5020, s9;
	[smem:$0x7CE] =	sst s16  }
0x39: {  	s5 =	sadd.s32 $0x6820, s9;
	[smem:$0x7CF] =	sst s17  }
0x3a: {  	s7 =	sadd.s32 $0x7010, s9;
	[smem:$0x7D8] =	sst s5  }
0x3b: {  	[smem:$0x7DA] =	sst s7  }
0x3c: {  	s4 =	sadd.s32 s4, s2;
	[dreg:$0x11] =	wrdreg s25  }
0x3d: {  	s10 =	sadd.s32 $0x820, s9;
	[dreg:$0x14] =	wrdreg s4  }
0x3e: {  	s20 =	sadd.s32 $0x2030, s9;
	[smem:$0x7B4] =	sst s10  }
0x3f: {  	s21 =	sadd.s32 $0x2810, s9;
	[smem:$0x7BE] =	sst s20  }
0x40: {  	s8 =	sadd.s32 $0x3830, s9;
	[smem:$0x7BF] =	sst s21  }
0x41: {  	s15 =	sadd.s32 $0x4830, s9;
	[smem:$0x7C7] =	sst s8  }
0x42: {  	s18 =	sadd.s32 $0x5030, s9;
	[smem:$0x7CD] =	sst s15  }
0x43: {  	s19 =	sadd.s32 $0x5810, s9;
	[smem:$0x7D0] =	sst s18  }
0x44: {  	s22 =	sadd.s32 $0x6010, s9;
	[smem:$0x7D1] =	sst s19  }
0x45: {  	s23 =	sadd.s32 $0x6020, s9;
	[smem:$0x7D4] =	sst s22  }
0x46: {  	s11 =	sadd.s32 $0x7810, s9;
	[smem:$0x7D5] =	sst s23  }
0x47: {  	s12 =	sadd.s32 $0x7820, s9;
	[smem:$0x7DD] =	sst s11  }
0x48: {  	s13 =	sadd.s32 $0x7830, s9;
	[smem:$0x7DE] =	sst s12  }
0x49: {  	s14 =	sadd.s32 $0x8010, s9;
	[smem:$0x7DF] =	sst s13  }
0x4a: {  	s16 =	sadd.s32 $0x8030, s9;
	[smem:$0x7E0] =	sst s14  }
0x4b: {  	s17 =	sadd.s32 $0x8810, s9;
	[smem:$0x7E2] =	sst s16  }
0x4c: {  	s5 =	sadd.s32 $0xA010, s9;
	[smem:$0x7E3] =	sst s17  }
0x4d: {  	s7 =	sadd.s32 $0xA030, s9;
	[smem:$0x7EC] =	sst s5  }
0x4e: {  	s4 =	sadd.s32 s6, s2;
	[smem:$0x7EE] =	sst s7  }
0x4f: {  	s2 =	sadd.s32 $0xC000, s9;
	[dreg:$0x15] =	wrdreg s4  }
0x50: {  	s6 =	sadd.s32 $0x20, s9;
	[smem:$0x7AE] =	sst s2  }
0x51: {  	s10 =	sadd.s32 $0x4010, s9;
	[smem:$0x7B1] =	sst s6  }
0x52: {  	s20 =	sadd.s32 $0x5820, s9;
	[smem:$0x7C8] =	sst s10  }
0x53: {  	s21 =	sadd.s32 $0x5830, s9;
	[smem:$0x7D2] =	sst s20  }
0x54: {  	s8 =	sadd.s32 $0x7020, s9;
	[smem:$0x7D3] =	sst s21  }
0x55: {  	s15 =	sadd.s32 $0x8020, s9;
	[smem:$0x7DB] =	sst s8  }
0x56: {  	s18 =	sadd.s32 $0x8820, s9;
	[smem:$0x7E1] =	sst s15  }
0x57: {  	s19 =	sadd.s32 $0x8830, s9;
	[smem:$0x7E4] =	sst s18  }
0x58: {  	s22 =	sadd.s32 $0x9030, s9;
	[smem:$0x7E5] =	sst s19  }
0x59: {  	s23 =	sadd.s32 $0x9810, s9;
	[smem:$0x7E8] =	sst s22  }
0x5a: {  	s11 =	sadd.s32 $0xA830, s9;
	[smem:$0x7E9] =	sst s23  }
0x5b: {  	s12 =	sadd.s32 $0xB010, s9;
	[smem:$0x7F1] =	sst s11  }
0x5c: {  	s13 =	sadd.s32 $0xB020, s9;
	[smem:$0x7F2] =	sst s12  }
0x5d: {  	s14 =	sadd.s32 $0xB030, s9;
	[smem:$0x7F3] =	sst s13  }
0x5e: {  	s16 =	sadd.s32 $0xB820, s9;
	[smem:$0x7F4] =	sst s14  }
0x5f: {  	s17 =	sadd.s32 $0xB830, s9;
	[smem:$0x7F6] =	sst s16  }
0x60: {  	s4 =	sadd.s32 $0xC800, s9;
	[smem:$0x7F7] =	sst s17  }
0x61: {  	s2 =	sadd.s32 $0x3010, s9;
	[smem:$0x7AF] =	sst s4  }
0x62: {  	s6 =	sadd.s32 $0x3810, s9;
	[smem:$0x7C2] =	sst s2  }
0x63: {  	s28 =	simm.s32 $0x6000;
	s10 =	sadd.s32 $0x7030, s9;
	[smem:$0x7C5] =	sst s6  }
0x64: {  	s30 =	simm.s32 $0x6800;
	s20 =	sadd.s32 $0x9010, s9;
	[smem:$0x7DC] =	sst s10  }
0x65: {  	s29 =	simm.s32 $0xA000;
	s21 =	sadd.s32 $0x9020, s9;
	[smem:$0x7E6] =	sst s20  }
0x66: {  	s31 =	simm.s32 $0xC000;
	s8 =	sadd.s32 $0xA810, s9;
	[smem:$0x7E7] =	sst s21  }
0x67: {  	s0 =	simm.s32 $0x0;
	s15 =	sadd.s32 $0xB810, s9;
	[smem:$0x7EF] =	sst s8  }
0x68: {  	s7 =	simm.s32 $0x8;
	s18 =	sadd.s32 $0xC010, s9;
	[smem:$0x7F5] =	sst s15  }
0x69: {  	s19 =	sadd.s32 $0xC020, s9;
	s22 =	sadd.s32 $0xC820, s9;
	[smem:$0x7F8] =	sst s18  }
0x6a: {  	s23 =	sadd.s32 $0xC830, s9;
	s12 =	simm.s32 $0x1;
	[smem:$0x7F9] =	sst s19  }
0x6b: {  	s13 =	simm.s32 $0x40;
	s16 =	simm.s32 $0xB;
	[smem:$0x7FC] =	sst s22  }
0x6c: {  	s17 =	simm.s32 $0xC;
	s4 =	sadd.s32 $0x3020, s9;
	[smem:$0x7FD] =	sst s23  }
0x6d: {  	s11 =	simm.s32 $0x8000;
	s2 =	sadd.s32 $0x6030, s9;
	[smem:$0x7C3] =	sst s4  }
0x6e: {  	s6 =	sadd.s32 $0x6830, s9;
	s10 =	sadd.s32 $0xA820, s9;
	[smem:$0x7D6] =	sst s2  }
0x6f: {  	s20 =	sadd.s32 $0xC030, s9;
	s21 =	sadd.s32 $0xC810, s9;
	[smem:$0x7D9] =	sst s6  }
0x70: {  	s8 =	simm.s32 $0x9;
	s18 =	simm.s32 $0xD;
	[smem:$0x7F0] =	sst s10  }
0x71: {  	s19 =	simm.s32 $0xE;
	s22 =	simm.s32 $0x11;
	[smem:$0x7FA] =	sst s20  }
.Ltmp0:
0x72: {  	s4 =	sadd.s32 $0x6810, s9;
	[smem:$0x7FB] =	sst s21;
	(pc) =	sbr.rel .LBB2_1-.Ltmp0, $4  }
0x73: {  	s2 =	sadd.s32 $0x9820, s9;
	s6 =	sadd.s32 $0xA020, s9;
	[smem:$0x7D7] =	sst s4  }
0x74: {  	s20 =	simm.s32 $0xF;
	s21 =	simm.s32 $0x10;
	[smem:$0x7EA] =	sst s2  }
0x75: {  	s4 =	sadd.s32 $0x9830, s9;
	[smem:$0x7ED] =	sst s6;
	s9 =	simm.s32 $0x400  }
0x76: {  	s2 =	simm.s32 $0x10000;
	[smem:$0x7EB] =	sst s4;
	s4 =	simm.s32 $0xA  }
.LBB2_5:
0x77: {  	_ =	swait.ge [sflag:s16], $0x2000  }
0x78: {  	[sflag:s16] =	ssyncset.done $0x0  }
0x79: {  	[sflag:s16] =	ssyncadd.s32 $0xFFFFE000  }
0x7a: {  	_ =	swait.ge [sflag:s17], $0x2000  }
0x7b: {  	[sflag:s17] =	ssyncset.done $0x0  }
0x7c: {  	[sflag:s17] =	ssyncadd.s32 $0xFFFFE000  }
0x7d: {  	_ =	swait.ge [sflag:s18], $0x2000  }
0x7e: {  	[sflag:s18] =	ssyncset.done $0x0  }
0x7f: {  	[sflag:s18] =	ssyncadd.s32 $0xFFFFE000  }
0x80: {  	_ =	swait.ge [sflag:s19], $0x2000  }
0x81: {  	[sflag:s19] =	ssyncset.done $0x0  }
0x82: {  	[sflag:s19] =	ssyncadd.s32 $0xFFFFE000  }
0x83: {  	_ =	swait.ge [sflag:s20], $0x2000  }
0x84: {  	[sflag:s20] =	ssyncset.done $0x0  }
0x85: {  	[sflag:s20] =	ssyncadd.s32 $0xFFFFE000  }
0x86: {  	_ =	swait.ge [sflag:s21], $0x2000  }
0x87: {  	[sflag:s21] =	ssyncset.done $0x0  }
0x88: {  	[sflag:s21] =	ssyncadd.s32 $0xFFFFE000  }
0x89: {  	_ =	swait.ge [sflag:s22], $0x2000  }
0x8a: {  	[sflag:s22] =	ssyncset.done $0x0  }
0x8b: {  	[sflag:s22] =	ssyncadd.s32 $0xFFFFE000  }
.LBB2_7:
0x8c: {  	s0 =	sld [smem:$0x7A8];
	_ =	sdelay $0x2  }
0x8d: {  	s10 =	rddreg [dreg:$0x19];
	s0 =	sadd.s32 $0x1, s0  }
0x8e: {  	p0 =	sne.s32 s0, s10  }
.Ltmp1:
0x8f: {  	_ = 	snop;
	(pc) =	sbr.rel @!p0 .LBB2_8-.Ltmp1, $1  }
0x90: {  	_ =	sdelay $0x3  }
.LBB2_1:
0x91: {  	[smem:$0x7A8] =	sst s0  }
0x92: {  	s10 =	rddreg [dreg:$0x4]  }
0x93: {  	s15 =	sld [smem:$0x7B0]  }
0x94: {  	[tilespmem:s3], [sflag:$0x1] =	stream.linear.gather [hbm4b:s10+s3], $0x80, $0x38;
	[tilespmem:$0x14000] =	vst v63  }
0x95: {  	s23 =	sld [smem:$0x7B1]  }
0x96: {  	[tilespmem:s9], [sflag:$0x1] =	stream.linear.gather [hbm4b:s15+s3], $0x80, $0x38;
	[tilespmem:$0x14000] =	vst v63  }
0x97: {  	s14 =	simm.s32 $0x800;
	s24 =	sld [smem:$0x7B2]  }
0x98: {  	[tilespmem:s14], [sflag:$0x1] =	stream.linear.gather [hbm4b:s23+s3], $0x80, $0x38;
	[tilespmem:$0x14000] =	vst v63  }
0x99: {  	s25 =	simm.s32 $0xC00;
	s26 =	rddreg [dreg:$0x5]  }
0x9a: {  	[tilespmem:s25], [sflag:$0x1] =	stream.linear.gather [hbm4b:s24+s3], $0x80, $0x38;
	[tilespmem:$0x14000] =	vst v63  }
0x9b: {  	s0 =	simm.s32 $0x80;
	s5 =	sld [smem:$0x7B3]  }
0x9c: {  	[tilespmem:s0], [sflag:$0x1] =	stream.linear.gather [hbm4b:s26+s3], $0x80, $0x38;
	[tilespmem:$0x14000] =	vst v63  }
0x9d: {  	s6 =	simm.s32 $0x480;
	s15 =	sld [smem:$0x7B4]  }
0x9e: {  	[tilespmem:s6], [sflag:$0x1] =	stream.linear.gather [hbm4b:s5+s3], $0x80, $0x38;
	[tilespmem:$0x14000] =	vst v63  }
0x9f: {  	s23 =	simm.s32 $0x880;
	s24 =	sld [smem:$0x7B5]  }
0xa0: {  	[tilespmem:s23], [sflag:$0x1] =	stream.linear.gather [hbm4b:s15+s3], $0x80, $0x38;
	[tilespmem:$0x14000] =	vst v63  }
0xa1: {  	s25 =	simm.s32 $0xC80;
	s26 =	rddreg [dreg:$0x6]  }
0xa2: {  	[tilespmem:s25], [sflag:$0x1] =	stream.linear.gather [hbm4b:s24+s3], $0x80, $0x38;
	[tilespmem:$0x14000] =	vst v63  }
0xa3: {  	s0 =	simm.s32 $0x100;
	s5 =	sld [smem:$0x7B6]  }
0xa4: {  	[tilespmem:s0], [sflag:$0x1] =	stream.linear.gather [hbm4b:s26+s3], $0x80, $0x38;
	[tilespmem:$0x14000] =	vst v63  }
0xa5: {  	s6 =	simm.s32 $0x500;
	s15 =	sld [smem:$0x7B7]  }
0xa6: {  	[tilespmem:s6], [sflag:$0x1] =	stream.linear.gather [hbm4b:s5+s3], $0x80, $0x38;
	[tilespmem:$0x14000] =	vst v63  }
0xa7: {  	s23 =	simm.s32 $0x900;
	s24 =	sld [smem:$0x7B8]  }
0xa8: {  	[tilespmem:s23], [sflag:$0x1] =	stream.linear.gather [hbm4b:s15+s3], $0x80, $0x38;
	[tilespmem:$0x14000] =	vst v63  }
0xa9: {  	s25 =	simm.s32 $0xD00;
	s26 =	rddreg [dreg:$0x7]  }
0xaa: {  	[tilespmem:s25], [sflag:$0x1] =	stream.linear.gather [hbm4b:s24+s3], $0x80, $0x38;
	[tilespmem:$0x14000] =	vst v63  }
0xab: {  	s0 =	simm.s32 $0x180;
	s5 =	sld [smem:$0x7B9]  }
0xac: {  	[tilespmem:s0], [sflag:$0x1] =	stream.linear.gather [hbm4b:s26+s3], $0x80, $0x38;
	[tilespmem:$0x14000] =	vst v63  }
0xad: {  	s6 =	simm.s32 $0x580;
	s15 =	sld [smem:$0x7BA]  }
0xae: {  	[tilespmem:s6], [sflag:$0x1] =	stream.linear.gather [hbm4b:s5+s3], $0x80, $0x38;
	[tilespmem:$0x14000] =	vst v63  }
0xaf: {  	s23 =	simm.s32 $0x980;
	s24 =	sld [smem:$0x7BB]  }
0xb0: {  	[tilespmem:s23], [sflag:$0x1] =	stream.linear.gather [hbm4b:s15+s3], $0x80, $0x38;
	[tilespmem:$0x14000] =	vst v63  }
0xb1: {  	s25 =	simm.s32 $0xD80;
	s26 =	rddreg [dreg:$0x8]  }
0xb2: {  	[tilespmem:s25], [sflag:$0x1] =	stream.linear.gather [hbm4b:s24+s3], $0x80, $0x38;
	[tilespmem:$0x14000] =	vst v63  }
0xb3: {  	s0 =	simm.s32 $0x200;
	s5 =	sld [smem:$0x7BC]  }
0xb4: {  	[tilespmem:s0], [sflag:$0x1] =	stream.linear.gather [hbm4b:s26+s3], $0x80, $0x38;
	[tilespmem:$0x14000] =	vst v63  }
0xb5: {  	s6 =	simm.s32 $0x600;
	s15 =	sld [smem:$0x7BD]  }
0xb6: {  	[tilespmem:s6], [sflag:$0x1] =	stream.linear.gather [hbm4b:s5+s3], $0x80, $0x38;
	[tilespmem:$0x14000] =	vst v63  }
0xb7: {  	s23 =	simm.s32 $0xA00;
	s24 =	sld [smem:$0x7BE]  }
0xb8: {  	[tilespmem:s23], [sflag:$0x1] =	stream.linear.gather [hbm4b:s15+s3], $0x80, $0x38;
	[tilespmem:$0x14000] =	vst v63  }
0xb9: {  	s25 =	simm.s32 $0xE00;
	s26 =	rddreg [dreg:$0x9]  }
0xba: {  	[tilespmem:s25], [sflag:$0x1] =	stream.linear.gather [hbm4b:s24+s3], $0x80, $0x38;
	[tilespmem:$0x14000] =	vst v63  }
0xbb: {  	s0 =	simm.s32 $0x280;
	s5 =	sld [smem:$0x7BF]  }
0xbc: {  	[tilespmem:s0], [sflag:$0x1] =	stream.linear.gather [hbm4b:s26+s3], $0x80, $0x38;
	[tilespmem:$0x14000] =	vst v63  }
0xbd: {  	s6 =	simm.s32 $0x680;
	s15 =	sld [smem:$0x7C0]  }
0xbe: {  	[tilespmem:s6], [sflag:$0x1] =	stream.linear.gather [hbm4b:s5+s3], $0x80, $0x38;
	[tilespmem:$0x14000] =	vst v63  }
0xbf: {  	s23 =	simm.s32 $0xA80;
	s24 =	sld [smem:$0x7C1]  }
0xc0: {  	[tilespmem:s23], [sflag:$0x1] =	stream.linear.gather [hbm4b:s15+s3], $0x80, $0x38;
	[tilespmem:$0x14000] =	vst v63  }
0xc1: {  	s25 =	simm.s32 $0xE80;
	s26 =	rddreg [dreg:$0xa]  }
0xc2: {  	[tilespmem:s25], [sflag:$0x1] =	stream.linear.gather [hbm4b:s24+s3], $0x80, $0x38;
	[tilespmem:$0x14000] =	vst v63  }
0xc3: {  	s0 =	simm.s32 $0x300;
	s5 =	sld [smem:$0x7C2]  }
0xc4: {  	[tilespmem:s0], [sflag:$0x1] =	stream.linear.gather [hbm4b:s26+s3], $0x80, $0x38;
	[tilespmem:$0x14000] =	vst v63  }
0xc5: {  	s6 =	simm.s32 $0x700;
	s15 =	sld [smem:$0x7C3]  }
0xc6: {  	[tilespmem:s6], [sflag:$0x1] =	stream.linear.gather [hbm4b:s5+s3], $0x80, $0x38;
	[tilespmem:$0x14000] =	vst v63  }
0xc7: {  	s23 =	simm.s32 $0xB00;
	s24 =	sld [smem:$0x7C4]  }
0xc8: {  	[tilespmem:s23], [sflag:$0x1] =	stream.linear.gather [hbm4b:s15+s3], $0x80, $0x38;
	[tilespmem:$0x14000] =	vst v63  }
0xc9: {  	s25 =	simm.s32 $0xF00;
	s26 =	rddreg [dreg:$0xb]  }
0xca: {  	[tilespmem:s25], [sflag:$0x1] =	stream.linear.gather [hbm4b:s24+s3], $0x80, $0x38;
	[tilespmem:$0x14000] =	vst v63  }
0xcb: {  	s0 =	simm.s32 $0x380;
	s5 =	sld [smem:$0x7C5]  }
0xcc: {  	[tilespmem:s0], [sflag:$0x1] =	stream.linear.gather [hbm4b:s26+s3], $0x80, $0x38;
	[tilespmem:$0x14000] =	vst v63  }
0xcd: {  	s6 =	simm.s32 $0x780;
	s15 =	sld [smem:$0x7C6]  }
0xce: {  	[tilespmem:s6], [sflag:$0x1] =	stream.linear.gather [hbm4b:s5+s3], $0x80, $0x38;
	[tilespmem:$0x14000] =	vst v63  }
0xcf: {  	s23 =	simm.s32 $0xB80;
	s24 =	sld [smem:$0x7C7]  }
0xd0: {  	[tilespmem:s23], [sflag:$0x1] =	stream.linear.gather [hbm4b:s15+s3], $0x80, $0x38;
	[tilespmem:$0x14000] =	vst v63  }
0xd1: {  	s25 =	simm.s32 $0xF80;
	s26 =	rddreg [dreg:$0xc]  }
0xd2: {  	[tilespmem:s25], [sflag:$0x1] =	stream.linear.gather [hbm4b:s24+s3], $0x80, $0x38;
	[tilespmem:$0x14000] =	vst v63  }
0xd3: {  	s0 =	simm.s32 $0x1000;
	s5 =	sld [smem:$0x7C8]  }
0xd4: {  	[tilespmem:s0], [sflag:$0x1] =	stream.linear.gather [hbm4b:s26+s3], $0x80, $0x38;
	[tilespmem:$0x14000] =	vst v63  }
0xd5: {  	s6 =	simm.s32 $0x1400;
	s15 =	sld [smem:$0x7C9]  }
0xd6: {  	[tilespmem:s6], [sflag:$0x1] =	stream.linear.gather [hbm4b:s5+s3], $0x80, $0x38;
	[tilespmem:$0x14000] =	vst v63  }
0xd7: {  	s23 =	simm.s32 $0x1800;
	s24 =	sld [smem:$0x7CA]  }
0xd8: {  	[tilespmem:s23], [sflag:$0x1] =	stream.linear.gather [hbm4b:s15+s3], $0x80, $0x38;
	[tilespmem:$0x14000] =	vst v63  }
0xd9: {  	s25 =	simm.s32 $0x1C00;
	s26 =	rddreg [dreg:$0xd]  }
0xda: {  	[tilespmem:s25], [sflag:$0x1] =	stream.linear.gather [hbm4b:s24+s3], $0x80, $0x38;
	[tilespmem:$0x14000] =	vst v63  }
0xdb: {  	s0 =	simm.s32 $0x1080;
	s5 =	sld [smem:$0x7CB]  }
0xdc: {  	[tilespmem:s0], [sflag:$0x1] =	stream.linear.gather [hbm4b:s26+s3], $0x80, $0x38;
	[tilespmem:$0x14000] =	vst v63  }
0xdd: {  	s6 =	simm.s32 $0x1480;
	s15 =	sld [smem:$0x7CC]  }
0xde: {  	[tilespmem:s6], [sflag:$0x1] =	stream.linear.gather [hbm4b:s5+s3], $0x80, $0x38;
	[tilespmem:$0x14000] =	vst v63  }
0xdf: {  	s23 =	simm.s32 $0x1880;
	s24 =	sld [smem:$0x7CD]  }
0xe0: {  	[tilespmem:s23], [sflag:$0x1] =	stream.linear.gather [hbm4b:s15+s3], $0x80, $0x38;
	[tilespmem:$0x14000] =	vst v63  }
0xe1: {  	s25 =	simm.s32 $0x1C80;
	s26 =	rddreg [dreg:$0xe]  }
0xe2: {  	[tilespmem:s25], [sflag:$0x1] =	stream.linear.gather [hbm4b:s24+s3], $0x80, $0x38;
	[tilespmem:$0x14000] =	vst v63  }
0xe3: {  	s0 =	simm.s32 $0x1100;
	s5 =	sld [smem:$0x7CE]  }
0xe4: {  	[tilespmem:s0], [sflag:$0x1] =	stream.linear.gather [hbm4b:s26+s3], $0x80, $0x38;
	[tilespmem:$0x14000] =	vst v63  }
0xe5: {  	s6 =	simm.s32 $0x1500;
	s15 =	sld [smem:$0x7CF]  }
0xe6: {  	[tilespmem:s6], [sflag:$0x1] =	stream.linear.gather [hbm4b:s5+s3], $0x80, $0x38;
	[tilespmem:$0x14000] =	vst v63  }
0xe7: {  	s23 =	simm.s32 $0x1900;
	s24 =	sld [smem:$0x7D0]  }
0xe8: {  	[tilespmem:s23], [sflag:$0x1] =	stream.linear.gather [hbm4b:s15+s3], $0x80, $0x38;
	[tilespmem:$0x14000] =	vst v63  }
0xe9: {  	s25 =	simm.s32 $0x1D00;
	s26 =	rddreg [dreg:$0xf]  }
0xea: {  	[tilespmem:s25], [sflag:$0x1] =	stream.linear.gather [hbm4b:s24+s3], $0x80, $0x38;
	[tilespmem:$0x14000] =	vst v63  }
0xeb: {  	s0 =	simm.s32 $0x1180;
	s5 =	sld [smem:$0x7D1]  }
0xec: {  	[tilespmem:s0], [sflag:$0x1] =	stream.linear.gather [hbm4b:s26+s3], $0x80, $0x38;
	[tilespmem:$0x14000] =	vst v63  }
0xed: {  	s6 =	simm.s32 $0x1580;
	s15 =	sld [smem:$0x7D2]  }
0xee: {  	[tilespmem:s6], [sflag:$0x1] =	stream.linear.gather [hbm4b:s5+s3], $0x80, $0x38;
	[tilespmem:$0x14000] =	vst v63  }
0xef: {  	s23 =	simm.s32 $0x1980;
	s24 =	sld [smem:$0x7D3]  }
0xf0: {  	[tilespmem:s23], [sflag:$0x1] =	stream.linear.gather [hbm4b:s15+s3], $0x80, $0x38;
	[tilespmem:$0x14000] =	vst v63  }
0xf1: {  	s25 =	simm.s32 $0x1D80;
	s26 =	rddreg [dreg:$0x18]  }
0xf2: {  	[tilespmem:s25], [sflag:$0x1] =	stream.linear.gather [hbm4b:s24+s3], $0x80, $0x38;
	[tilespmem:$0x14000] =	vst v63  }
0xf3: {  	s0 =	simm.s32 $0x1200;
	s5 =	sld [smem:$0x7D4]  }
0xf4: {  	[tilespmem:s0], [sflag:$0x1] =	stream.linear.gather [hbm4b:s26+s3], $0x80, $0x38;
	[tilespmem:$0x14000] =	vst v63  }
0xf5: {  	s6 =	simm.s32 $0x1600;
	s15 =	sld [smem:$0x7D5]  }
0xf6: {  	[tilespmem:s6], [sflag:$0x1] =	stream.linear.gather [hbm4b:s5+s3], $0x80, $0x38;
	[tilespmem:$0x14000] =	vst v63  }
0xf7: {  	s23 =	simm.s32 $0x1A00;
	s24 =	sld [smem:$0x7D6]  }
0xf8: {  	[tilespmem:s23], [sflag:$0x1] =	stream.linear.gather [hbm4b:s15+s3], $0x80, $0x38;
	[tilespmem:$0x14000] =	vst v63  }
0xf9: {  	s25 =	simm.s32 $0x1E00;
	s26 =	rddreg [dreg:$0x1a]  }
0xfa: {  	[tilespmem:s25], [sflag:$0x1] =	stream.linear.gather [hbm4b:s24+s3], $0x80, $0x38;
	[tilespmem:$0x14000] =	vst v63  }
0xfb: {  	s0 =	simm.s32 $0x1280;
	s5 =	sld [smem:$0x7D7]  }
0xfc: {  	[tilespmem:s0], [sflag:$0x1] =	stream.linear.gather [hbm4b:s26+s3], $0x80, $0x38;
	[tilespmem:$0x14000] =	vst v63  }
0xfd: {  	s6 =	simm.s32 $0x1680;
	s15 =	sld [smem:$0x7D8]  }
0xfe: {  	[tilespmem:s6], [sflag:$0x1] =	stream.linear.gather [hbm4b:s5+s3], $0x80, $0x38;
	[tilespmem:$0x14000] =	vst v63  }
0xff: {  	s23 =	simm.s32 $0x1A80;
	s24 =	sld [smem:$0x7D9]  }
0x100: {  	[tilespmem:s23], [sflag:$0x1] =	stream.linear.gather [hbm4b:s15+s3], $0x80, $0x38;
	[tilespmem:$0x14000] =	vst v63  }
0x101: {  	s25 =	simm.s32 $0x1E80;
	s26 =	rddreg [dreg:$0x1b]  }
0x102: {  	[tilespmem:s25], [sflag:$0x1] =	stream.linear.gather [hbm4b:s24+s3], $0x80, $0x38;
	[tilespmem:$0x14000] =	vst v63  }
0x103: {  	s0 =	simm.s32 $0x1300;
	s5 =	sld [smem:$0x7DA]  }
0x104: {  	[tilespmem:s0], [sflag:$0x1] =	stream.linear.gather [hbm4b:s26+s3], $0x80, $0x38;
	[tilespmem:$0x14000] =	vst v63  }
0x105: {  	s6 =	simm.s32 $0x1700;
	s15 =	sld [smem:$0x7DB]  }
0x106: {  	[tilespmem:s6], [sflag:$0x1] =	stream.linear.gather [hbm4b:s5+s3], $0x80, $0x38;
	[tilespmem:$0x14000] =	vst v63  }
0x107: {  	s23 =	simm.s32 $0x1B00;
	s24 =	sld [smem:$0x7DC]  }
0x108: {  	[tilespmem:s23], [sflag:$0x1] =	stream.linear.gather [hbm4b:s15+s3], $0x80, $0x38;
	[tilespmem:$0x14000] =	vst v63  }
0x109: {  	s25 =	simm.s32 $0x1F00;
	s26 =	rddreg [dreg:$0x1c]  }
0x10a: {  	[tilespmem:s25], [sflag:$0x1] =	stream.linear.gather [hbm4b:s24+s3], $0x80, $0x38;
	[tilespmem:$0x14000] =	vst v63  }
0x10b: {  	s0 =	simm.s32 $0x1380;
	s5 =	sld [smem:$0x7DD]  }
0x10c: {  	[tilespmem:s0], [sflag:$0x1] =	stream.linear.gather [hbm4b:s26+s3], $0x80, $0x38;
	[tilespmem:$0x14000] =	vst v63  }
0x10d: {  	s6 =	simm.s32 $0x1780;
	s15 =	sld [smem:$0x7DE]  }
0x10e: {  	[tilespmem:s6], [sflag:$0x1] =	stream.linear.gather [hbm4b:s5+s3], $0x80, $0x38;
	[tilespmem:$0x14000] =	vst v63  }
0x10f: {  	s23 =	simm.s32 $0x1B80;
	s24 =	sld [smem:$0x7DF]  }
0x110: {  	[tilespmem:s23], [sflag:$0x1] =	stream.linear.gather [hbm4b:s15+s3], $0x80, $0x38;
	[tilespmem:$0x14000] =	vst v63  }
0x111: {  	s25 =	simm.s32 $0x1F80;
	s26 =	rddreg [dreg:$0x1d]  }
0x112: {  	[tilespmem:s25], [sflag:$0x1] =	stream.linear.gather [hbm4b:s24+s3], $0x80, $0x38;
	[tilespmem:$0x14000] =	vst v63  }
0x113: {  	s0 =	simm.s32 $0x2000;
	s5 =	sld [smem:$0x7E0]  }
0x114: {  	[tilespmem:s0], [sflag:$0x1] =	stream.linear.gather [hbm4b:s26+s3], $0x80, $0x38;
	[tilespmem:$0x14000] =	vst v63  }
0x115: {  	s6 =	simm.s32 $0x2400;
	s15 =	sld [smem:$0x7E1]  }
0x116: {  	[tilespmem:s6], [sflag:$0x1] =	stream.linear.gather [hbm4b:s5+s3], $0x80, $0x38;
	[tilespmem:$0x14000] =	vst v63  }
0x117: {  	s23 =	simm.s32 $0x2800;
	s24 =	sld [smem:$0x7E2]  }
0x118: {  	[tilespmem:s23], [sflag:$0x1] =	stream.linear.gather [hbm4b:s15+s3], $0x80, $0x38;
	[tilespmem:$0x14000] =	vst v63  }
0x119: {  	s25 =	simm.s32 $0x2C00;
	s26 =	rddreg [dreg:$0x1e]  }
0x11a: {  	[tilespmem:s25], [sflag:$0x1] =	stream.linear.gather [hbm4b:s24+s3], $0x80, $0x38;
	[tilespmem:$0x14000] =	vst v63  }
0x11b: {  	s0 =	simm.s32 $0x2080;
	s5 =	sld [smem:$0x7E3]  }
0x11c: {  	[tilespmem:s0], [sflag:$0x1] =	stream.linear.gather [hbm4b:s26+s3], $0x80, $0x38;
	[tilespmem:$0x14000] =	vst v63  }
0x11d: {  	s6 =	simm.s32 $0x2480;
	s15 =	sld [smem:$0x7E4]  }
0x11e: {  	[tilespmem:s6], [sflag:$0x1] =	stream.linear.gather [hbm4b:s5+s3], $0x80, $0x38;
	[tilespmem:$0x14000] =	vst v63  }
0x11f: {  	s23 =	simm.s32 $0x2880;
	s24 =	sld [smem:$0x7E5]  }
0x120: {  	[tilespmem:s23], [sflag:$0x1] =	stream.linear.gather [hbm4b:s15+s3], $0x80, $0x38;
	[tilespmem:$0x14000] =	vst v63  }
0x121: {  	s25 =	simm.s32 $0x2C80;
	s26 =	rddreg [dreg:$0x1f]  }
0x122: {  	[tilespmem:s25], [sflag:$0x1] =	stream.linear.gather [hbm4b:s24+s3], $0x80, $0x38;
	[tilespmem:$0x14000] =	vst v63  }
0x123: {  	s0 =	simm.s32 $0x2100;
	s5 =	sld [smem:$0x7E6]  }
0x124: {  	[tilespmem:s0], [sflag:$0x1] =	stream.linear.gather [hbm4b:s26+s3], $0x80, $0x38;
	[tilespmem:$0x14000] =	vst v63  }
0x125: {  	s6 =	simm.s32 $0x2500;
	s15 =	sld [smem:$0x7E7]  }
0x126: {  	[tilespmem:s6], [sflag:$0x1] =	stream.linear.gather [hbm4b:s5+s3], $0x80, $0x38;
	[tilespmem:$0x14000] =	vst v63  }
0x127: {  	s23 =	simm.s32 $0x2900;
	s24 =	sld [smem:$0x7E8]  }
0x128: {  	[tilespmem:s23], [sflag:$0x1] =	stream.linear.gather [hbm4b:s15+s3], $0x80, $0x38;
	[tilespmem:$0x14000] =	vst v63  }
0x129: {  	s25 =	simm.s32 $0x2D00;
	s26 =	sld [smem:$0x7A9]  }
0x12a: {  	[tilespmem:s25], [sflag:$0x1] =	stream.linear.gather [hbm4b:s24+s3], $0x80, $0x38;
	[tilespmem:$0x14000] =	vst v63  }
0x12b: {  	s0 =	simm.s32 $0x2180;
	s5 =	sld [smem:$0x7E9]  }
0x12c: {  	[tilespmem:s0], [sflag:$0x1] =	stream.linear.gather [hbm4b:s26+s3], $0x80, $0x38;
	[tilespmem:$0x14000] =	vst v63  }
0x12d: {  	s6 =	simm.s32 $0x2580;
	s15 =	sld [smem:$0x7EA]  }
0x12e: {  	[tilespmem:s6], [sflag:$0x1] =	stream.linear.gather [hbm4b:s5+s3], $0x80, $0x38;
	[tilespmem:$0x14000] =	vst v63  }
0x12f: {  	s23 =	simm.s32 $0x2980;
	s24 =	sld [smem:$0x7EB]  }
0x130: {  	[tilespmem:s23], [sflag:$0x1] =	stream.linear.gather [hbm4b:s15+s3], $0x80, $0x38;
	[tilespmem:$0x14000] =	vst v63  }
0x131: {  	s25 =	simm.s32 $0x2D80;
	s26 =	sld [smem:$0x7AA]  }
0x132: {  	[tilespmem:s25], [sflag:$0x1] =	stream.linear.gather [hbm4b:s24+s3], $0x80, $0x38;
	[tilespmem:$0x14000] =	vst v63  }
0x133: {  	s0 =	simm.s32 $0x2200;
	s5 =	sld [smem:$0x7EC]  }
0x134: {  	[tilespmem:s0], [sflag:$0x1] =	stream.linear.gather [hbm4b:s26+s3], $0x80, $0x38;
	[tilespmem:$0x14000] =	vst v63  }
0x135: {  	s6 =	simm.s32 $0x2600;
	s15 =	sld [smem:$0x7ED]  }
0x136: {  	[tilespmem:s6], [sflag:$0x1] =	stream.linear.gather [hbm4b:s5+s3], $0x80, $0x38;
	[tilespmem:$0x14000] =	vst v63  }
0x137: {  	s23 =	simm.s32 $0x2A00;
	s24 =	sld [smem:$0x7EE]  }
0x138: {  	[tilespmem:s23], [sflag:$0x1] =	stream.linear.gather [hbm4b:s15+s3], $0x80, $0x38;
	[tilespmem:$0x14000] =	vst v63  }
0x139: {  	s25 =	simm.s32 $0x2E00;
	s26 =	sld [smem:$0x7AB]  }
0x13a: {  	[tilespmem:s25], [sflag:$0x1] =	stream.linear.gather [hbm4b:s24+s3], $0x80, $0x38;
	[tilespmem:$0x14000] =	vst v63  }
0x13b: {  	s0 =	simm.s32 $0x2280;
	s5 =	sld [smem:$0x7EF]  }
0x13c: {  	[tilespmem:s0], [sflag:$0x1] =	stream.linear.gather [hbm4b:s26+s3], $0x80, $0x38;
	[tilespmem:$0x14000] =	vst v63  }
0x13d: {  	s6 =	simm.s32 $0x2680;
	s15 =	sld [smem:$0x7F0]  }
0x13e: {  	[tilespmem:s6], [sflag:$0x1] =	stream.linear.gather [hbm4b:s5+s3], $0x80, $0x38;
	[tilespmem:$0x14000] =	vst v63  }
0x13f: {  	s23 =	simm.s32 $0x2A80;
	s24 =	sld [smem:$0x7F1]  }
0x140: {  	[tilespmem:s23], [sflag:$0x1] =	stream.linear.gather [hbm4b:s15+s3], $0x80, $0x38;
	[tilespmem:$0x14000] =	vst v63  }
0x141: {  	s25 =	simm.s32 $0x2E80;
	s26 =	sld [smem:$0x7AC]  }
0x142: {  	[tilespmem:s25], [sflag:$0x1] =	stream.linear.gather [hbm4b:s24+s3], $0x80, $0x38;
	[tilespmem:$0x14000] =	vst v63  }
0x143: {  	s0 =	simm.s32 $0x2300;
	s5 =	sld [smem:$0x7F2]  }
0x144: {  	[tilespmem:s0], [sflag:$0x1] =	stream.linear.gather [hbm4b:s26+s3], $0x80, $0x38;
	[tilespmem:$0x14000] =	vst v63  }
0x145: {  	s6 =	simm.s32 $0x2700;
	s15 =	sld [smem:$0x7F3]  }
0x146: {  	[tilespmem:s6], [sflag:$0x1] =	stream.linear.gather [hbm4b:s5+s3], $0x80, $0x38;
	[tilespmem:$0x14000] =	vst v63  }
0x147: {  	s23 =	simm.s32 $0x2B00;
	s24 =	sld [smem:$0x7F4]  }
0x148: {  	[tilespmem:s23], [sflag:$0x1] =	stream.linear.gather [hbm4b:s15+s3], $0x80, $0x38;
	[tilespmem:$0x14000] =	vst v63  }
0x149: {  	s25 =	simm.s32 $0x2F00;
	s26 =	sld [smem:$0x7AD]  }
0x14a: {  	[tilespmem:s25], [sflag:$0x1] =	stream.linear.gather [hbm4b:s24+s3], $0x80, $0x38;
	[tilespmem:$0x14000] =	vst v63  }
0x14b: {  	s0 =	simm.s32 $0x2380;
	s5 =	sld [smem:$0x7F5]  }
0x14c: {  	[tilespmem:s0], [sflag:$0x1] =	stream.linear.gather [hbm4b:s26+s3], $0x80, $0x38;
	[tilespmem:$0x14000] =	vst v63  }
0x14d: {  	s6 =	simm.s32 $0x2780;
	s15 =	sld [smem:$0x7F6]  }
0x14e: {  	[tilespmem:s6], [sflag:$0x1] =	stream.linear.gather [hbm4b:s5+s3], $0x80, $0x38;
	[tilespmem:$0x14000] =	vst v63  }
0x14f: {  	s23 =	simm.s32 $0x2B80;
	s24 =	sld [smem:$0x7F7]  }
0x150: {  	[tilespmem:s23], [sflag:$0x1] =	stream.linear.gather [hbm4b:s15+s3], $0x80, $0x38;
	[tilespmem:$0x14000] =	vst v63  }
0x151: {  	s25 =	simm.s32 $0x2F80;
	s26 =	sld [smem:$0x7AE]  }
0x152: {  	[tilespmem:s25], [sflag:$0x1] =	stream.linear.gather [hbm4b:s24+s3], $0x80, $0x38;
	[tilespmem:$0x14000] =	vst v63  }
0x153: {  	s0 =	simm.s32 $0x3000;
	s5 =	sld [smem:$0x7F8]  }
0x154: {  	[tilespmem:s0], [sflag:$0x1] =	stream.linear.gather [hbm4b:s26+s3], $0x80, $0x38;
	[tilespmem:$0x14000] =	vst v63  }
0x155: {  	s6 =	simm.s32 $0x3400;
	s15 =	sld [smem:$0x7F9]  }
0x156: {  	[tilespmem:s6], [sflag:$0x1] =	stream.linear.gather [hbm4b:s5+s3], $0x80, $0x38;
	[tilespmem:$0x14000] =	vst v63  }
0x157: {  	s23 =	simm.s32 $0x3800;
	s24 =	sld [smem:$0x7FA]  }
0x158: {  	[tilespmem:s23], [sflag:$0x1] =	stream.linear.gather [hbm4b:s15+s3], $0x80, $0x38;
	[tilespmem:$0x14000] =	vst v63  }
0x159: {  	s25 =	simm.s32 $0x3C00;
	s26 =	sld [smem:$0x7AF]  }
0x15a: {  	[tilespmem:s25], [sflag:$0x1] =	stream.linear.gather [hbm4b:s24+s3], $0x80, $0x38;
	[tilespmem:$0x14000] =	vst v63  }
0x15b: {  	s0 =	simm.s32 $0x3080;
	s5 =	sld [smem:$0x7FB]  }
0x15c: {  	[tilespmem:s0], [sflag:$0x1] =	stream.linear.gather [hbm4b:s26+s3], $0x80, $0x38;
	[tilespmem:$0x14000] =	vst v63  }
0x15d: {  	s6 =	simm.s32 $0x3480;
	s15 =	sld [smem:$0x7FC]  }
0x15e: {  	[tilespmem:s6], [sflag:$0x1] =	stream.linear.gather [hbm4b:s5+s3], $0x80, $0x38;
	[tilespmem:$0x14000] =	vst v63  }
0x15f: {  	s23 =	simm.s32 $0x3880;
	s24 =	sld [smem:$0x7FD]  }
0x160: {  	[tilespmem:s23], [sflag:$0x1] =	stream.linear.gather [hbm4b:s15+s3], $0x80, $0x38;
	[tilespmem:$0x14000] =	vst v63  }
0x161: {  	s25 =	simm.s32 $0x3C80  }
0x162: {  	[tilespmem:s25], [sflag:$0x1] =	stream.linear.gather [hbm4b:s24+s3], $0x80, $0x38;
	[tilespmem:$0x14000] =	vst v63  }
0x163: {  	_ =	swait.ge [sflag:s12], $0x200  }
0x164: {  	[sflag:s12] =	ssyncset.done $0x0  }
0x165: {  	[sflag:s12] =	ssyncadd.s32 $0xFFFFFE00  }
0x166: {  	_ =	swait.ge [sflag:s12], $0x200  }
0x167: {  	[sflag:s12] =	ssyncset.done $0x0  }
0x168: {  	[sflag:s12] =	ssyncadd.s32 $0xFFFFFE00  }
0x169: {  	_ =	swait.ge [sflag:s12], $0x200  }
0x16a: {  	[sflag:s12] =	ssyncset.done $0x0  }
0x16b: {  	[sflag:s12] =	ssyncadd.s32 $0xFFFFFE00  }
0x16c: {  	_ =	swait.ge [sflag:s12], $0x200  }
0x16d: {  	[sflag:s12] =	ssyncset.done $0x0  }
0x16e: {  	[sflag:s12] =	ssyncadd.s32 $0xFFFFFE00  }
0x16f: {  	_ =	swait.ge [sflag:s12], $0x200  }
0x170: {  	[sflag:s12] =	ssyncset.done $0x0  }
0x171: {  	[sflag:s12] =	ssyncadd.s32 $0xFFFFFE00  }
0x172: {  	_ =	swait.ge [sflag:s12], $0x200  }
0x173: {  	[sflag:s12] =	ssyncset.done $0x0  }
0x174: {  	[sflag:s12] =	ssyncadd.s32 $0xFFFFFE00  }
0x175: {  	_ =	swait.ge [sflag:s12], $0x200  }
0x176: {  	[sflag:s12] =	ssyncset.done $0x0  }
0x177: {  	[sflag:s12] =	ssyncadd.s32 $0xFFFFFE00  }
0x178: {  	_ =	swait.ge [sflag:s12], $0x200  }
0x179: {  	[sflag:s12] =	ssyncset.done $0x0  }
0x17a: {  	[sflag:s12] =	ssyncadd.s32 $0xFFFFFE00  }
0x17b: {  	_ =	swait.ge [sflag:s12], $0x200  }
0x17c: {  	[sflag:s12] =	ssyncset.done $0x0  }
0x17d: {  	[sflag:s12] =	ssyncadd.s32 $0xFFFFFE00  }
0x17e: {  	_ =	swait.ge [sflag:s12], $0x200  }
0x17f: {  	[sflag:s12] =	ssyncset.done $0x0  }
0x180: {  	[sflag:s12] =	ssyncadd.s32 $0xFFFFFE00  }
0x181: {  	_ =	swait.ge [sflag:s12], $0x200  }
0x182: {  	[sflag:s12] =	ssyncset.done $0x0  }
0x183: {  	[sflag:s12] =	ssyncadd.s32 $0xFFFFFE00  }
0x184: {  	_ =	swait.ge [sflag:s12], $0x200  }
0x185: {  	[sflag:s12] =	ssyncset.done $0x0  }
0x186: {  	[sflag:s12] =	ssyncadd.s32 $0xFFFFFE00  }
0x187: {  	_ =	swait.ge [sflag:s12], $0x200  }
0x188: {  	[sflag:s12] =	ssyncset.done $0x0  }
0x189: {  	[sflag:s12] =	ssyncadd.s32 $0xFFFFFE00  }
0x18a: {  	_ =	swait.ge [sflag:s12], $0x200  }
0x18b: {  	[sflag:s12] =	ssyncset.done $0x0  }
0x18c: {  	[sflag:s12] =	ssyncadd.s32 $0xFFFFFE00  }
0x18d: {  	_ =	swait.ge [sflag:s12], $0x200  }
0x18e: {  	[sflag:s12] =	ssyncset.done $0x0  }
0x18f: {  	[sflag:s12] =	ssyncadd.s32 $0xFFFFFE00  }
0x190: {  	_ =	swait.ge [sflag:s12], $0x200  }
0x191: {  	[sflag:s12] =	ssyncset.done $0x0  }
0x192: {  	[sflag:s12] =	ssyncadd.s32 $0xFFFFFE00  }
0x193: {  	_ =	swait.ge [sflag:s12], $0x200  }
0x194: {  	[sflag:s12] =	ssyncset.done $0x0  }
0x195: {  	[sflag:s12] =	ssyncadd.s32 $0xFFFFFE00  }
0x196: {  	_ =	swait.ge [sflag:s12], $0x200  }
0x197: {  	[sflag:s12] =	ssyncset.done $0x0  }
0x198: {  	[sflag:s12] =	ssyncadd.s32 $0xFFFFFE00  }
0x199: {  	_ =	swait.ge [sflag:s12], $0x200  }
0x19a: {  	[sflag:s12] =	ssyncset.done $0x0  }
0x19b: {  	[sflag:s12] =	ssyncadd.s32 $0xFFFFFE00  }
0x19c: {  	_ =	swait.ge [sflag:s12], $0x200  }
0x19d: {  	[sflag:s12] =	ssyncset.done $0x0  }
0x19e: {  	[sflag:s12] =	ssyncadd.s32 $0xFFFFFE00  }
0x19f: {  	_ =	swait.ge [sflag:s12], $0x200  }
0x1a0: {  	[sflag:s12] =	ssyncset.done $0x0  }
0x1a1: {  	[sflag:s12] =	ssyncadd.s32 $0xFFFFFE00  }
0x1a2: {  	_ =	swait.ge [sflag:s12], $0x200  }
0x1a3: {  	[sflag:s12] =	ssyncset.done $0x0  }
0x1a4: {  	[sflag:s12] =	ssyncadd.s32 $0xFFFFFE00  }
0x1a5: {  	_ =	swait.ge [sflag:s12], $0x200  }
0x1a6: {  	[sflag:s12] =	ssyncset.done $0x0  }
0x1a7: {  	[sflag:s12] =	ssyncadd.s32 $0xFFFFFE00  }
0x1a8: {  	_ =	swait.ge [sflag:s12], $0x200  }
0x1a9: {  	[sflag:s12] =	ssyncset.done $0x0  }
0x1aa: {  	[sflag:s12] =	ssyncadd.s32 $0xFFFFFE00  }
0x1ab: {  	_ =	swait.ge [sflag:s12], $0x200  }
0x1ac: {  	[sflag:s12] =	ssyncset.done $0x0  }
0x1ad: {  	[sflag:s12] =	ssyncadd.s32 $0xFFFFFE00  }
0x1ae: {  	_ =	swait.ge [sflag:s12], $0x200  }
0x1af: {  	s26 =	sand.u32 $0x3000, s3;
	s15 =	sand.u32 $0x380, s3;
	[sflag:s12] =	ssyncset.done $0x0  }
0x1b0: {  	s23 =	sor.u32 s15, s26;
	[sflag:s12] =	ssyncadd.s32 $0xFFFFFE00  }
0x1b1: {  	v0 =	vld [tilespmem:s23+$0x0]  }
0x1b2: {  	v1 =	vld [tilespmem:s23+$0x10]  }
0x1b3: {  	v2 =	vld [tilespmem:s23+$0x20]  }
0x1b4: {  	v3 =	vld [tilespmem:s23+$0x30]  }
0x1b5: {  	v4 =	vld [tilespmem:s23+$0x40]  }
0x1b6: {  	v5 =	vld [tilespmem:s23+$0x50];
	v0 =	vadd.s32 s3, v0  }
0x1b7: {  	[tilespmem:s23+$0x0] =	vst v0;
	v0 =	vadd.s32 s3, v1;
	v1 =	vld [tilespmem:s23+$0x60]  }
0x1b8: {  	[tilespmem:s23+$0x10] =	vst v0;
	v0 =	vadd.s32 s3, v2;
	v2 =	vld [tilespmem:s23+$0x70]  }
0x1b9: {  	[tilespmem:s23+$0x20] =	vst v0;
	v0 =	vadd.s32 s3, v3;
	v3 =	vld [tilespmem:s23+$0x400]  }
0x1ba: {  	[tilespmem:s23+$0x30] =	vst v0;
	v0 =	vadd.s32 s3, v4;
	v4 =	vld [tilespmem:s23+$0x410]  }
0x1bb: {  	[tilespmem:s23+$0x40] =	vst v0;
	v0 =	vadd.s32 s3, v5;
	v5 =	vld [tilespmem:s23+$0x420]  }
0x1bc: {  	[tilespmem:s23+$0x50] =	vst v0;
	v0 =	vadd.s32 s3, v1;
	v1 =	vld [tilespmem:s23+$0x430]  }
0x1bd: {  	[tilespmem:s23+$0x60] =	vst v0;
	v0 =	vadd.s32 s3, v2;
	v2 =	vld [tilespmem:s23+$0x440]  }
0x1be: {  	[tilespmem:s23+$0x70] =	vst v0;
	v0 =	vadd.s32 s3, v3;
	v3 =	vld [tilespmem:s23+$0x450]  }
0x1bf: {  	[tilespmem:s23+$0x400] =	vst v0;
	v0 =	vadd.s32 s3, v4;
	v4 =	vld [tilespmem:s23+$0x460]  }
0x1c0: {  	[tilespmem:s23+$0x410] =	vst v0;
	v0 =	vadd.s32 s3, v5;
	v5 =	vld [tilespmem:s23+$0x470]  }
0x1c1: {  	[tilespmem:s23+$0x420] =	vst v0;
	v0 =	vadd.s32 s3, v1;
	v1 =	vld [tilespmem:s23+$0x800]  }
0x1c2: {  	[tilespmem:s23+$0x430] =	vst v0;
	v0 =	vadd.s32 s3, v2;
	v2 =	vld [tilespmem:s23+$0x810]  }
0x1c3: {  	[tilespmem:s23+$0x440] =	vst v0;
	v0 =	vadd.s32 s3, v3;
	v3 =	vld [tilespmem:s23+$0x820]  }
0x1c4: {  	[tilespmem:s23+$0x450] =	vst v0;
	v0 =	vadd.s32 s3, v4;
	v4 =	vld [tilespmem:s23+$0x830]  }
0x1c5: {  	[tilespmem:s23+$0x460] =	vst v0;
	v0 =	vadd.s32 s3, v5;
	v5 =	vld [tilespmem:s23+$0x840]  }
0x1c6: {  	[tilespmem:s23+$0x470] =	vst v0;
	v0 =	vadd.s32 s3, v1;
	v1 =	vld [tilespmem:s23+$0x850]  }
0x1c7: {  	[tilespmem:s23+$0x800] =	vst v0;
	v0 =	vadd.s32 s3, v2;
	v2 =	vld [tilespmem:s23+$0x860]  }
0x1c8: {  	v6 =	vld [tilespmem:s23+$0x870];
	[tilespmem:s23+$0x810] =	vst v0;
	v0 =	vadd.s32 s3, v3  }
0x1c9: {  	[tilespmem:s23+$0x820] =	vst v0;
	v0 =	vadd.s32 s3, v4;
	v4 =	vld [tilespmem:s23+$0xC00]  }
0x1ca: {  	v3 =	vld [tilespmem:s23+$0xC10];
	[tilespmem:s23+$0x830] =	vst v0;
	v0 =	vadd.s32 s3, v5  }
0x1cb: {  	[tilespmem:s23+$0x840] =	vst v0;
	v0 =	vadd.s32 s3, v1;
	v1 =	vld [tilespmem:s23+$0xC20]  }
0x1cc: {  	[tilespmem:s23+$0x850] =	vst v0;
	v2 =	vadd.s32 s3, v2;
	v0 =	vld [tilespmem:s23+$0xC30]  }
0x1cd: {  	s14 =	simm.s32 $0x0;
	v5 =	vadd.s32 s3, v6;
	[tilespmem:s23+$0x860] =	vst v2;
	v2 =	vld [tilespmem:s23+$0xC40]  }
0x1ce: {  	s15 =	simm.s32 $0x80;
	s24 =	simm.s32 $0x200;
	s25 =	simm.s32 $0x3E8;
	[tilespmem:s23+$0x870] =	vst v5;
	v5 =	vadd.s32 s3, v4;
	v4 =	vld [tilespmem:s23+$0xC50]  }
.LBB2_2:
0x1cf: {  	s26 =	sand.u32 $0x3000, s24;
	s10 =	sand.u32 $0x380, s15;
	p0 =	sne.s32 s25, $0x61A8;
	[tilespmem:s23+$0xC00] =	vst v5;
	v3 =	vadd.s32 s14, v3;
	v5 =	vld [tilespmem:s23+$0xC60]  }
0x1d0: {  	s10 =	sor.u32 s10, s26;
	[tilespmem:s23+$0xC10] =	vst v3;
	v1 =	vadd.s32 s14, v1;
	v3 =	vld [tilespmem:s23+$0xC70]  }
0x1d1: {  	v6 =	vld [tilespmem:s10+$0x0];
	[tilespmem:s23+$0xC20] =	vst v1;
	v0 =	vadd.s32 s14, v0  }
0x1d2: {  	v1 =	vld [tilespmem:s10+$0x10];
	[tilespmem:s23+$0xC30] =	vst v0;
	v0 =	vadd.s32 s14, v2  }
0x1d3: {  	v2 =	vld [tilespmem:s10+$0x20];
	[tilespmem:s23+$0xC40] =	vst v0;
	v0 =	vadd.s32 s14, v4  }
0x1d4: {  	v4 =	vld [tilespmem:s10+$0x30];
	[tilespmem:s23+$0xC50] =	vst v0;
	v0 =	vadd.s32 s14, v5  }
0x1d5: {  	v5 =	vld [tilespmem:s10+$0x40];
	[tilespmem:s23+$0xC60] =	vst v0;
	v0 =	vadd.s32 s14, v3;
	s14 =	smov.u32 s25  }
0x1d6: {  	v3 =	vadd.s32 s25, v6;
	v6 =	vld [tilespmem:s10+$0x50];
	[tilespmem:s23+$0xC70] =	vst v0;
	s23 =	smov.u32 s10  }
0x1d7: {  	[tilespmem:s23+$0x0] =	vst v3;
	v0 =	vadd.s32 s25, v1;
	v1 =	vld [tilespmem:s23+$0x60]  }
0x1d8: {  	[tilespmem:s23+$0x10] =	vst v0;
	v0 =	vadd.s32 s25, v2;
	v2 =	vld [tilespmem:s23+$0x70]  }
0x1d9: {  	[tilespmem:s23+$0x20] =	vst v0;
	v0 =	vadd.s32 s25, v4;
	v3 =	vld [tilespmem:s23+$0x400]  }
0x1da: {  	[tilespmem:s23+$0x30] =	vst v0;
	v0 =	vadd.s32 s25, v5;
	v4 =	vld [tilespmem:s23+$0x410]  }
0x1db: {  	[tilespmem:s23+$0x40] =	vst v0;
	v0 =	vadd.s32 s25, v6;
	v5 =	vld [tilespmem:s23+$0x420]  }
0x1dc: {  	[tilespmem:s23+$0x50] =	vst v0;
	v0 =	vadd.s32 s25, v1;
	v1 =	vld [tilespmem:s23+$0x430]  }
0x1dd: {  	[tilespmem:s23+$0x60] =	vst v0;
	v0 =	vadd.s32 s25, v2;
	v2 =	vld [tilespmem:s23+$0x440]  }
0x1de: {  	[tilespmem:s23+$0x70] =	vst v0;
	v0 =	vadd.s32 s25, v3;
	v3 =	vld [tilespmem:s23+$0x450]  }
0x1df: {  	[tilespmem:s23+$0x400] =	vst v0;
	v0 =	vadd.s32 s25, v4;
	v4 =	vld [tilespmem:s23+$0x460]  }
0x1e0: {  	[tilespmem:s23+$0x410] =	vst v0;
	v0 =	vadd.s32 s25, v5;
	v5 =	vld [tilespmem:s23+$0x470]  }
0x1e1: {  	[tilespmem:s23+$0x420] =	vst v0;
	v0 =	vadd.s32 s25, v1;
	v1 =	vld [tilespmem:s23+$0x800]  }
0x1e2: {  	[tilespmem:s23+$0x430] =	vst v0;
	v0 =	vadd.s32 s25, v2;
	v2 =	vld [tilespmem:s23+$0x810]  }
0x1e3: {  	[tilespmem:s23+$0x440] =	vst v0;
	v0 =	vadd.s32 s25, v3;
	v3 =	vld [tilespmem:s23+$0x820]  }
0x1e4: {  	[tilespmem:s23+$0x450] =	vst v0;
	v0 =	vadd.s32 s25, v4;
	v4 =	vld [tilespmem:s23+$0x830]  }
0x1e5: {  	[tilespmem:s23+$0x460] =	vst v0;
	v0 =	vadd.s32 s25, v5;
	v5 =	vld [tilespmem:s23+$0x840]  }
0x1e6: {  	[tilespmem:s23+$0x470] =	vst v0;
	v0 =	vadd.s32 s25, v1;
	v1 =	vld [tilespmem:s23+$0x850]  }
0x1e7: {  	[tilespmem:s23+$0x800] =	vst v0;
	v0 =	vadd.s32 s25, v2;
	v2 =	vld [tilespmem:s23+$0x860]  }
0x1e8: {  	[tilespmem:s23+$0x810] =	vst v0;
	v0 =	vadd.s32 s25, v3;
	v6 =	vld [tilespmem:s23+$0x870]  }
0x1e9: {  	[tilespmem:s23+$0x820] =	vst v0;
	v0 =	vadd.s32 s25, v4;
	v4 =	vld [tilespmem:s23+$0xC00]  }
.Ltmp2:
0x1ea: {  	[tilespmem:s23+$0x830] =	vst v0;
	v0 =	vadd.s32 s25, v5;
	v3 =	vld [tilespmem:s23+$0xC10];
	(pc) =	sbr.rel @p0 .LBB2_2-.Ltmp2, $4  }
0x1eb: {  	[tilespmem:s23+$0x840] =	vst v0;
	v0 =	vadd.s32 s25, v1;
	v1 =	vld [tilespmem:s23+$0xC20]  }
0x1ec: {  	[tilespmem:s23+$0x850] =	vst v0;
	v2 =	vadd.s32 s25, v2;
	v0 =	vld [tilespmem:s23+$0xC30]  }
0x1ed: {  	[tilespmem:s23+$0x860] =	vst v2;
	v5 =	vadd.s32 s25, v6;
	v2 =	vld [tilespmem:s23+$0xC40]  }
0x1ee: {  	s15 =	sadd.s32 $0x80, s15;
	s24 =	sadd.s32 $0x200, s24;
	s25 =	sadd.s32 $0x3E8, s25;
	[tilespmem:s23+$0x870] =	vst v5;
	v5 =	vadd.s32 s14, v4;
	v4 =	vld [tilespmem:s23+$0xC50]  }
0x1ef: {  	[tilespmem:s23+$0xC00] =	vst v5;
	v3 =	vadd.s32 s14, v3;
	v58 =	vld [tilespmem:s23+$0xC60]  }
0x1f0: {  	v59 =	vld [tilespmem:s23+$0xC70];
	[tilespmem:s23+$0xC10] =	vst v3;
	v1 =	vadd.s32 s14, v1  }
0x1f1: {  	[tilespmem:s23+$0xC20] =	vst v1;
	v0 =	vadd.s32 s14, v0  }
0x1f2: {  	[tilespmem:s23+$0xC30] =	vst v0;
	v60 =	vadd.s32 s14, v2  }
0x1f3: {  	[tilespmem:s23+$0xC40] =	vst v60;
	v61 =	vadd.s32 s14, v4  }
0x1f4: {  	[tilespmem:s23+$0xC50] =	vst v61;
	v62 =	vadd.s32 s14, v58  }
0x1f5: {  	v63 =	vadd.s32 s14, v59;
	[tilespmem:s23+$0xC60] =	vst v62  }
0x1f6: {  	[tilespmem:s23+$0xC70] =	vst v63;
	s23 =	simm.s32 $0x4000  }
0x1f7: {  	[tilespmem:s23], [sflag:$0x2] =	stream.indirect.gather [hbm4b:s1+s13], $0x80, s3, s13, $0xb8;
	[tilespmem:$0x14000] =	vst v63  }
0x1f8: {  	_ = 	snop  }
0x1f9: {  	[tilespmem:s28], [sflag:$0x3] =	stream.indirect.gather [hbm4b:s1+s13], $0x80, s13, s13, $0xb8;
	[tilespmem:$0x14000] =	vst v63  }
0x1fa: {  	_ = 	snop  }
0x1fb: {  	[tilespmem:s11], [sflag:$0x4] =	stream.indirect.gather [hbm4b:s1+s13], $0x80, s9, s13, $0xb8;
	[tilespmem:$0x14000] =	vst v63  }
0x1fc: {  	s10 =	simm.s32 $0x440  }
0x1fd: {  	[tilespmem:s29], [sflag:$0x5] =	stream.indirect.gather [hbm4b:s1+s13], $0x80, s10, s13, $0xb8;
	[tilespmem:$0x14000] =	vst v63  }
0x1fe: {  	s15 =	simm.s32 $0x800  }
0x1ff: {  	[tilespmem:s31], [sflag:$0x6] =	stream.indirect.gather [hbm4b:s1+s13], $0x80, s15, s13, $0xb8;
	[tilespmem:$0x14000] =	vst v63  }
0x200: {  	s24 =	simm.s32 $0x840;
	s0 =	simm.s32 $0xE000  }
0x201: {  	[tilespmem:s0], [sflag:$0x7] =	stream.indirect.gather [hbm4b:s1+s13], $0x80, s24, s13, $0xb8;
	[tilespmem:$0x14000] =	vst v63  }
0x202: {  	s25 =	simm.s32 $0xC00;
	s24 =	rddreg [dreg:$0x10]  }
0x203: {  	[tilespmem:s2], [sflag:$0x8] =	stream.indirect.gather [hbm4b:s1+s13], $0x80, s25, s13, $0xb8;
	[tilespmem:$0x14000] =	vst v63  }
0x204: {  	s26 =	simm.s32 $0xC40;
	s5 =	simm.s32 $0x12000;
	s25 =	rddreg [dreg:$0x11]  }
0x205: {  	[tilespmem:s5], [sflag:$0x9] =	stream.indirect.gather [hbm4b:s1+s13], $0x80, s26, s13, $0xb8;
	[tilespmem:$0x14000] =	vst v63  }
0x206: {  	s14 =	simm.s32 $0x80;
	s15 =	simm.s32 $0x200;
	s26 =	rddreg [dreg:$0x12]  }
.LBB2_4:
0x207: {  	s6 =	simm.s32 $0x2  }
0x208: {  	_ =	swait.ge [sflag:s6], $0x2000  }
0x209: {  	s10 =	rddreg [dreg:$0x17]  }
0x20a: {  	[sflag:s6] =	ssyncset.done $0x0;
	s10 =	sadd.s32 s14, s10  }
0x20b: {  	[sflag:s6] =	ssyncadd.s32 $0xFFFFE000;
	s6 =	simm.s32 $0x3;
	s10 =	sadd.s32 $0xFFFFFF80, s10  }
0x20c: {  	[hbm4b:s10+s9] =	stream.strided.scatter [tilespmem:s23], [sflag:$0xA], $0x2000, s30, s9, $0x38;
	[tilespmem:$0x14000] =	vst v63  }
0x20d: {  	_ =	swait.ge [sflag:s6], $0x2000  }
0x20e: {  	s23 =	rddreg [dreg:$0x13]  }
0x20f: {  	[sflag:s6] =	ssyncset.done $0x0;
	s10 =	sadd.s32 s14, s23  }
0x210: {  	[sflag:s6] =	ssyncadd.s32 $0xFFFFE000;
	s6 =	simm.s32 $0x4;
	s10 =	sadd.s32 $0xFFFFFF80, s10  }
0x211: {  	[hbm4b:s10+s9] =	stream.strided.scatter [tilespmem:s28], [sflag:$0xB], $0x2000, s30, s9, $0x38;
	[tilespmem:$0x14000] =	vst v63  }
0x212: {  	_ =	swait.ge [sflag:s6], $0x2000  }
0x213: {  	s23 =	rddreg [dreg:$0x16]  }
0x214: {  	[sflag:s6] =	ssyncset.done $0x0;
	s10 =	sadd.s32 s14, s23  }
0x215: {  	[sflag:s6] =	ssyncadd.s32 $0xFFFFE000;
	s10 =	sadd.s32 $0xFFFFFF80, s10  }
0x216: {  	[hbm4b:s10+s9] =	stream.strided.scatter [tilespmem:s11], [sflag:$0xC], $0x2000, s30, s9, $0x38;
	[tilespmem:$0x14000] =	vst v63  }
0x217: {  	s10 =	simm.s32 $0x5  }
0x218: {  	_ =	swait.ge [sflag:s10], $0x2000  }
0x219: {  	s23 =	sadd.s32 s14, s26;
	[sflag:s10] =	ssyncset.done $0x0  }
0x21a: {  	s6 =	simm.s32 $0x6;
	[sflag:s10] =	ssyncadd.s32 $0xFFFFE000;
	s10 =	sadd.s32 $0xFFFFFF80, s23  }
0x21b: {  	[hbm4b:s10+s9] =	stream.strided.scatter [tilespmem:s29], [sflag:$0xD], $0x2000, s30, s9, $0x38;
	[tilespmem:$0x14000] =	vst v63  }
0x21c: {  	_ =	swait.ge [sflag:s6], $0x2000  }
0x21d: {  	s23 =	rddreg [dreg:$0x15]  }
0x21e: {  	[sflag:s6] =	ssyncset.done $0x0;
	s10 =	sadd.s32 s14, s23  }
0x21f: {  	[sflag:s6] =	ssyncadd.s32 $0xFFFFE000;
	s10 =	sadd.s32 $0xFFFFFF80, s10  }
0x220: {  	[hbm4b:s10+s9] =	stream.strided.scatter [tilespmem:s31], [sflag:$0xE], $0x2000, s30, s9, $0x38;
	[tilespmem:$0x14000] =	vst v63  }
0x221: {  	s10 =	simm.s32 $0x7  }
0x222: {  	_ =	swait.ge [sflag:s10], $0x2000  }
0x223: {  	s23 =	sadd.s32 s14, s25;
	[sflag:s10] =	ssyncset.done $0x0  }
0x224: {  	[sflag:s10] =	ssyncadd.s32 $0xFFFFE000;
	s10 =	sadd.s32 $0xFFFFFF80, s23  }
0x225: {  	[hbm4b:s10+s9] =	stream.strided.scatter [tilespmem:s0], [sflag:$0xF], $0x2000, s30, s9, $0x38;
	[tilespmem:$0x14000] =	vst v63  }
0x226: {  	_ =	swait.ge [sflag:s7], $0x2000  }
0x227: {  	s6 =	rddreg [dreg:$0x14]  }
0x228: {  	[sflag:s7] =	ssyncset.done $0x0;
	s10 =	sadd.s32 s14, s6  }
0x229: {  	[sflag:s7] =	ssyncadd.s32 $0xFFFFE000;
	s10 =	sadd.s32 $0xFFFFFF80, s10  }
0x22a: {  	[hbm4b:s10+s9] =	stream.strided.scatter [tilespmem:s2], [sflag:$0x10], $0x2000, s30, s9, $0x38;
	[tilespmem:$0x14000] =	vst v63  }
0x22b: {  	_ =	swait.ge [sflag:s8], $0x2000  }
0x22c: {  	p0 =	sne.s32 s14, $0xD00;
	s23 =	sadd.s32 s14, s24;
	[sflag:s8] =	ssyncset.done $0x0  }
.Ltmp3:
0x22d: {  	s10 =	sadd.s32 $0xFFFFFF80, s23;
	[sflag:s8] =	ssyncadd.s32 $0xFFFFE000;
	(pc) =	sbr.rel @!p0 .LBB2_5-.Ltmp3, $4  }
0x22e: {  	[hbm4b:s10+s9] =	stream.strided.scatter [tilespmem:s5], [sflag:$0x11], $0x2000, s30, s9, $0x38;
	[tilespmem:$0x14000] =	vst v63  }
0x22f: {  	_ =	swait.ge [sflag:s4], $0x2000  }
0x230: {  	[sflag:s4] =	ssyncset.done $0x0  }
0x231: {  	[sflag:s4] =	ssyncadd.s32 $0xFFFFE000  }
0x232: {  	s10 =	sand.u32 $0x7000, s15;
	s23 =	sand.u32 $0x380, s14  }
0x233: {  	s28 =	simm.s32 $0x4000;
	s10 =	sor.u32 s23, s10  }
0x234: {  	[tilespmem:s28], [sflag:$0x2] =	stream.indirect.gather [hbm4b:s1+s13], $0x80, s10, s13, $0xb8;
	[tilespmem:$0x14000] =	vst v63  }
0x235: {  	_ =	swait.ge [sflag:s16], $0x2000  }
0x236: {  	[sflag:s16] =	ssyncset.done $0x0  }
0x237: {  	s28 =	simm.s32 $0x6000;
	s23 =	sor.u32 $0x40, s10;
	[sflag:s16] =	ssyncadd.s32 $0xFFFFE000  }
0x238: {  	[tilespmem:s28], [sflag:$0x3] =	stream.indirect.gather [hbm4b:s1+s13], $0x80, s23, s13, $0xb8;
	[tilespmem:$0x14000] =	vst v63  }
0x239: {  	_ =	swait.ge [sflag:s17], $0x2000  }
0x23a: {  	[sflag:s17] =	ssyncset.done $0x0  }
0x23b: {  	s6 =	sor.u32 $0x400, s10;
	[sflag:s17] =	ssyncadd.s32 $0xFFFFE000  }
0x23c: {  	[tilespmem:s11], [sflag:$0x4] =	stream.indirect.gather [hbm4b:s1+s13], $0x80, s6, s13, $0xb8;
	[tilespmem:$0x14000] =	vst v63  }
0x23d: {  	_ =	swait.ge [sflag:s18], $0x2000  }
0x23e: {  	[sflag:s18] =	ssyncset.done $0x0  }
0x23f: {  	s6 =	sor.u32 $0x440, s10;
	[sflag:s18] =	ssyncadd.s32 $0xFFFFE000  }
0x240: {  	[tilespmem:s29], [sflag:$0x5] =	stream.indirect.gather [hbm4b:s1+s13], $0x80, s6, s13, $0xb8;
	[tilespmem:$0x14000] =	vst v63  }
0x241: {  	_ =	swait.ge [sflag:s19], $0x2000  }
0x242: {  	[sflag:s19] =	ssyncset.done $0x0  }
0x243: {  	s6 =	sor.u32 $0x800, s10;
	[sflag:s19] =	ssyncadd.s32 $0xFFFFE000  }
0x244: {  	[tilespmem:s31], [sflag:$0x6] =	stream.indirect.gather [hbm4b:s1+s13], $0x80, s6, s13, $0xb8;
	[tilespmem:$0x14000] =	vst v63  }
0x245: {  	_ =	swait.ge [sflag:s20], $0x2000  }
0x246: {  	[sflag:s20] =	ssyncset.done $0x0  }
0x247: {  	s6 =	sor.u32 $0x840, s10;
	[sflag:s20] =	ssyncadd.s32 $0xFFFFE000  }
0x248: {  	[tilespmem:s0], [sflag:$0x7] =	stream.indirect.gather [hbm4b:s1+s13], $0x80, s6, s13, $0xb8;
	[tilespmem:$0x14000] =	vst v63  }
0x249: {  	_ =	swait.ge [sflag:s21], $0x2000  }
0x24a: {  	s14 =	sadd.s32 $0x80, s14;
	[sflag:s21] =	ssyncset.done $0x0  }
0x24b: {  	p0 =	sne.s32 s14, $0xD80;
	s6 =	sor.u32 $0xC00, s10;
	[sflag:s21] =	ssyncadd.s32 $0xFFFFE000  }
0x24c: {  	[tilespmem:s2], [sflag:$0x8] =	stream.indirect.gather [hbm4b:s1+s13], $0x80, s6, s13, $0xb8;
	[tilespmem:$0x14000] =	vst v63  }
.Ltmp4:
0x24d: {  	_ = 	snop;
	(pc) =	sbr.rel @p0 .LBB2_4-.Ltmp4, $4  }
.Ltmp5:
0x24e: {  	_ =	swait.ge [sflag:s22], $0x2000;
	(pc) =	sbr.rel @!p0 .LBB2_7-.Ltmp5, $4  }
0x24f: {  	s5 =	simm.s32 $0x12000;
	s15 =	sadd.s32 $0x200, s15;
	[sflag:s22] =	ssyncset.done $0x0  }
0x250: {  	s23 =	simm.s32 $0x4000;
	s10 =	sor.u32 $0xC40, s10;
	[sflag:s22] =	ssyncadd.s32 $0xFFFFE000  }
0x251: {  	[tilespmem:s5], [sflag:$0x9] =	stream.indirect.gather [hbm4b:s1+s13], $0x80, s10, s13, $0xb8;
	[tilespmem:$0x14000] =	vst v63  }
0x252: {  	_ = 	snop  }
.LBB2_8:
0x253: {  	_ =	sfence.sel $0x180000  }
0x254: {  	[bflag:$0x0] =	sbarrier.arrive $0xFFFF  }
0x255: {  	_ =	strace $0x90000047  }
0x256: {  	s0 =	stileid.u32;
	[bflag:$0x2] =	sbarrier.arrive $0xFFFF  }
0x257: {  	p0 =	sne.s32 s0, $0x0;
	s0 =	rddreg [dreg:$0x3]  }
0x258: {  	s0 =	sadd.s32 @!p0 $0x100000, s0  }
0x259: {  	[sflag:s0] =	ssyncadd.tile.s32 @!p0 $0x1;
	_ =	shalt  }
.Lfunc_end2:
_tile_overlayer_lowered:
.L_overlay_start_2:
0x25a: {  	(tag) =	ssettag $0x2  }
0x25b: {  	s0 =	rddreg [dreg:$0x0];
	s2 =	stileid.u32  }
0x25c: {  	s1 =	rddreg [dreg:$0x1];
	p0 =	sne.s32 s2, $0x0  }
0x25d: {  	s3 =	rddreg [dreg:$0x2];
	[bflag:$0x3] =	sbarrier.arrive $0xFFFF;
	s2 =	simm.s32 @!p0 $0x1C12  }
0x25e: {  	[timem:s3], [sflag:s2] =	dma.local @!p0 [hbm:s0], s1  }
0x25f: {  	s0 =	simm.s32 @!p0 $0x12  }
0x260: {  	_ =	swait.ge @!p0 [sflag:s0], s1  }
0x261: {  	s1 =	ssub.s32 @!p0 $0x0, s1;
	[sflag:s0] =	ssyncset.done @!p0 $0x0  }
0x262: {  	[sflag:s0] =	ssyncadd.s32 @!p0 s1  }
0x263: {  	[bflag:$0x3] =	sbarrier.arrive $0xFFFF  }
0x264: {  	_ =	shalt  }

</sc_bundles>
